<compile_context>
chip_gen: v7x
topology: tpu7x:2x2x1
jax: 0.10.2.dev20260603
libtpu: 0.0.44.dev20260713+nightly
codegen_flags: <defaults>
</compile_context>

<pallas_src>
import functools

import jax
import jax.numpy as jnp
from jax import lax
from jax.experimental import pallas as pl
from jax.experimental.pallas import tpu as pltpu
from jax.experimental.pallas import tpu_sc as plsc

B = 16384; F = 26; NI = 4; H = 50; V = 100000; D = 16
L1 = 300; L2 = 300; L3 = 300
NC, NS = 2, 16
NW = NC * NS
LANES = 16

_SC_PARAMS = pltpu.CompilerParams(
    needs_layout_passes=False, use_tc_tiling_on_sc=False)

RP_A = (B * F) // NW
CH_A = 512
NCH_A = RP_A // CH_A


def _sc_gather_a(w2f, w1f, gidx, xvf):
    mesh = plsc.VectorSubcoreMesh(core_axis_name="c", subcore_axis_name="s")

    @functools.partial(
        pl.kernel,
        out_type=(
            jax.ShapeDtypeStruct((B * F, D), jnp.float32),
            jax.ShapeDtypeStruct((B * F,), jnp.float32),
        ),
        mesh=mesh,
        compiler_params=pltpu.CompilerParams(
            needs_layout_passes=False, use_tc_tiling_on_sc=False),
        scratch_types=[
            pltpu.VMEM((CH_A,), jnp.int32),
            pltpu.VMEM((CH_A,), jnp.float32),
            pltpu.VMEM((CH_A, D), jnp.float32),
            pltpu.VMEM((CH_A,), jnp.float32),
            pltpu.SemaphoreType.DMA,
            pltpu.SemaphoreType.DMA,
        ],
    )
    def k(w2f_h, w1f_h, gidx_h, xvf_h, e2_o, e1_o, idx_v, xv_v, rows_v, vals_v, sem1, sem2):
        wid = lax.axis_index("s") * NC + lax.axis_index("c")
        p0 = wid * RP_A

        def chunk(c, _):
            p = p0 + c * CH_A
            pltpu.sync_copy(gidx_h.at[pl.ds(p, CH_A)], idx_v)
            pltpu.sync_copy(xvf_h.at[pl.ds(p, CH_A)], xv_v)
            cp1 = pltpu.async_copy(w2f_h.at[idx_v], rows_v, sem1)
            cp2 = pltpu.async_copy(w1f_h.at[idx_v], vals_v, sem2)
            cp1.wait()
            cp2.wait()

            def srow(jj, _):
                g = jj * LANES
                xvg = xv_v[pl.ds(g, LANES)]
                for kk in range(LANES):
                    rows_v[g + kk, :] = rows_v[g + kk, :] * xvg[kk]
                return 0

            lax.fori_loop(0, CH_A // LANES, srow, 0)

            def sval(q, _):
                sl = pl.ds(q * LANES, LANES)
                vals_v[sl] = vals_v[sl] * xv_v[sl]
                return 0

            lax.fori_loop(0, CH_A // LANES, sval, 0)
            pltpu.sync_copy(rows_v, e2_o.at[pl.ds(p, CH_A), :])
            pltpu.sync_copy(vals_v, e1_o.at[pl.ds(p, CH_A)])
            return 0

        lax.fori_loop(0, NCH_A, chunk, 0)

    return k(w2f, w1f, gidx, xvf)


WPI = NW // NI
BPW = B // WPI
SB = 16
NBLK = BPW // SB
NPAIR = NBLK // 2
SLAB = SB * NI * H


def _sc_segsum_b(wi2f, wi1f, xflat):
    mesh = plsc.VectorSubcoreMesh(core_axis_name="c", subcore_axis_name="s")

    @functools.partial(
        pl.kernel,
        out_type=(
            jax.ShapeDtypeStruct((NI * B, D), jnp.float32),
            jax.ShapeDtypeStruct((NI * B,), jnp.float32),
        ),
        mesh=mesh,
        compiler_params=_SC_PARAMS,
        scratch_types=[
            pltpu.VMEM((V,), jnp.float32),
            pltpu.VMEM((SLAB,), jnp.int32),
            pltpu.VMEM((SB * H,), jnp.int32),
            pltpu.VMEM((SB * H,), jnp.int32),
            pltpu.VMEM((SB * H, D), jnp.float32),
            pltpu.VMEM((SB * H, D), jnp.float32),
            pltpu.VMEM((SB, D), jnp.float32),
            pltpu.VMEM((SB,), jnp.float32),
            pltpu.VMEM((1, D), jnp.float32),
            pltpu.SemaphoreType.DMA,
            pltpu.SemaphoreType.DMA,
            pltpu.SemaphoreType.DMA,
        ],
    )
    def k(wi2f_h, wi1f_h, xf_h, ei2_o, ei1_o,
          wtab, slab, gixvA, gixvB, rowsA, rowsB, ei2b, ei1b, prow,
          semgA, semgB, sems):
        wid = lax.axis_index("s") * NC + lax.axis_index("c")
        i = wid // WPI
        b0 = (wid % WPI) * BPW
        iV = i * V
        pltpu.sync_copy(wi1f_h.at[pl.ds(iV, V)], wtab)
        pltpu.sync_copy(wi2f_h.at[pl.ds(iV + V - 1, 1), :], prow)
        posb = lax.iota(jnp.int32, LANES) * (NI * H) + i * H
        zero = jnp.zeros((LANES,), jnp.float32)
        gixv_ = (gixvA, gixvB)
        rows_ = (rowsA, rowsB)
        semg_ = (semgA, semgB)

        def slab_start(kb):
            kc = jnp.minimum(kb, NBLK - 1)
            src = xf_h.at[pl.ds((b0 + kc * SB) * NI * H, SLAB)]
            return pltpu.async_copy(src, slab, sems)

        def slab_wait():
            pltpu.make_async_copy(xf_h.at[pl.ds(0, SLAB)], slab, sems).wait()

        def fused_pass(par):
            gixv = gixv_[par]

            def hstep(h, carry):
                acc, pcnt = carry
                xv = plsc.load_gather(slab, [posb + h])
                gixv[pl.ds(h * LANES, LANES)] = xv + iV
                m = xv == (V - 1)
                val = plsc.load_gather(wtab, [xv])
                acc = acc + jnp.where(m, 0.0, val)
                pcnt = pcnt + jnp.where(m, 1.0, 0.0)
                return acc, pcnt

            return lax.fori_loop(0, H, hstep, (zero, zero))

        def gather_start(par):
            return pltpu.async_copy(
                wi2f_h.at[gixv_[par]], rows_[par], semg_[par])

        def gather_wait(par):
            pltpu.make_async_copy(
                wi2f_h.at[gixv_[par]], rows_[par], semg_[par]).wait()

        def finish_block(kb, par, acc1, pcnt):
            rows = rows_[par]

            def hstep2(h, accs):
                return tuple(
                    accs[s2] + rows[h * LANES + s2, :] for s2 in range(SB))

            accs = lax.fori_loop(
                0, H, hstep2,
                tuple(jnp.zeros((D,), jnp.float32) for _ in range(SB)))
            pr = prow[0, :]
            for s2 in range(SB):
                ei2b[s2, :] = accs[s2] - pcnt[s2] * pr
            ei1b[:] = acc1
            ob = i * B + b0 + kb * SB
            pltpu.sync_copy(ei2b, ei2_o.at[pl.ds(ob, SB), :])
            pltpu.sync_copy(ei1b, ei1_o.at[pl.ds(ob, SB)])

        slab_start(0).wait()

        def pair(it, _):
            kb0 = it * 2
            accA, pcntA = fused_pass(0)
            gather_start(0)
            slab_start(kb0 + 1)
            slab_wait()
            accB, pcntB = fused_pass(1)
            gather_start(1)
            slab_start(kb0 + 2)
            gather_wait(0)
            finish_block(kb0, 0, accA, pcntA)
            gather_wait(1)
            finish_block(kb0 + 1, 1, accB, pcntB)
            slab_wait()
            return 0

        lax.fori_loop(0, NPAIR, pair, 0)

    return k(wi2f, wi1f, xflat)


BT = 512
GT = B // BT


def _k1a_body(e2_ref, W1_ref, b1_ref, M_ref,
              h1_ref, sp_ref, ssp_ref, fmv_ref, fmss_ref):
    x = e2_ref[...]
    h = jnp.dot(x, W1_ref[...], preferred_element_type=jnp.float32) + b1_ref[...]
    h1_ref[...] = h
    sp_ref[0, 0, :] = jnp.sum(h, 0)
    ssp_ref[0, 0, :] = jnp.sum(h * h, 0)
    Mm = M_ref[...]
    fmv_ref[...] = jnp.dot(x, Mm, preferred_element_type=jnp.float32)
    fmss_ref[...] = jnp.dot(x * x, Mm, preferred_element_type=jnp.float32)


def _kmid_body(h_ref, sp_ref, ssp_ref, g_ref, be_ref, W_ref, b_ref,
               out_ref, sp2_ref, ssp2_ref):
    s = jnp.sum(sp_ref[...], (0, 1))
    ss = jnp.sum(ssp_ref[...], (0, 1))
    m = s * (1.0 / B)
    v = ss * (1.0 / B) - m * m
    sc = g_ref[0, :] * lax.rsqrt(v + 1e-5)
    off = be_ref[0, :] - m * sc
    hin = jnp.maximum(h_ref[...] * sc + off, 0.0)
    h2 = jnp.dot(hin, W_ref[...], preferred_element_type=jnp.float32) + b_ref[...]
    out_ref[...] = h2
    sp2_ref[0, 0, :] = jnp.sum(h2, 0)
    ssp2_ref[0, 0, :] = jnp.sum(h2 * h2, 0)


def _k4_body(h_ref, sp_ref, ssp_ref, g_ref, be_ref,
             fmv_ref, fmss_ref, ei2_ref, ei1_ref, e1_ref, bias_ref, out_ref):
    s = jnp.sum(sp_ref[...], (0, 1))
    ss = jnp.sum(ssp_ref[...], (0, 1))
    m = s * (1.0 / B)
    v = ss * (1.0 / B) - m * m
    sc = g_ref[0, :] * lax.rsqrt(v + 1e-5)
    off = be_ref[0, :] - m * sc
    hin = jnp.maximum(h_ref[...] * sc + off, 0.0)
    ei2 = ei2_ref[...]
    s_tot = fmv_ref[...] + jnp.sum(ei2, 0)
    sq_tot = fmss_ref[...] + jnp.sum(ei2 * ei2, 0)
    fm2 = 0.5 * (s_tot * s_tot - sq_tot)
    out_ref[0, 0, :] = (jnp.sum(hin, 1) + jnp.sum(fm2, 1)
                        + jnp.sum(e1_ref[...], 1) + jnp.sum(ei1_ref[...], 0)
                        + bias_ref[0, 0])


def _row(shape):
    return pl.BlockSpec(shape, lambda t: (t,) + (0,) * (len(shape) - 1))


def _full(shape):
    return pl.BlockSpec(shape, lambda t: tuple(0 for _ in shape))


def kernel(Xi, Xv, X_interest, w1, wi1, w2, wi2, bias, W1, b1, g1, be1,
           W2, b2, g2, be2, W3, b3, g3, be3):
    idx = Xi[:, :, 0].astype(jnp.int32)
    gidx_e = (idx + (jnp.arange(F, dtype=jnp.int32) * V)[None, :]).reshape(B * F)
    xvf = Xv.reshape(B * F)
    w2f = w2.reshape(F * V, D)
    w1f = w1.reshape(F * V)
    wi2f = wi2.reshape(NI * V, D)
    wi1f = wi1.reshape(NI * V)
    xflat = X_interest.astype(jnp.int32).reshape(B * NI * H)

    e2s, e1s = _sc_gather_a(w2f, w1f, gidx_e, xvf)
    ei2f, ei1f = _sc_segsum_b(wi2f, wi1f, xflat)

    e2m = e2s.reshape(B, F * D)
    e1m = e1s.reshape(B, F)
    ei2_3 = ei2f.reshape(NI, B, D)
    ei1_2 = ei1f.reshape(NI, B)
    Mmat = (jnp.arange(F * D, dtype=jnp.int32)[:, None] % D
            == jnp.arange(D, dtype=jnp.int32)[None, :]).astype(jnp.float32)

    f32 = jnp.float32
    h1, sp1, ssp1, fmv, fmss = pl.pallas_call(
        _k1a_body,
        grid=(GT,),
        in_specs=[
            _row((BT, F * D)),
            _full((F * D, L1)),
            _full((1, L1)),
            _full((F * D, D)),
        ],
        out_specs=[
            _row((BT, L1)),
            pl.BlockSpec((1, 1, L1), lambda t: (t, 0, 0)),
            pl.BlockSpec((1, 1, L1), lambda t: (t, 0, 0)),
            _row((BT, D)),
            _row((BT, D)),
        ],
        out_shape=[
            jax.ShapeDtypeStruct((B, L1), f32),
            jax.ShapeDtypeStruct((GT, 1, L1), f32),
            jax.ShapeDtypeStruct((GT, 1, L1), f32),
            jax.ShapeDtypeStruct((B, D), f32),
            jax.ShapeDtypeStruct((B, D), f32),
        ],
    )(e2m, W1, b1.reshape(1, L1), Mmat)

    def mid(h, sp, ssp, g, be, W, b, L):
        return pl.pallas_call(
            _kmid_body,
            grid=(GT,),
            in_specs=[
                _row((BT, L)), _full((GT, 1, L)), _full((GT, 1, L)),
                _full((1, L)), _full((1, L)), _full((L, L)), _full((1, L)),
            ],
            out_specs=[
                _row((BT, L)),
                pl.BlockSpec((1, 1, L), lambda t: (t, 0, 0)),
                pl.BlockSpec((1, 1, L), lambda t: (t, 0, 0)),
            ],
            out_shape=[
                jax.ShapeDtypeStruct((B, L), f32),
                jax.ShapeDtypeStruct((GT, 1, L), f32),
                jax.ShapeDtypeStruct((GT, 1, L), f32),
            ],
        )(h, sp, ssp, g.reshape(1, L), be.reshape(1, L), W, b.reshape(1, L))

    h2, sp2, ssp2 = mid(h1, sp1, ssp1, g1, be1, W2, b2, L1)
    h3, sp3, ssp3 = mid(h2, sp2, ssp2, g2, be2, W3, b3, L2)

    tot = pl.pallas_call(
        _k4_body,
        grid=(GT,),
        in_specs=[
            _row((BT, L3)), _full((GT, 1, L3)), _full((GT, 1, L3)),
            _full((1, L3)), _full((1, L3)),
            _row((BT, D)), _row((BT, D)),
            pl.BlockSpec((NI, BT, D), lambda t: (0, t, 0)),
            pl.BlockSpec((NI, BT), lambda t: (0, t)),
            _row((BT, F)),
            _full((1, 1)),
        ],
        out_specs=pl.BlockSpec((1, 1, BT), lambda t: (t, 0, 0)),
        out_shape=jax.ShapeDtypeStruct((GT, 1, BT), f32),
    )(h3, sp3, ssp3, g3.reshape(1, L3), be3.reshape(1, L3),
      fmv, fmss, ei2_3, ei1_2, e1m, bias.reshape(1, 1))

    return tot.reshape(B)

# --- scband reference (transcript-rebuilt; emitter-appended) ---
"""Pipeline reference for scband-deep-fm-8229157339191 (READ-ONLY COPY).

The authoritative reference and input builder live on the scoring server;
editing this copy changes nothing except your own understanding.
"""

import jax, jax.numpy as jnp
import numpy as np

B = 16384; F = 26; NI = 4; H = 50; V = 100000; D = 16
L1 = 300; L2 = 300; L3 = 300


def setup_inputs(seed: int = 0) -> dict:
    key = jax.random.key(seed)
    ks = jax.random.split(key, 16)
    Xi = jax.random.randint(ks[0], (B, F, 1), 0, V)
    Xv = jax.random.uniform(ks[1], (B, F), dtype=jnp.float32)
    X_interest = jax.random.randint(ks[2], (B, NI, H), 0, V)
    w1 = jax.random.normal(ks[3], (F, V, 1), dtype=jnp.float32) * 0.01
    wi1 = jax.random.normal(ks[4], (NI, V, 1), dtype=jnp.float32) * 0.01
    w2 = jax.random.normal(ks[5], (F, V, D), dtype=jnp.float32) * 0.01
    wi2 = jax.random.normal(ks[6], (NI, V, D), dtype=jnp.float32) * 0.01
    bias = jax.random.normal(ks[7], (1,), dtype=jnp.float32)
    W1 = jax.random.normal(ks[8], (F * D, L1), dtype=jnp.float32) * (1.0 / np.sqrt(F * D))
    b1 = jnp.zeros((L1,), jnp.float32); g1 = jnp.ones((L1,), jnp.float32); be1 = jnp.zeros((L1,), jnp.float32)
    W2 = jax.random.normal(ks[9], (L1, L2), dtype=jnp.float32) * (1.0 / np.sqrt(L1))
    b2 = jnp.zeros((L2,), jnp.float32); g2 = jnp.ones((L2,), jnp.float32); be2 = jnp.zeros((L2,), jnp.float32)
    W3 = jax.random.normal(ks[10], (L2, L3), dtype=jnp.float32) * (1.0 / np.sqrt(L2))
    b3 = jnp.zeros((L3,), jnp.float32); g3 = jnp.ones((L3,), jnp.float32); be3 = jnp.zeros((L3,), jnp.float32)
    return {"Xi": Xi, "Xv": Xv, "X_interest": X_interest, "w1": w1, "wi1": wi1,
            "w2": w2, "wi2": wi2, "bias": bias,
            "W1": W1, "b1": b1, "g1": g1, "be1": be1,
            "W2": W2, "b2": b2, "g2": g2, "be2": be2,
            "W3": W3, "b3": b3, "g3": g3, "be3": be3}


def _bn(x, g, b):
    m = jnp.mean(x, axis=0)
    v = jnp.var(x, axis=0)
    return g * (x - m) / jnp.sqrt(v + 1e-5) + b


def reference(Xi, Xv, X_interest, w1, wi1, w2, wi2, bias, W1, b1, g1, be1, W2, b2, g2, be2, W3, b3, g3, be3):
    idx = Xi[:, :, 0]                              # [B, F]
    f_ar = jnp.arange(F)[None, :]
    i_ar = jnp.arange(NI)[None, :, None]
    # fm first order: per-field 1-dim embedding lookup scaled by value
    e1 = w1[f_ar, idx][:, :, 0] * Xv               # [B, F]
    # interest fields: padding_idx = V-1 -> masked to zero, summed over history
    mask = (X_interest != V - 1).astype(jnp.float32)[..., None]   # [B, NI, H, 1]
    ei1 = jnp.sum(wi1[i_ar, X_interest] * mask, axis=2)[:, :, 0]  # [B, NI]
    fm_first = jnp.concatenate([e1, ei1], axis=1)                 # [B, F+NI]
    # fm second order embeddings
    e2 = w2[f_ar, idx] * Xv[:, :, None]            # [B, F, D]
    ei2 = jnp.sum(wi2[i_ar, X_interest] * mask, axis=2)           # [B, NI, D]
    all2 = jnp.concatenate([e2, ei2], axis=1)      # [B, F+NI, D]
    s = jnp.sum(all2, axis=1)
    fm_second = 0.5 * (s * s - jnp.sum(all2 * all2, axis=1))      # [B, D]
    # deep part on main-field second order embeddings (dropout treated as eval/identity)
    x = e2.reshape(B, F * D)
    x = jax.nn.relu(_bn(x @ W1 + b1, g1, be1))
    x = jax.nn.relu(_bn(x @ W2 + b2, g2, be2))
    x = jax.nn.relu(_bn(x @ W3 + b3, g3, be3))
    total = jnp.sum(fm_first, axis=1) + jnp.sum(fm_second, axis=1) + jnp.sum(x, axis=1) + bias[0]
    return total

if __name__ == "__main__":
    import jax
    _d = setup_inputs()
    print(jax.jit(kernel)(*tuple(_d.values())))

</pallas_src>

<mosaic_0001>
#map = affine_map<(d0, d1) -> (0, 0)>
#map1 = affine_map<(d0, d1) -> (0)>
module attributes {stable_mosaic.version = 14 : i64} {
  func.func @k(%arg0: i32, %arg1: i32, %arg2: memref<400000x16xf32, #tpu.memory_space<hbm>>, %arg3: memref<400000xf32, #tpu.memory_space<hbm>>, %arg4: memref<3276800xi32, #tpu.memory_space<hbm>>, %arg5: memref<65536x16xf32, #tpu.memory_space<hbm>>, %arg6: memref<65536xf32, #tpu.memory_space<hbm>>, %arg7: memref<100000xf32, #tpu.memory_space<vmem>>, %arg8: memref<3200xi32, #tpu.memory_space<vmem>>, %arg9: memref<800xi32, #tpu.memory_space<vmem>>, %arg10: memref<800xi32, #tpu.memory_space<vmem>>, %arg11: memref<800x16xf32, #tpu.memory_space<vmem>>, %arg12: memref<800x16xf32, #tpu.memory_space<vmem>>, %arg13: memref<16x16xf32, #tpu.memory_space<vmem>>, %arg14: memref<16xf32, #tpu.memory_space<vmem>>, %arg15: memref<1x16xf32, #tpu.memory_space<vmem>>, %arg16: memref<!tpu.dma_semaphore, #tpu.memory_space<semaphore_mem>>, %arg17: memref<!tpu.dma_semaphore, #tpu.memory_space<semaphore_mem>>, %arg18: memref<!tpu.dma_semaphore, #tpu.memory_space<semaphore_mem>>) attributes {dimension_semantics = [#tpu.dimension_semantics<core_parallel>, #tpu.dimension_semantics<subcore_parallel>], iteration_bounds = array<i64: 2, 16>, scalar_prefetch = 0 : i64, scratch_operands = 12 : i64, tpu.core_type = #tpu.core_type<sc_vector_subcore>, window_params = [{transform_indices = #map}, {transform_indices = #map1}, {transform_indices = #map1}, {transform_indices = #map}, {transform_indices = #map1}]} {
    %mul3A = arith.constant 2 : i32
    %mul3A_0 = arith.muli %arg1, %mul3A : i32
    %add3A = arith.addi %mul3A_0, %arg0 : i32
    %jit3A = arith.constant 8 : i32
    %div3A = arith.divsi %add3A, %jit3A : i32
    %sign3A = arith.constant 0 : i32
    %sign3A_1 = arith.cmpi sgt, %add3A, %sign3A : i32
    %sign3A_2 = arith.extui %sign3A_1 : i1 to i32
    %sign3A_3 = arith.constant 0 : i32
    %sign3A_4 = arith.cmpi slt, %add3A, %sign3A_3 : i32
    %sign3A_5 = arith.extui %sign3A_4 : i1 to i32
    %sign3A_6 = arith.subi %sign3A_2, %sign3A_5 : i32
    %sign3A_7 = arith.constant 0 : i32
    %sign3A_8 = arith.cmpi sgt, %jit3A, %sign3A_7 : i32
    %sign3A_9 = arith.extui %sign3A_8 : i1 to i32
    %sign3A_10 = arith.constant 0 : i32
    %sign3A_11 = arith.cmpi slt, %jit3A, %sign3A_10 : i32
    %sign3A_12 = arith.extui %sign3A_11 : i1 to i32
    %sign3A_13 = arith.subi %sign3A_9, %sign3A_12 : i32
    %ne3A = arith.cmpi ne, %sign3A_6, %sign3A_13 : i32
    %rem3A = arith.remsi %add3A, %jit3A : i32
    %ne3A_14 = arith.constant 0 : i32
    %ne3A_15 = arith.cmpi ne, %rem3A, %ne3A_14 : i32
    %and3A = arith.andi %ne3A, %ne3A_15 : i1
    %sub3A = arith.constant 1 : i32
    %sub3A_16 = arith.subi %div3A, %sub3A : i32
    %select_n3A = arith.select %and3A, %sub3A_16, %div3A : i32
    %jit3A_17 = arith.constant 8 : i32
    %eq3A = arith.constant 0 : i32
    %eq3A_18 = arith.cmpi eq, %jit3A_17, %eq3A : i32
    %jit3A_19 = arith.constant 1 : i32
    %select_n3A_20 = arith.select %eq3A_18, %jit3A_19, %jit3A_17 : i32
    %rem3A_21 = arith.remsi %add3A, %select_n3A_20 : i32
    %ne3A_22 = arith.constant 0 : i32
    %ne3A_23 = arith.cmpi ne, %rem3A_21, %ne3A_22 : i32
    %lt3A = arith.constant 0 : i32
    %lt3A_24 = arith.cmpi slt, %rem3A_21, %lt3A : i32
    %lt3A_25 = arith.constant 0 : i32
    %lt3A_26 = arith.cmpi slt, %select_n3A_20, %lt3A_25 : i32
    %ne3A_27 = arith.xori %lt3A_24, %lt3A_26 : i1
    %and3A_28 = arith.andi %ne3A_27, %ne3A_23 : i1
    %add3A_29 = arith.addi %rem3A_21, %select_n3A_20 : i32
    %select_n3A_30 = arith.select %and3A_28, %add3A_29, %rem3A_21 : i32
    %mul3A_31 = arith.constant 2048 : i32
    %mul3A_32 = arith.muli %select_n3A_30, %mul3A_31 : i32
    %mul3A_33 = arith.constant 100000 : i32
    %mul3A_34 = arith.muli %select_n3A, %mul3A_33 : i32
    "tpu.region"() ({
      %run_scoped3A = tpu.sem_alloc : memref<!tpu.dma_semaphore, #tpu.memory_space<semaphore_mem>>
      %dma_start3A_64 = tpu.memref_slice %arg3[%mul3A_34] : memref<400000xf32, #tpu.memory_space<hbm>> -> memref<100000xf32, #tpu.memory_space<hbm>>
      %dma_start3A_65 = tpu.memref_slice %arg3[%mul3A_34] : memref<400000xf32, #tpu.memory_space<hbm>> -> memref<100000xf32, #tpu.memory_space<hbm>>
      tpu.enqueue_dma source(%dma_start3A_65 : memref<100000xf32, #tpu.memory_space<hbm>>) target(%arg7 : memref<100000xf32, #tpu.memory_space<vmem>>) target_semaphore(%run_scoped3A : memref<!tpu.dma_semaphore, #tpu.memory_space<semaphore_mem>>)
      %dma_wait3A_66 = tpu.memref_slice %arg3[%mul3A_34] : memref<400000xf32, #tpu.memory_space<hbm>> -> memref<100000xf32, #tpu.memory_space<hbm>>
      %dma_wait3A_67 = tpu.memref_slice %arg3[%mul3A_34] : memref<400000xf32, #tpu.memory_space<hbm>> -> memref<100000xf32, #tpu.memory_space<hbm>>
      tpu.wait_dma2 semaphore(%run_scoped3A : memref<!tpu.dma_semaphore, #tpu.memory_space<semaphore_mem>>) src(%dma_wait3A_67 : memref<100000xf32, #tpu.memory_space<hbm>>) dst(%arg7 : memref<100000xf32, #tpu.memory_space<vmem>>)
      tpu.yield
    }) : () -> ()
    %add3A_35 = arith.constant 100000 : i32
    %add3A_36 = arith.addi %mul3A_34, %add3A_35 : i32
    %sub3A_37 = arith.constant 1 : i32
    %sub3A_38 = arith.subi %add3A_36, %sub3A_37 : i32
    "tpu.region"() ({
      %run_scoped3A = tpu.sem_alloc : memref<!tpu.dma_semaphore, #tpu.memory_space<semaphore_mem>>
      %dma_start3A_64 = arith.constant 0 : i32
      %dma_start3A_65 = tpu.memref_slice %arg2[%sub3A_38, %dma_start3A_64] : memref<400000x16xf32, #tpu.memory_space<hbm>> -> memref<1x16xf32, #tpu.memory_space<hbm>>
      %dma_start3A_66 = arith.constant 0 : i32
      %dma_start3A_67 = tpu.memref_slice %arg2[%sub3A_38, %dma_start3A_66] : memref<400000x16xf32, #tpu.memory_space<hbm>> -> memref<1x16xf32, #tpu.memory_space<hbm>>
      tpu.enqueue_dma source(%dma_start3A_67 : memref<1x16xf32, #tpu.memory_space<hbm>>) target(%arg15 : memref<1x16xf32, #tpu.memory_space<vmem>>) target_semaphore(%run_scoped3A : memref<!tpu.dma_semaphore, #tpu.memory_space<semaphore_mem>>)
      %dma_wait3A_68 = arith.constant 0 : i32
      %dma_wait3A_69 = tpu.memref_slice %arg2[%sub3A_38, %dma_wait3A_68] : memref<400000x16xf32, #tpu.memory_space<hbm>> -> memref<1x16xf32, #tpu.memory_space<hbm>>
      %dma_wait3A_70 = arith.constant 0 : i32
      %dma_wait3A_71 = tpu.memref_slice %arg2[%sub3A_38, %dma_wait3A_70] : memref<400000x16xf32, #tpu.memory_space<hbm>> -> memref<1x16xf32, #tpu.memory_space<hbm>>
      tpu.wait_dma2 semaphore(%run_scoped3A : memref<!tpu.dma_semaphore, #tpu.memory_space<semaphore_mem>>) src(%dma_wait3A_71 : memref<1x16xf32, #tpu.memory_space<hbm>>) dst(%arg15 : memref<1x16xf32, #tpu.memory_space<vmem>>)
      tpu.yield
    }) : () -> ()
    %iota3A = tpu.iota {dimensions = array<i32: 0>} : vector<16xi32>
    %mul3A_39 = arith.constant 200 : i32
    %mul3A_40 = vector.broadcast %mul3A_39 : i32 to vector<16xi32>
    %mul3A_41 = arith.muli %iota3A, %mul3A_40 : vector<16xi32>
    %mul3A_42 = arith.constant 50 : i32
    %mul3A_43 = arith.muli %select_n3A, %mul3A_42 : i32
    %add3A_44 = vector.broadcast %mul3A_43 : i32 to vector<16xi32>
    %add3A_45 = arith.addi %mul3A_41, %add3A_44 : vector<16xi32>
    %broadcast_in_dim3A = arith.constant 0.000000e+00 : f32
    %broadcast_in_dim3A_46 = vector.broadcast %broadcast_in_dim3A : f32 to vector<16xf32>
    %min3A = arith.constant 0 : i32
    %min3A_47 = arith.constant 127 : i32
    %min3A_48 = arith.minsi %min3A, %min3A_47 : i32
    %mul3A_49 = arith.constant 16 : i32
    %mul3A_50 = arith.muli %min3A_48, %mul3A_49 : i32
    %add3A_51 = arith.addi %mul3A_32, %mul3A_50 : i32
    %mul3A_52 = arith.constant 4 : i32
    %mul3A_53 = arith.muli %add3A_51, %mul3A_52 : i32
    %mul3A_54 = arith.constant 50 : i32
    %mul3A_55 = arith.muli %mul3A_53, %mul3A_54 : i32
    %dma_start3A = tpu.memref_slice %arg4[%mul3A_55] : memref<3276800xi32, #tpu.memory_space<hbm>> -> memref<3200xi32, #tpu.memory_space<hbm>>
    %dma_start3A_56 = tpu.memref_slice %arg4[%mul3A_55] : memref<3276800xi32, #tpu.memory_space<hbm>> -> memref<3200xi32, #tpu.memory_space<hbm>>
    tpu.enqueue_dma source(%dma_start3A_56 : memref<3200xi32, #tpu.memory_space<hbm>>) target(%arg8 : memref<3200xi32, #tpu.memory_space<vmem>>) target_semaphore(%arg18 : memref<!tpu.dma_semaphore, #tpu.memory_space<semaphore_mem>>)
    %dma_wait3A = tpu.memref_slice %arg4[%mul3A_55] : memref<3276800xi32, #tpu.memory_space<hbm>> -> memref<3200xi32, #tpu.memory_space<hbm>>
    %dma_wait3A_57 = tpu.memref_slice %arg4[%mul3A_55] : memref<3276800xi32, #tpu.memory_space<hbm>> -> memref<3200xi32, #tpu.memory_space<hbm>>
    tpu.wait_dma2 semaphore(%arg18 : memref<!tpu.dma_semaphore, #tpu.memory_space<semaphore_mem>>) src(%dma_wait3A_57 : memref<3200xi32, #tpu.memory_space<hbm>>) dst(%arg8 : memref<3200xi32, #tpu.memory_space<vmem>>)
    %scan3A = arith.constant 0 : i32
    %scan3A_58 = arith.constant 0 : i32
    %scan3A_59 = arith.constant 64 : i32
    %scan3A_60 = arith.addi %scan3A_58, %scan3A_59 : i32
    %scan3A_61 = arith.constant 1 : i32
    %scan3A_62 = scf.for %scan3A_64 = %scan3A_58 to %scan3A_60 step %scan3A_61 iter_args(%scan3A_65 = %scan3A) -> (i32)  : i32 {
      %mul3A_66 = arith.constant 2 : i32
      %mul3A_67 = arith.muli %scan3A_64, %mul3A_66 : i32
      %scan3A_68 = arith.constant 0 : i32
      %scan3A_69 = arith.constant 50 : i32
      %scan3A_70 = arith.addi %scan3A_68, %scan3A_69 : i32
      %scan3A_71 = arith.constant 1 : i32
      %scan3A_72:2 = scf.for %scan3A_513 = %scan3A_68 to %scan3A_70 step %scan3A_71 iter_args(%scan3A_514 = %broadcast_in_dim3A_46, %scan3A_515 = %broadcast_in_dim3A_46) -> (vector<16xf32>, vector<16xf32>)  : i32 {
        %add3A_516 = vector.broadcast %scan3A_513 : i32 to vector<16xi32>
        %add3A_517 = arith.addi %add3A_45, %add3A_516 : vector<16xi32>
        %gather3A = tpu.vector_load_idx %arg8[%add3A_517] : memref<3200xi32, #tpu.memory_space<vmem>>[vector<16xi32>], vector<16xi32>,
        %add3A_518 = vector.broadcast %mul3A_34 : i32 to vector<16xi32>
        %add3A_519 = arith.addi %gather3A, %add3A_518 : vector<16xi32>
        %mul3A_520 = arith.constant 16 : i32
        %mul3A_521 = arith.muli %scan3A_513, %mul3A_520 : i32
        %swap3A_522 = arith.index_cast %mul3A_521 : i32 to index
        %swap3A_523 = tpu.vector_load %arg9[%swap3A_522] {strides = array<i32>} : memref<800xi32, #tpu.memory_space<vmem>>, vector<16xi32>,
        tpu.vector_store %arg9[%swap3A_522], %add3A_519 {strides = array<i32>} : memref<800xi32, #tpu.memory_space<vmem>>, vector<16xi32>,
        %eq3A_524 = arith.constant 99999 : i32
        %eq3A_525 = vector.broadcast %eq3A_524 : i32 to vector<16xi32>
        %eq3A_526 = arith.cmpi eq, %gather3A, %eq3A_525 : vector<16xi32>
        %gather3A_527 = tpu.vector_load_idx %arg7[%gather3A] : memref<100000xf32, #tpu.memory_space<vmem>>[vector<16xi32>], vector<16xf32>,
        %jit3A_528 = arith.constant 0.000000e+00 : f32
        %broadcast_in_dim3A_529 = vector.broadcast %jit3A_528 : f32 to vector<16xf32>
        %select_n3A_530 = arith.select %eq3A_526, %broadcast_in_dim3A_529, %gather3A_527 : vector<16xi1>, vector<16xf32>
        %add3A_531 = arith.addf %scan3A_514, %select_n3A_530 : vector<16xf32>
        %jit3A_532 = arith.constant 1.000000e+00 : f32
        %jit3A_533 = arith.constant 0.000000e+00 : f32
        %broadcast_in_dim3A_534 = vector.broadcast %jit3A_532 : f32 to vector<16xf32>
        %broadcast_in_dim3A_535 = vector.broadcast %jit3A_533 : f32 to vector<16xf32>
        %select_n3A_536 = arith.select %eq3A_526, %broadcast_in_dim3A_534, %broadcast_in_dim3A_535 : vector<16xi1>, vector<16xf32>
        %add3A_537 = arith.addf %scan3A_515, %select_n3A_536 : vector<16xf32>
        scf.yield %add3A_531, %add3A_537 : vector<16xf32>, vector<16xf32>
      }
      %scan3A_73 = arith.constant 50 : i32
      %dma_start3A_74 = arith.constant 0 : i32
      %dma_start3A_75 = arith.constant 0 : i32
      %dma_start3A_76 = tpu.memref_slice %arg2[%dma_start3A_74, %dma_start3A_75] : memref<400000x16xf32, #tpu.memory_space<hbm>> -> memref<400000x16xf32, #tpu.memory_space<hbm>>
      tpu.enqueue_indirect_dma source(%dma_start3A_76 : memref<400000x16xf32, #tpu.memory_space<hbm>>) target(%arg11 : memref<800x16xf32, #tpu.memory_space<vmem>>) offsets(%arg9 : memref<800xi32, #tpu.memory_space<vmem>>) semaphore(%arg16 : memref<!tpu.dma_semaphore, #tpu.memory_space<semaphore_mem>>)
      %add3A_77 = arith.constant 1 : i32
      %add3A_78 = arith.addi %mul3A_67, %add3A_77 : i32
      %min3A_79 = arith.constant 127 : i32
      %min3A_80 = arith.minsi %add3A_78, %min3A_79 : i32
      %mul3A_81 = arith.constant 16 : i32
      %mul3A_82 = arith.muli %min3A_80, %mul3A_81 : i32
      %add3A_83 = arith.addi %mul3A_32, %mul3A_82 : i32
      %mul3A_84 = arith.constant 4 : i32
      %mul3A_85 = arith.muli %add3A_83, %mul3A_84 : i32
      %mul3A_86 = arith.constant 50 : i32
      %mul3A_87 = arith.muli %mul3A_85, %mul3A_86 : i32
      %dma_start3A_88 = tpu.memref_slice %arg4[%mul3A_87] : memref<3276800xi32, #tpu.memory_space<hbm>> -> memref<3200xi32, #tpu.memory_space<hbm>>
      %dma_start3A_89 = tpu.memref_slice %arg4[%mul3A_87] : memref<3276800xi32, #tpu.memory_space<hbm>> -> memref<3200xi32, #tpu.memory_space<hbm>>
      tpu.enqueue_dma source(%dma_start3A_89 : memref<3200xi32, #tpu.memory_space<hbm>>) target(%arg8 : memref<3200xi32, #tpu.memory_space<vmem>>) target_semaphore(%arg18 : memref<!tpu.dma_semaphore, #tpu.memory_space<semaphore_mem>>)
      %dma_wait3A_90 = arith.constant 0 : i32
      %dma_wait3A_91 = tpu.memref_slice %arg4[%dma_wait3A_90] : memref<3276800xi32, #tpu.memory_space<hbm>> -> memref<3200xi32, #tpu.memory_space<hbm>>
      %dma_wait3A_92 = arith.constant 0 : i32
      %dma_wait3A_93 = tpu.memref_slice %arg4[%dma_wait3A_92] : memref<3276800xi32, #tpu.memory_space<hbm>> -> memref<3200xi32, #tpu.memory_space<hbm>>
      tpu.wait_dma2 semaphore(%arg18 : memref<!tpu.dma_semaphore, #tpu.memory_space<semaphore_mem>>) src(%dma_wait3A_93 : memref<3200xi32, #tpu.memory_space<hbm>>) dst(%arg8 : memref<3200xi32, #tpu.memory_space<vmem>>)
      %scan3A_94 = arith.constant 0 : i32
      %scan3A_95 = arith.constant 50 : i32
      %scan3A_96 = arith.addi %scan3A_94, %scan3A_95 : i32
      %scan3A_97 = arith.constant 1 : i32
      %scan3A_98:2 = scf.for %scan3A_513 = %scan3A_94 to %scan3A_96 step %scan3A_97 iter_args(%scan3A_514 = %broadcast_in_dim3A_46, %scan3A_515 = %broadcast_in_dim3A_46) -> (vector<16xf32>, vector<16xf32>)  : i32 {
        %add3A_516 = vector.broadcast %scan3A_513 : i32 to vector<16xi32>
        %add3A_517 = arith.addi %add3A_45, %add3A_516 : vector<16xi32>
        %gather3A = tpu.vector_load_idx %arg8[%add3A_517] : memref<3200xi32, #tpu.memory_space<vmem>>[vector<16xi32>], vector<16xi32>,
        %add3A_518 = vector.broadcast %mul3A_34 : i32 to vector<16xi32>
        %add3A_519 = arith.addi %gather3A, %add3A_518 : vector<16xi32>
        %mul3A_520 = arith.constant 16 : i32
        %mul3A_521 = arith.muli %scan3A_513, %mul3A_520 : i32
        %swap3A_522 = arith.index_cast %mul3A_521 : i32 to index
        %swap3A_523 = tpu.vector_load %arg10[%swap3A_522] {strides = array<i32>} : memref<800xi32, #tpu.memory_space<vmem>>, vector<16xi32>,
        tpu.vector_store %arg10[%swap3A_522], %add3A_519 {strides = array<i32>} : memref<800xi32, #tpu.memory_space<vmem>>, vector<16xi32>,
        %eq3A_524 = arith.constant 99999 : i32
        %eq3A_525 = vector.broadcast %eq3A_524 : i32 to vector<16xi32>
        %eq3A_526 = arith.cmpi eq, %gather3A, %eq3A_525 : vector<16xi32>
        %gather3A_527 = tpu.vector_load_idx %arg7[%gather3A] : memref<100000xf32, #tpu.memory_space<vmem>>[vector<16xi32>], vector<16xf32>,
        %jit3A_528 = arith.constant 0.000000e+00 : f32
        %broadcast_in_dim3A_529 = vector.broadcast %jit3A_528 : f32 to vector<16xf32>
        %select_n3A_530 = arith.select %eq3A_526, %broadcast_in_dim3A_529, %gather3A_527 : vector<16xi1>, vector<16xf32>
        %add3A_531 = arith.addf %scan3A_514, %select_n3A_530 : vector<16xf32>
        %jit3A_532 = arith.constant 1.000000e+00 : f32
        %jit3A_533 = arith.constant 0.000000e+00 : f32
        %broadcast_in_dim3A_534 = vector.broadcast %jit3A_532 : f32 to vector<16xf32>
        %broadcast_in_dim3A_535 = vector.broadcast %jit3A_533 : f32 to vector<16xf32>
        %select_n3A_536 = arith.select %eq3A_526, %broadcast_in_dim3A_534, %broadcast_in_dim3A_535 : vector<16xi1>, vector<16xf32>
        %add3A_537 = arith.addf %scan3A_515, %select_n3A_536 : vector<16xf32>
        scf.yield %add3A_531, %add3A_537 : vector<16xf32>, vector<16xf32>
      }
      %scan3A_99 = arith.constant 50 : i32
      %dma_start3A_100 = arith.constant 0 : i32
      %dma_start3A_101 = arith.constant 0 : i32
      %dma_start3A_102 = tpu.memref_slice %arg2[%dma_start3A_100, %dma_start3A_101] : memref<400000x16xf32, #tpu.memory_space<hbm>> -> memref<400000x16xf32, #tpu.memory_space<hbm>>
      tpu.enqueue_indirect_dma source(%dma_start3A_102 : memref<400000x16xf32, #tpu.memory_space<hbm>>) target(%arg12 : memref<800x16xf32, #tpu.memory_space<vmem>>) offsets(%arg10 : memref<800xi32, #tpu.memory_space<vmem>>) semaphore(%arg17 : memref<!tpu.dma_semaphore, #tpu.memory_space<semaphore_mem>>)
      %add3A_103 = arith.constant 2 : i32
      %add3A_104 = arith.addi %mul3A_67, %add3A_103 : i32
      %min3A_105 = arith.constant 127 : i32
      %min3A_106 = arith.minsi %add3A_104, %min3A_105 : i32
      %mul3A_107 = arith.constant 16 : i32
      %mul3A_108 = arith.muli %min3A_106, %mul3A_107 : i32
      %add3A_109 = arith.addi %mul3A_32, %mul3A_108 : i32
      %mul3A_110 = arith.constant 4 : i32
      %mul3A_111 = arith.muli %add3A_109, %mul3A_110 : i32
      %mul3A_112 = arith.constant 50 : i32
      %mul3A_113 = arith.muli %mul3A_111, %mul3A_112 : i32
      %dma_start3A_114 = tpu.memref_slice %arg4[%mul3A_113] : memref<3276800xi32, #tpu.memory_space<hbm>> -> memref<3200xi32, #tpu.memory_space<hbm>>
      %dma_start3A_115 = tpu.memref_slice %arg4[%mul3A_113] : memref<3276800xi32, #tpu.memory_space<hbm>> -> memref<3200xi32, #tpu.memory_space<hbm>>
      tpu.enqueue_dma source(%dma_start3A_115 : memref<3200xi32, #tpu.memory_space<hbm>>) target(%arg8 : memref<3200xi32, #tpu.memory_space<vmem>>) target_semaphore(%arg18 : memref<!tpu.dma_semaphore, #tpu.memory_space<semaphore_mem>>)
      %dma_wait3A_116 = arith.constant 0 : i32
      %dma_wait3A_117 = arith.constant 0 : i32
      %dma_wait3A_118 = tpu.memref_slice %arg2[%dma_wait3A_116, %dma_wait3A_117] : memref<400000x16xf32, #tpu.memory_space<hbm>> -> memref<400000x16xf32, #tpu.memory_space<hbm>>
      tpu.wait_indirect_dma semaphore(%arg16 : memref<!tpu.dma_semaphore, #tpu.memory_space<semaphore_mem>>) src(%dma_wait3A_118 : memref<400000x16xf32, #tpu.memory_space<hbm>>) dst(%arg11 : memref<800x16xf32, #tpu.memory_space<vmem>>)
      %broadcast_in_dim3A_119 = arith.constant 0.000000e+00 : f32
      %broadcast_in_dim3A_120 = vector.broadcast %broadcast_in_dim3A_119 : f32 to vector<16xf32>
      %broadcast_in_dim3A_121 = arith.constant 0.000000e+00 : f32
      %broadcast_in_dim3A_122 = vector.broadcast %broadcast_in_dim3A_121 : f32 to vector<16xf32>
      %broadcast_in_dim3A_123 = arith.constant 0.000000e+00 : f32
      %broadcast_in_dim3A_124 = vector.broadcast %broadcast_in_dim3A_123 : f32 to vector<16xf32>
      %broadcast_in_dim3A_125 = arith.constant 0.000000e+00 : f32
      %broadcast_in_dim3A_126 = vector.broadcast %broadcast_in_dim3A_125 : f32 to vector<16xf32>
      %broadcast_in_dim3A_127 = arith.constant 0.000000e+00 : f32
      %broadcast_in_dim3A_128 = vector.broadcast %broadcast_in_dim3A_127 : f32 to vector<16xf32>
      %broadcast_in_dim3A_129 = arith.constant 0.000000e+00 : f32
      %broadcast_in_dim3A_130 = vector.broadcast %broadcast_in_dim3A_129 : f32 to vector<16xf32>
      %broadcast_in_dim3A_131 = arith.constant 0.000000e+00 : f32
      %broadcast_in_dim3A_132 = vector.broadcast %broadcast_in_dim3A_131 : f32 to vector<16xf32>
      %broadcast_in_dim3A_133 = arith.constant 0.000000e+00 : f32
      %broadcast_in_dim3A_134 = vector.broadcast %broadcast_in_dim3A_133 : f32 to vector<16xf32>
      %broadcast_in_dim3A_135 = arith.constant 0.000000e+00 : f32
      %broadcast_in_dim3A_136 = vector.broadcast %broadcast_in_dim3A_135 : f32 to vector<16xf32>
      %broadcast_in_dim3A_137 = arith.constant 0.000000e+00 : f32
      %broadcast_in_dim3A_138 = vector.broadcast %broadcast_in_dim3A_137 : f32 to vector<16xf32>
      %broadcast_in_dim3A_139 = arith.constant 0.000000e+00 : f32
      %broadcast_in_dim3A_140 = vector.broadcast %broadcast_in_dim3A_139 : f32 to vector<16xf32>
      %broadcast_in_dim3A_141 = arith.constant 0.000000e+00 : f32
      %broadcast_in_dim3A_142 = vector.broadcast %broadcast_in_dim3A_141 : f32 to vector<16xf32>
      %broadcast_in_dim3A_143 = arith.constant 0.000000e+00 : f32
      %broadcast_in_dim3A_144 = vector.broadcast %broadcast_in_dim3A_143 : f32 to vector<16xf32>
      %broadcast_in_dim3A_145 = arith.constant 0.000000e+00 : f32
      %broadcast_in_dim3A_146 = vector.broadcast %broadcast_in_dim3A_145 : f32 to vector<16xf32>
      %broadcast_in_dim3A_147 = arith.constant 0.000000e+00 : f32
      %broadcast_in_dim3A_148 = vector.broadcast %broadcast_in_dim3A_147 : f32 to vector<16xf32>
      %broadcast_in_dim3A_149 = arith.constant 0.000000e+00 : f32
      %broadcast_in_dim3A_150 = vector.broadcast %broadcast_in_dim3A_149 : f32 to vector<16xf32>
      %scan3A_151 = arith.constant 0 : i32
      %scan3A_152 = arith.constant 50 : i32
      %scan3A_153 = arith.addi %scan3A_151, %scan3A_152 : i32
      %scan3A_154 = arith.constant 1 : i32
      %scan3A_155:16 = scf.for %scan3A_513 = %scan3A_151 to %scan3A_153 step %scan3A_154 iter_args(%scan3A_514 = %broadcast_in_dim3A_120, %scan3A_515 = %broadcast_in_dim3A_122, %scan3A_516 = %broadcast_in_dim3A_124, %scan3A_517 = %broadcast_in_dim3A_126, %scan3A_518 = %broadcast_in_dim3A_128, %scan3A_519 = %broadcast_in_dim3A_130, %scan3A_520 = %broadcast_in_dim3A_132, %scan3A_521 = %broadcast_in_dim3A_134, %scan3A_522 = %broadcast_in_dim3A_136, %scan3A_523 = %broadcast_in_dim3A_138, %scan3A_524 = %broadcast_in_dim3A_140, %scan3A_525 = %broadcast_in_dim3A_142, %scan3A_526 = %broadcast_in_dim3A_144, %scan3A_527 = %broadcast_in_dim3A_146, %scan3A_528 = %broadcast_in_dim3A_148, %scan3A_529 = %broadcast_in_dim3A_150) -> (vector<16xf32>, vector<16xf32>, vector<16xf32>, vector<16xf32>, vector<16xf32>, vector<16xf32>, vector<16xf32>, vector<16xf32>, vector<16xf32>, vector<16xf32>, vector<16xf32>, vector<16xf32>, vector<16xf32>, vector<16xf32>, vector<16xf32>, vector<16xf32>)  : i32 {
        %mul3A_530 = arith.constant 16 : i32
        %mul3A_531 = arith.muli %scan3A_513, %mul3A_530 : i32
        %add3A_532 = arith.constant 0 : i32
        %add3A_533 = arith.addi %mul3A_531, %add3A_532 : i32
        %get3A_534 = arith.index_cast %add3A_533 : i32 to index
        %get3A_535 = arith.constant 0 : index
        %get3A_536 = tpu.vector_load %arg11[%get3A_534, %get3A_535] {strides = array<i32>} : memref<800x16xf32, #tpu.memory_space<vmem>>, vector<16xf32>,
        %add3A_537 = arith.addf %scan3A_514, %get3A_536 : vector<16xf32>
        %mul3A_538 = arith.constant 16 : i32
        %mul3A_539 = arith.muli %scan3A_513, %mul3A_538 : i32
        %add3A_540 = arith.constant 1 : i32
        %add3A_541 = arith.addi %mul3A_539, %add3A_540 : i32
        %get3A_542 = arith.index_cast %add3A_541 : i32 to index
        %get3A_543 = arith.constant 0 : index
        %get3A_544 = tpu.vector_load %arg11[%get3A_542, %get3A_543] {strides = array<i32>} : memref<800x16xf32, #tpu.memory_space<vmem>>, vector<16xf32>,
        %add3A_545 = arith.addf %scan3A_515, %get3A_544 : vector<16xf32>
        %mul3A_546 = arith.constant 16 : i32
        %mul3A_547 = arith.muli %scan3A_513, %mul3A_546 : i32
        %add3A_548 = arith.constant 2 : i32
        %add3A_549 = arith.addi %mul3A_547, %add3A_548 : i32
        %get3A_550 = arith.index_cast %add3A_549 : i32 to index
        %get3A_551 = arith.constant 0 : index
        %get3A_552 = tpu.vector_load %arg11[%get3A_550, %get3A_551] {strides = array<i32>} : memref<800x16xf32, #tpu.memory_space<vmem>>, vector<16xf32>,
        %add3A_553 = arith.addf %scan3A_516, %get3A_552 : vector<16xf32>
        %mul3A_554 = arith.constant 16 : i32
        %mul3A_555 = arith.muli %scan3A_513, %mul3A_554 : i32
        %add3A_556 = arith.constant 3 : i32
        %add3A_557 = arith.addi %mul3A_555, %add3A_556 : i32
        %get3A_558 = arith.index_cast %add3A_557 : i32 to index
        %get3A_559 = arith.constant 0 : index
        %get3A_560 = tpu.vector_load %arg11[%get3A_558, %get3A_559] {strides = array<i32>} : memref<800x16xf32, #tpu.memory_space<vmem>>, vector<16xf32>,
        %add3A_561 = arith.addf %scan3A_517, %get3A_560 : vector<16xf32>
        %mul3A_562 = arith.constant 16 : i32
        %mul3A_563 = arith.muli %scan3A_513, %mul3A_562 : i32
        %add3A_564 = arith.constant 4 : i32
        %add3A_565 = arith.addi %mul3A_563, %add3A_564 : i32
        %get3A_566 = arith.index_cast %add3A_565 : i32 to index
        %get3A_567 = arith.constant 0 : index
        %get3A_568 = tpu.vector_load %arg11[%get3A_566, %get3A_567] {strides = array<i32>} : memref<800x16xf32, #tpu.memory_space<vmem>>, vector<16xf32>,
        %add3A_569 = arith.addf %scan3A_518, %get3A_568 : vector<16xf32>
        %mul3A_570 = arith.constant 16 : i32
        %mul3A_571 = arith.muli %scan3A_513, %mul3A_570 : i32
        %add3A_572 = arith.constant 5 : i32
        %add3A_573 = arith.addi %mul3A_571, %add3A_572 : i32
        %get3A_574 = arith.index_cast %add3A_573 : i32 to index
        %get3A_575 = arith.constant 0 : index
        %get3A_576 = tpu.vector_load %arg11[%get3A_574, %get3A_575] {strides = array<i32>} : memref<800x16xf32, #tpu.memory_space<vmem>>, vector<16xf32>,
        %add3A_577 = arith.addf %scan3A_519, %get3A_576 : vector<16xf32>
        %mul3A_578 = arith.constant 16 : i32
        %mul3A_579 = arith.muli %scan3A_513, %mul3A_578 : i32
        %add3A_580 = arith.constant 6 : i32
        %add3A_581 = arith.addi %mul3A_579, %add3A_580 : i32
        %get3A_582 = arith.index_cast %add3A_581 : i32 to index
        %get3A_583 = arith.constant 0 : index
        %get3A_584 = tpu.vector_load %arg11[%get3A_582, %get3A_583] {strides = array<i32>} : memref<800x16xf32, #tpu.memory_space<vmem>>, vector<16xf32>,
        %add3A_585 = arith.addf %scan3A_520, %get3A_584 : vector<16xf32>
        %mul3A_586 = arith.constant 16 : i32
        %mul3A_587 = arith.muli %scan3A_513, %mul3A_586 : i32
        %add3A_588 = arith.constant 7 : i32
        %add3A_589 = arith.addi %mul3A_587, %add3A_588 : i32
        %get3A_590 = arith.index_cast %add3A_589 : i32 to index
        %get3A_591 = arith.constant 0 : index
        %get3A_592 = tpu.vector_load %arg11[%get3A_590, %get3A_591] {strides = array<i32>} : memref<800x16xf32, #tpu.memory_space<vmem>>, vector<16xf32>,
        %add3A_593 = arith.addf %scan3A_521, %get3A_592 : vector<16xf32>
        %mul3A_594 = arith.constant 16 : i32
        %mul3A_595 = arith.muli %scan3A_513, %mul3A_594 : i32
        %add3A_596 = arith.constant 8 : i32
        %add3A_597 = arith.addi %mul3A_595, %add3A_596 : i32
        %get3A_598 = arith.index_cast %add3A_597 : i32 to index
        %get3A_599 = arith.constant 0 : index
        %get3A_600 = tpu.vector_load %arg11[%get3A_598, %get3A_599] {strides = array<i32>} : memref<800x16xf32, #tpu.memory_space<vmem>>, vector<16xf32>,
        %add3A_601 = arith.addf %scan3A_522, %get3A_600 : vector<16xf32>
        %mul3A_602 = arith.constant 16 : i32
        %mul3A_603 = arith.muli %scan3A_513, %mul3A_602 : i32
        %add3A_604 = arith.constant 9 : i32
        %add3A_605 = arith.addi %mul3A_603, %add3A_604 : i32
        %get3A_606 = arith.index_cast %add3A_605 : i32 to index
        %get3A_607 = arith.constant 0 : index
        %get3A_608 = tpu.vector_load %arg11[%get3A_606, %get3A_607] {strides = array<i32>} : memref<800x16xf32, #tpu.memory_space<vmem>>, vector<16xf32>,
        %add3A_609 = arith.addf %scan3A_523, %get3A_608 : vector<16xf32>
        %mul3A_610 = arith.constant 16 : i32
        %mul3A_611 = arith.muli %scan3A_513, %mul3A_610 : i32
        %add3A_612 = arith.constant 10 : i32
        %add3A_613 = arith.addi %mul3A_611, %add3A_612 : i32
        %get3A_614 = arith.index_cast %add3A_613 : i32 to index
        %get3A_615 = arith.constant 0 : index
        %get3A_616 = tpu.vector_load %arg11[%get3A_614, %get3A_615] {strides = array<i32>} : memref<800x16xf32, #tpu.memory_space<vmem>>, vector<16xf32>,
        %add3A_617 = arith.addf %scan3A_524, %get3A_616 : vector<16xf32>
        %mul3A_618 = arith.constant 16 : i32
        %mul3A_619 = arith.muli %scan3A_513, %mul3A_618 : i32
        %add3A_620 = arith.constant 11 : i32
        %add3A_621 = arith.addi %mul3A_619, %add3A_620 : i32
        %get3A_622 = arith.index_cast %add3A_621 : i32 to index
        %get3A_623 = arith.constant 0 : index
        %get3A_624 = tpu.vector_load %arg11[%get3A_622, %get3A_623] {strides = array<i32>} : memref<800x16xf32, #tpu.memory_space<vmem>>, vector<16xf32>,
        %add3A_625 = arith.addf %scan3A_525, %get3A_624 : vector<16xf32>
        %mul3A_626 = arith.constant 16 : i32
        %mul3A_627 = arith.muli %scan3A_513, %mul3A_626 : i32
        %add3A_628 = arith.constant 12 : i32
        %add3A_629 = arith.addi %mul3A_627, %add3A_628 : i32
        %get3A_630 = arith.index_cast %add3A_629 : i32 to index
        %get3A_631 = arith.constant 0 : index
        %get3A_632 = tpu.vector_load %arg11[%get3A_630, %get3A_631] {strides = array<i32>} : memref<800x16xf32, #tpu.memory_space<vmem>>, vector<16xf32>,
        %add3A_633 = arith.addf %scan3A_526, %get3A_632 : vector<16xf32>
        %mul3A_634 = arith.constant 16 : i32
        %mul3A_635 = arith.muli %scan3A_513, %mul3A_634 : i32
        %add3A_636 = arith.constant 13 : i32
        %add3A_637 = arith.addi %mul3A_635, %add3A_636 : i32
        %get3A_638 = arith.index_cast %add3A_637 : i32 to index
        %get3A_639 = arith.constant 0 : index
        %get3A_640 = tpu.vector_load %arg11[%get3A_638, %get3A_639] {strides = array<i32>} : memref<800x16xf32, #tpu.memory_space<vmem>>, vector<16xf32>,
        %add3A_641 = arith.addf %scan3A_527, %get3A_640 : vector<16xf32>
        %mul3A_642 = arith.constant 16 : i32
        %mul3A_643 = arith.muli %scan3A_513, %mul3A_642 : i32
        %add3A_644 = arith.constant 14 : i32
        %add3A_645 = arith.addi %mul3A_643, %add3A_644 : i32
        %get3A_646 = arith.index_cast %add3A_645 : i32 to index
        %get3A_647 = arith.constant 0 : index
        %get3A_648 = tpu.vector_load %arg11[%get3A_646, %get3A_647] {strides = array<i32>} : memref<800x16xf32, #tpu.memory_space<vmem>>, vector<16xf32>,
        %add3A_649 = arith.addf %scan3A_528, %get3A_648 : vector<16xf32>
        %mul3A_650 = arith.constant 16 : i32
        %mul3A_651 = arith.muli %scan3A_513, %mul3A_650 : i32
        %add3A_652 = arith.constant 15 : i32
        %add3A_653 = arith.addi %mul3A_651, %add3A_652 : i32
        %get3A_654 = arith.index_cast %add3A_653 : i32 to index
        %get3A_655 = arith.constant 0 : index
        %get3A_656 = tpu.vector_load %arg11[%get3A_654, %get3A_655] {strides = array<i32>} : memref<800x16xf32, #tpu.memory_space<vmem>>, vector<16xf32>,
        %add3A_657 = arith.addf %scan3A_529, %get3A_656 : vector<16xf32>
        scf.yield %add3A_537, %add3A_545, %add3A_553, %add3A_561, %add3A_569, %add3A_577, %add3A_585, %add3A_593, %add3A_601, %add3A_609, %add3A_617, %add3A_625, %add3A_633, %add3A_641, %add3A_649, %add3A_657 : vector<16xf32>, vector<16xf32>, vector<16xf32>, vector<16xf32>, vector<16xf32>, vector<16xf32>, vector<16xf32>, vector<16xf32>, vector<16xf32>, vector<16xf32>, vector<16xf32>, vector<16xf32>, vector<16xf32>, vector<16xf32>, vector<16xf32>, vector<16xf32>
      }
      %scan3A_156 = arith.constant 50 : i32
      %get3A = arith.constant 0 : i32
      %get3A_157 = arith.index_cast %get3A : i32 to index
      %get3A_158 = arith.constant 0 : index
      %get3A_159 = tpu.vector_load %arg15[%get3A_157, %get3A_158] {strides = array<i32>} : memref<1x16xf32, #tpu.memory_space<vmem>>, vector<16xf32>,
      %slice3A = vector.extract_strided_slice %scan3A_72#1 {offsets = [0], sizes = [1], strides = [1]} : vector<16xf32> to vector<1xf32>
      %squeeze3A = vector.extract %slice3A[0] : f32 from vector<1xf32>
      %mul3A_160 = vector.broadcast %squeeze3A : f32 to vector<16xf32>
      %mul3A_161 = arith.mulf %mul3A_160, %get3A_159 : vector<16xf32>
      %sub3A_162 = arith.subf %scan3A_155#0, %mul3A_161 : vector<16xf32>
      %swap3A = arith.constant 0 : i32
      %swap3A_163 = arith.index_cast %swap3A : i32 to index
      %swap3A_164 = arith.constant 0 : index
      %swap3A_165 = tpu.vector_load %arg13[%swap3A_163, %swap3A_164] {strides = array<i32>} : memref<16x16xf32, #tpu.memory_space<vmem>>, vector<16xf32>,
      tpu.vector_store %arg13[%swap3A_163, %swap3A_164], %sub3A_162 {strides = array<i32>} : memref<16x16xf32, #tpu.memory_space<vmem>>, vector<16xf32>,
      %slice3A_166 = vector.extract_strided_slice %scan3A_72#1 {offsets = [1], sizes = [1], strides = [1]} : vector<16xf32> to vector<1xf32>
      %squeeze3A_167 = vector.extract %slice3A_166[0] : f32 from vector<1xf32>
      %mul3A_168 = vector.broadcast %squeeze3A_167 : f32 to vector<16xf32>
      %mul3A_169 = arith.mulf %mul3A_168, %get3A_159 : vector<16xf32>
      %sub3A_170 = arith.subf %scan3A_155#1, %mul3A_169 : vector<16xf32>
      %swap3A_171 = arith.constant 1 : i32
      %swap3A_172 = arith.index_cast %swap3A_171 : i32 to index
      %swap3A_173 = arith.constant 0 : index
      %swap3A_174 = tpu.vector_load %arg13[%swap3A_172, %swap3A_173] {strides = array<i32>} : memref<16x16xf32, #tpu.memory_space<vmem>>, vector<16xf32>,
      tpu.vector_store %arg13[%swap3A_172, %swap3A_173], %sub3A_170 {strides = array<i32>} : memref<16x16xf32, #tpu.memory_space<vmem>>, vector<16xf32>,
      %slice3A_175 = vector.extract_strided_slice %scan3A_72#1 {offsets = [2], sizes = [1], strides = [1]} : vector<16xf32> to vector<1xf32>
      %squeeze3A_176 = vector.extract %slice3A_175[0] : f32 from vector<1xf32>
      %mul3A_177 = vector.broadcast %squeeze3A_176 : f32 to vector<16xf32>
      %mul3A_178 = arith.mulf %mul3A_177, %get3A_159 : vector<16xf32>
      %sub3A_179 = arith.subf %scan3A_155#2, %mul3A_178 : vector<16xf32>
      %swap3A_180 = arith.constant 2 : i32
      %swap3A_181 = arith.index_cast %swap3A_180 : i32 to index
      %swap3A_182 = arith.constant 0 : index
      %swap3A_183 = tpu.vector_load %arg13[%swap3A_181, %swap3A_182] {strides = array<i32>} : memref<16x16xf32, #tpu.memory_space<vmem>>, vector<16xf32>,
      tpu.vector_store %arg13[%swap3A_181, %swap3A_182], %sub3A_179 {strides = array<i32>} : memref<16x16xf32, #tpu.memory_space<vmem>>, vector<16xf32>,
      %slice3A_184 = vector.extract_strided_slice %scan3A_72#1 {offsets = [3], sizes = [1], strides = [1]} : vector<16xf32> to vector<1xf32>
      %squeeze3A_185 = vector.extract %slice3A_184[0] : f32 from vector<1xf32>
      %mul3A_186 = vector.broadcast %squeeze3A_185 : f32 to vector<16xf32>
      %mul3A_187 = arith.mulf %mul3A_186, %get3A_159 : vector<16xf32>
      %sub3A_188 = arith.subf %scan3A_155#3, %mul3A_187 : vector<16xf32>
      %swap3A_189 = arith.constant 3 : i32
      %swap3A_190 = arith.index_cast %swap3A_189 : i32 to index
      %swap3A_191 = arith.constant 0 : index
      %swap3A_192 = tpu.vector_load %arg13[%swap3A_190, %swap3A_191] {strides = array<i32>} : memref<16x16xf32, #tpu.memory_space<vmem>>, vector<16xf32>,
      tpu.vector_store %arg13[%swap3A_190, %swap3A_191], %sub3A_188 {strides = array<i32>} : memref<16x16xf32, #tpu.memory_space<vmem>>, vector<16xf32>,
      %slice3A_193 = vector.extract_strided_slice %scan3A_72#1 {offsets = [4], sizes = [1], strides = [1]} : vector<16xf32> to vector<1xf32>
      %squeeze3A_194 = vector.extract %slice3A_193[0] : f32 from vector<1xf32>
      %mul3A_195 = vector.broadcast %squeeze3A_194 : f32 to vector<16xf32>
      %mul3A_196 = arith.mulf %mul3A_195, %get3A_159 : vector<16xf32>
      %sub3A_197 = arith.subf %scan3A_155#4, %mul3A_196 : vector<16xf32>
      %swap3A_198 = arith.constant 4 : i32
      %swap3A_199 = arith.index_cast %swap3A_198 : i32 to index
      %swap3A_200 = arith.constant 0 : index
      %swap3A_201 = tpu.vector_load %arg13[%swap3A_199, %swap3A_200] {strides = array<i32>} : memref<16x16xf32, #tpu.memory_space<vmem>>, vector<16xf32>,
      tpu.vector_store %arg13[%swap3A_199, %swap3A_200], %sub3A_197 {strides = array<i32>} : memref<16x16xf32, #tpu.memory_space<vmem>>, vector<16xf32>,
      %slice3A_202 = vector.extract_strided_slice %scan3A_72#1 {offsets = [5], sizes = [1], strides = [1]} : vector<16xf32> to vector<1xf32>
      %squeeze3A_203 = vector.extract %slice3A_202[0] : f32 from vector<1xf32>
      %mul3A_204 = vector.broadcast %squeeze3A_203 : f32 to vector<16xf32>
      %mul3A_205 = arith.mulf %mul3A_204, %get3A_159 : vector<16xf32>
      %sub3A_206 = arith.subf %scan3A_155#5, %mul3A_205 : vector<16xf32>
      %swap3A_207 = arith.constant 5 : i32
      %swap3A_208 = arith.index_cast %swap3A_207 : i32 to index
      %swap3A_209 = arith.constant 0 : index
      %swap3A_210 = tpu.vector_load %arg13[%swap3A_208, %swap3A_209] {strides = array<i32>} : memref<16x16xf32, #tpu.memory_space<vmem>>, vector<16xf32>,
      tpu.vector_store %arg13[%swap3A_208, %swap3A_209], %sub3A_206 {strides = array<i32>} : memref<16x16xf32, #tpu.memory_space<vmem>>, vector<16xf32>,
      %slice3A_211 = vector.extract_strided_slice %scan3A_72#1 {offsets = [6], sizes = [1], strides = [1]} : vector<16xf32> to vector<1xf32>
      %squeeze3A_212 = vector.extract %slice3A_211[0] : f32 from vector<1xf32>
      %mul3A_213 = vector.broadcast %squeeze3A_212 : f32 to vector<16xf32>
      %mul3A_214 = arith.mulf %mul3A_213, %get3A_159 : vector<16xf32>
      %sub3A_215 = arith.subf %scan3A_155#6, %mul3A_214 : vector<16xf32>
      %swap3A_216 = arith.constant 6 : i32
      %swap3A_217 = arith.index_cast %swap3A_216 : i32 to index
      %swap3A_218 = arith.constant 0 : index
      %swap3A_219 = tpu.vector_load %arg13[%swap3A_217, %swap3A_218] {strides = array<i32>} : memref<16x16xf32, #tpu.memory_space<vmem>>, vector<16xf32>,
      tpu.vector_store %arg13[%swap3A_217, %swap3A_218], %sub3A_215 {strides = array<i32>} : memref<16x16xf32, #tpu.memory_space<vmem>>, vector<16xf32>,
      %slice3A_220 = vector.extract_strided_slice %scan3A_72#1 {offsets = [7], sizes = [1], strides = [1]} : vector<16xf32> to vector<1xf32>
      %squeeze3A_221 = vector.extract %slice3A_220[0] : f32 from vector<1xf32>
      %mul3A_222 = vector.broadcast %squeeze3A_221 : f32 to vector<16xf32>
      %mul3A_223 = arith.mulf %mul3A_222, %get3A_159 : vector<16xf32>
      %sub3A_224 = arith.subf %scan3A_155#7, %mul3A_223 : vector<16xf32>
      %swap3A_225 = arith.constant 7 : i32
      %swap3A_226 = arith.index_cast %swap3A_225 : i32 to index
      %swap3A_227 = arith.constant 0 : index
      %swap3A_228 = tpu.vector_load %arg13[%swap3A_226, %swap3A_227] {strides = array<i32>} : memref<16x16xf32, #tpu.memory_space<vmem>>, vector<16xf32>,
      tpu.vector_store %arg13[%swap3A_226, %swap3A_227], %sub3A_224 {strides = array<i32>} : memref<16x16xf32, #tpu.memory_space<vmem>>, vector<16xf32>,
      %slice3A_229 = vector.extract_strided_slice %scan3A_72#1 {offsets = [8], sizes = [1], strides = [1]} : vector<16xf32> to vector<1xf32>
      %squeeze3A_230 = vector.extract %slice3A_229[0] : f32 from vector<1xf32>
      %mul3A_231 = vector.broadcast %squeeze3A_230 : f32 to vector<16xf32>
      %mul3A_232 = arith.mulf %mul3A_231, %get3A_159 : vector<16xf32>
      %sub3A_233 = arith.subf %scan3A_155#8, %mul3A_232 : vector<16xf32>
      %swap3A_234 = arith.constant 8 : i32
      %swap3A_235 = arith.index_cast %swap3A_234 : i32 to index
      %swap3A_236 = arith.constant 0 : index
      %swap3A_237 = tpu.vector_load %arg13[%swap3A_235, %swap3A_236] {strides = array<i32>} : memref<16x16xf32, #tpu.memory_space<vmem>>, vector<16xf32>,
      tpu.vector_store %arg13[%swap3A_235, %swap3A_236], %sub3A_233 {strides = array<i32>} : memref<16x16xf32, #tpu.memory_space<vmem>>, vector<16xf32>,
      %slice3A_238 = vector.extract_strided_slice %scan3A_72#1 {offsets = [9], sizes = [1], strides = [1]} : vector<16xf32> to vector<1xf32>
      %squeeze3A_239 = vector.extract %slice3A_238[0] : f32 from vector<1xf32>
      %mul3A_240 = vector.broadcast %squeeze3A_239 : f32 to vector<16xf32>
      %mul3A_241 = arith.mulf %mul3A_240, %get3A_159 : vector<16xf32>
      %sub3A_242 = arith.subf %scan3A_155#9, %mul3A_241 : vector<16xf32>
      %swap3A_243 = arith.constant 9 : i32
      %swap3A_244 = arith.index_cast %swap3A_243 : i32 to index
      %swap3A_245 = arith.constant 0 : index
      %swap3A_246 = tpu.vector_load %arg13[%swap3A_244, %swap3A_245] {strides = array<i32>} : memref<16x16xf32, #tpu.memory_space<vmem>>, vector<16xf32>,
      tpu.vector_store %arg13[%swap3A_244, %swap3A_245], %sub3A_242 {strides = array<i32>} : memref<16x16xf32, #tpu.memory_space<vmem>>, vector<16xf32>,
      %slice3A_247 = vector.extract_strided_slice %scan3A_72#1 {offsets = [10], sizes = [1], strides = [1]} : vector<16xf32> to vector<1xf32>
      %squeeze3A_248 = vector.extract %slice3A_247[0] : f32 from vector<1xf32>
      %mul3A_249 = vector.broadcast %squeeze3A_248 : f32 to vector<16xf32>
      %mul3A_250 = arith.mulf %mul3A_249, %get3A_159 : vector<16xf32>
      %sub3A_251 = arith.subf %scan3A_155#10, %mul3A_250 : vector<16xf32>
      %swap3A_252 = arith.constant 10 : i32
      %swap3A_253 = arith.index_cast %swap3A_252 : i32 to index
      %swap3A_254 = arith.constant 0 : index
      %swap3A_255 = tpu.vector_load %arg13[%swap3A_253, %swap3A_254] {strides = array<i32>} : memref<16x16xf32, #tpu.memory_space<vmem>>, vector<16xf32>,
      tpu.vector_store %arg13[%swap3A_253, %swap3A_254], %sub3A_251 {strides = array<i32>} : memref<16x16xf32, #tpu.memory_space<vmem>>, vector<16xf32>,
      %slice3A_256 = vector.extract_strided_slice %scan3A_72#1 {offsets = [11], sizes = [1], strides = [1]} : vector<16xf32> to vector<1xf32>
      %squeeze3A_257 = vector.extract %slice3A_256[0] : f32 from vector<1xf32>
      %mul3A_258 = vector.broadcast %squeeze3A_257 : f32 to vector<16xf32>
      %mul3A_259 = arith.mulf %mul3A_258, %get3A_159 : vector<16xf32>
      %sub3A_260 = arith.subf %scan3A_155#11, %mul3A_259 : vector<16xf32>
      %swap3A_261 = arith.constant 11 : i32
      %swap3A_262 = arith.index_cast %swap3A_261 : i32 to index
      %swap3A_263 = arith.constant 0 : index
      %swap3A_264 = tpu.vector_load %arg13[%swap3A_262, %swap3A_263] {strides = array<i32>} : memref<16x16xf32, #tpu.memory_space<vmem>>, vector<16xf32>,
      tpu.vector_store %arg13[%swap3A_262, %swap3A_263], %sub3A_260 {strides = array<i32>} : memref<16x16xf32, #tpu.memory_space<vmem>>, vector<16xf32>,
      %slice3A_265 = vector.extract_strided_slice %scan3A_72#1 {offsets = [12], sizes = [1], strides = [1]} : vector<16xf32> to vector<1xf32>
      %squeeze3A_266 = vector.extract %slice3A_265[0] : f32 from vector<1xf32>
      %mul3A_267 = vector.broadcast %squeeze3A_266 : f32 to vector<16xf32>
      %mul3A_268 = arith.mulf %mul3A_267, %get3A_159 : vector<16xf32>
      %sub3A_269 = arith.subf %scan3A_155#12, %mul3A_268 : vector<16xf32>
      %swap3A_270 = arith.constant 12 : i32
      %swap3A_271 = arith.index_cast %swap3A_270 : i32 to index
      %swap3A_272 = arith.constant 0 : index
      %swap3A_273 = tpu.vector_load %arg13[%swap3A_271, %swap3A_272] {strides = array<i32>} : memref<16x16xf32, #tpu.memory_space<vmem>>, vector<16xf32>,
      tpu.vector_store %arg13[%swap3A_271, %swap3A_272], %sub3A_269 {strides = array<i32>} : memref<16x16xf32, #tpu.memory_space<vmem>>, vector<16xf32>,
      %slice3A_274 = vector.extract_strided_slice %scan3A_72#1 {offsets = [13], sizes = [1], strides = [1]} : vector<16xf32> to vector<1xf32>
      %squeeze3A_275 = vector.extract %slice3A_274[0] : f32 from vector<1xf32>
      %mul3A_276 = vector.broadcast %squeeze3A_275 : f32 to vector<16xf32>
      %mul3A_277 = arith.mulf %mul3A_276, %get3A_159 : vector<16xf32>
      %sub3A_278 = arith.subf %scan3A_155#13, %mul3A_277 : vector<16xf32>
      %swap3A_279 = arith.constant 13 : i32
      %swap3A_280 = arith.index_cast %swap3A_279 : i32 to index
      %swap3A_281 = arith.constant 0 : index
      %swap3A_282 = tpu.vector_load %arg13[%swap3A_280, %swap3A_281] {strides = array<i32>} : memref<16x16xf32, #tpu.memory_space<vmem>>, vector<16xf32>,
      tpu.vector_store %arg13[%swap3A_280, %swap3A_281], %sub3A_278 {strides = array<i32>} : memref<16x16xf32, #tpu.memory_space<vmem>>, vector<16xf32>,
      %slice3A_283 = vector.extract_strided_slice %scan3A_72#1 {offsets = [14], sizes = [1], strides = [1]} : vector<16xf32> to vector<1xf32>
      %squeeze3A_284 = vector.extract %slice3A_283[0] : f32 from vector<1xf32>
      %mul3A_285 = vector.broadcast %squeeze3A_284 : f32 to vector<16xf32>
      %mul3A_286 = arith.mulf %mul3A_285, %get3A_159 : vector<16xf32>
      %sub3A_287 = arith.subf %scan3A_155#14, %mul3A_286 : vector<16xf32>
      %swap3A_288 = arith.constant 14 : i32
      %swap3A_289 = arith.index_cast %swap3A_288 : i32 to index
      %swap3A_290 = arith.constant 0 : index
      %swap3A_291 = tpu.vector_load %arg13[%swap3A_289, %swap3A_290] {strides = array<i32>} : memref<16x16xf32, #tpu.memory_space<vmem>>, vector<16xf32>,
      tpu.vector_store %arg13[%swap3A_289, %swap3A_290], %sub3A_287 {strides = array<i32>} : memref<16x16xf32, #tpu.memory_space<vmem>>, vector<16xf32>,
      %slice3A_292 = vector.extract_strided_slice %scan3A_72#1 {offsets = [15], sizes = [1], strides = [1]} : vector<16xf32> to vector<1xf32>
      %squeeze3A_293 = vector.extract %slice3A_292[0] : f32 from vector<1xf32>
      %mul3A_294 = vector.broadcast %squeeze3A_293 : f32 to vector<16xf32>
      %mul3A_295 = arith.mulf %mul3A_294, %get3A_159 : vector<16xf32>
      %sub3A_296 = arith.subf %scan3A_155#15, %mul3A_295 : vector<16xf32>
      %swap3A_297 = arith.constant 15 : i32
      %swap3A_298 = arith.index_cast %swap3A_297 : i32 to index
      %swap3A_299 = arith.constant 0 : index
      %swap3A_300 = tpu.vector_load %arg13[%swap3A_298, %swap3A_299] {strides = array<i32>} : memref<16x16xf32, #tpu.memory_space<vmem>>, vector<16xf32>,
      tpu.vector_store %arg13[%swap3A_298, %swap3A_299], %sub3A_296 {strides = array<i32>} : memref<16x16xf32, #tpu.memory_space<vmem>>, vector<16xf32>,
      %swap3A_301 = arith.constant 0 : index
      %swap3A_302 = tpu.vector_load %arg14[%swap3A_301] {strides = array<i32>} : memref<16xf32, #tpu.memory_space<vmem>>, vector<16xf32>,
      tpu.vector_store %arg14[%swap3A_301], %scan3A_72#0 {strides = array<i32>} : memref<16xf32, #tpu.memory_space<vmem>>, vector<16xf32>,
      %mul3A_303 = arith.constant 16384 : i32
      %mul3A_304 = arith.muli %select_n3A, %mul3A_303 : i32
      %add3A_305 = arith.addi %mul3A_304, %mul3A_32 : i32
      %mul3A_306 = arith.constant 16 : i32
      %mul3A_307 = arith.muli %mul3A_67, %mul3A_306 : i32
      %add3A_308 = arith.addi %add3A_305, %mul3A_307 : i32
      "tpu.region"() ({
        %run_scoped3A = tpu.sem_alloc : memref<!tpu.dma_semaphore, #tpu.memory_space<semaphore_mem>>
        %dma_start3A_513 = arith.constant 0 : i32
        %dma_start3A_514 = tpu.memref_slice %arg5[%add3A_308, %dma_start3A_513] : memref<65536x16xf32, #tpu.memory_space<hbm>> -> memref<16x16xf32, #tpu.memory_space<hbm>>
        %dma_start3A_515 = arith.constant 0 : i32
        %dma_start3A_516 = tpu.memref_slice %arg5[%add3A_308, %dma_start3A_515] : memref<65536x16xf32, #tpu.memory_space<hbm>> -> memref<16x16xf32, #tpu.memory_space<hbm>>
        tpu.enqueue_dma source(%arg13 : memref<16x16xf32, #tpu.memory_space<vmem>>) target(%dma_start3A_516 : memref<16x16xf32, #tpu.memory_space<hbm>>) target_semaphore(%run_scoped3A : memref<!tpu.dma_semaphore, #tpu.memory_space<semaphore_mem>>)
        %dma_wait3A_517 = arith.constant 0 : i32
        %dma_wait3A_518 = tpu.memref_slice %arg5[%add3A_308, %dma_wait3A_517] : memref<65536x16xf32, #tpu.memory_space<hbm>> -> memref<16x16xf32, #tpu.memory_space<hbm>>
        %dma_wait3A_519 = arith.constant 0 : i32
        %dma_wait3A_520 = tpu.memref_slice %arg5[%add3A_308, %dma_wait3A_519] : memref<65536x16xf32, #tpu.memory_space<hbm>> -> memref<16x16xf32, #tpu.memory_space<hbm>>
        tpu.wait_dma2 semaphore(%run_scoped3A : memref<!tpu.dma_semaphore, #tpu.memory_space<semaphore_mem>>) src(%arg13 : memref<16x16xf32, #tpu.memory_space<vmem>>) dst(%dma_wait3A_520 : memref<16x16xf32, #tpu.memory_space<hbm>>)
        tpu.yield
      }) : () -> ()
      "tpu.region"() ({
        %run_scoped3A = tpu.sem_alloc : memref<!tpu.dma_semaphore, #tpu.memory_space<semaphore_mem>>
        %dma_start3A_513 = tpu.memref_slice %arg6[%add3A_308] : memref<65536xf32, #tpu.memory_space<hbm>> -> memref<16xf32, #tpu.memory_space<hbm>>
        %dma_start3A_514 = tpu.memref_slice %arg6[%add3A_308] : memref<65536xf32, #tpu.memory_space<hbm>> -> memref<16xf32, #tpu.memory_space<hbm>>
        tpu.enqueue_dma source(%arg14 : memref<16xf32, #tpu.memory_space<vmem>>) target(%dma_start3A_514 : memref<16xf32, #tpu.memory_space<hbm>>) target_semaphore(%run_scoped3A : memref<!tpu.dma_semaphore, #tpu.memory_space<semaphore_mem>>)
        %dma_wait3A_515 = tpu.memref_slice %arg6[%add3A_308] : memref<65536xf32, #tpu.memory_space<hbm>> -> memref<16xf32, #tpu.memory_space<hbm>>
        %dma_wait3A_516 = tpu.memref_slice %arg6[%add3A_308] : memref<65536xf32, #tpu.memory_space<hbm>> -> memref<16xf32, #tpu.memory_space<hbm>>
        tpu.wait_dma2 semaphore(%run_scoped3A : memref<!tpu.dma_semaphore, #tpu.memory_space<semaphore_mem>>) src(%arg14 : memref<16xf32, #tpu.memory_space<vmem>>) dst(%dma_wait3A_516 : memref<16xf32, #tpu.memory_space<hbm>>)
        tpu.yield
      }) : () -> ()
      %dma_wait3A_309 = arith.constant 0 : i32
      %dma_wait3A_310 = arith.constant 0 : i32
      %dma_wait3A_311 = tpu.memref_slice %arg2[%dma_wait3A_309, %dma_wait3A_310] : memref<400000x16xf32, #tpu.memory_space<hbm>> -> memref<400000x16xf32, #tpu.memory_space<hbm>>
      tpu.wait_indirect_dma semaphore(%arg17 : memref<!tpu.dma_semaphore, #tpu.memory_space<semaphore_mem>>) src(%dma_wait3A_311 : memref<400000x16xf32, #tpu.memory_space<hbm>>) dst(%arg12 : memref<800x16xf32, #tpu.memory_space<vmem>>)
      %add3A_312 = arith.constant 1 : i32
      %add3A_313 = arith.addi %mul3A_67, %add3A_312 : i32
      %broadcast_in_dim3A_314 = arith.constant 0.000000e+00 : f32
      %broadcast_in_dim3A_315 = vector.broadcast %broadcast_in_dim3A_314 : f32 to vector<16xf32>
      %broadcast_in_dim3A_316 = arith.constant 0.000000e+00 : f32
      %broadcast_in_dim3A_317 = vector.broadcast %broadcast_in_dim3A_316 : f32 to vector<16xf32>
      %broadcast_in_dim3A_318 = arith.constant 0.000000e+00 : f32
      %broadcast_in_dim3A_319 = vector.broadcast %broadcast_in_dim3A_318 : f32 to vector<16xf32>
      %broadcast_in_dim3A_320 = arith.constant 0.000000e+00 : f32
      %broadcast_in_dim3A_321 = vector.broadcast %broadcast_in_dim3A_320 : f32 to vector<16xf32>
      %broadcast_in_dim3A_322 = arith.constant 0.000000e+00 : f32
      %broadcast_in_dim3A_323 = vector.broadcast %broadcast_in_dim3A_322 : f32 to vector<16xf32>
      %broadcast_in_dim3A_324 = arith.constant 0.000000e+00 : f32
      %broadcast_in_dim3A_325 = vector.broadcast %broadcast_in_dim3A_324 : f32 to vector<16xf32>
      %broadcast_in_dim3A_326 = arith.constant 0.000000e+00 : f32
      %broadcast_in_dim3A_327 = vector.broadcast %broadcast_in_dim3A_326 : f32 to vector<16xf32>
      %broadcast_in_dim3A_328 = arith.constant 0.000000e+00 : f32
      %broadcast_in_dim3A_329 = vector.broadcast %broadcast_in_dim3A_328 : f32 to vector<16xf32>
      %broadcast_in_dim3A_330 = arith.constant 0.000000e+00 : f32
      %broadcast_in_dim3A_331 = vector.broadcast %broadcast_in_dim3A_330 : f32 to vector<16xf32>
      %broadcast_in_dim3A_332 = arith.constant 0.000000e+00 : f32
      %broadcast_in_dim3A_333 = vector.broadcast %broadcast_in_dim3A_332 : f32 to vector<16xf32>
      %broadcast_in_dim3A_334 = arith.constant 0.000000e+00 : f32
      %broadcast_in_dim3A_335 = vector.broadcast %broadcast_in_dim3A_334 : f32 to vector<16xf32>
      %broadcast_in_dim3A_336 = arith.constant 0.000000e+00 : f32
      %broadcast_in_dim3A_337 = vector.broadcast %broadcast_in_dim3A_336 : f32 to vector<16xf32>
      %broadcast_in_dim3A_338 = arith.constant 0.000000e+00 : f32
      %broadcast_in_dim3A_339 = vector.broadcast %broadcast_in_dim3A_338 : f32 to vector<16xf32>
      %broadcast_in_dim3A_340 = arith.constant 0.000000e+00 : f32
      %broadcast_in_dim3A_341 = vector.broadcast %broadcast_in_dim3A_340 : f32 to vector<16xf32>
      %broadcast_in_dim3A_342 = arith.constant 0.000000e+00 : f32
      %broadcast_in_dim3A_343 = vector.broadcast %broadcast_in_dim3A_342 : f32 to vector<16xf32>
      %broadcast_in_dim3A_344 = arith.constant 0.000000e+00 : f32
      %broadcast_in_dim3A_345 = vector.broadcast %broadcast_in_dim3A_344 : f32 to vector<16xf32>
      %scan3A_346 = arith.constant 0 : i32
      %scan3A_347 = arith.constant 50 : i32
      %scan3A_348 = arith.addi %scan3A_346, %scan3A_347 : i32
      %scan3A_349 = arith.constant 1 : i32
      %scan3A_350:16 = scf.for %scan3A_513 = %scan3A_346 to %scan3A_348 step %scan3A_349 iter_args(%scan3A_514 = %broadcast_in_dim3A_315, %scan3A_515 = %broadcast_in_dim3A_317, %scan3A_516 = %broadcast_in_dim3A_319, %scan3A_517 = %broadcast_in_dim3A_321, %scan3A_518 = %broadcast_in_dim3A_323, %scan3A_519 = %broadcast_in_dim3A_325, %scan3A_520 = %broadcast_in_dim3A_327, %scan3A_521 = %broadcast_in_dim3A_329, %scan3A_522 = %broadcast_in_dim3A_331, %scan3A_523 = %broadcast_in_dim3A_333, %scan3A_524 = %broadcast_in_dim3A_335, %scan3A_525 = %broadcast_in_dim3A_337, %scan3A_526 = %broadcast_in_dim3A_339, %scan3A_527 = %broadcast_in_dim3A_341, %scan3A_528 = %broadcast_in_dim3A_343, %scan3A_529 = %broadcast_in_dim3A_345) -> (vector<16xf32>, vector<16xf32>, vector<16xf32>, vector<16xf32>, vector<16xf32>, vector<16xf32>, vector<16xf32>, vector<16xf32>, vector<16xf32>, vector<16xf32>, vector<16xf32>, vector<16xf32>, vector<16xf32>, vector<16xf32>, vector<16xf32>, vector<16xf32>)  : i32 {
        %mul3A_530 = arith.constant 16 : i32
        %mul3A_531 = arith.muli %scan3A_513, %mul3A_530 : i32
        %add3A_532 = arith.constant 0 : i32
        %add3A_533 = arith.addi %mul3A_531, %add3A_532 : i32
        %get3A_534 = arith.index_cast %add3A_533 : i32 to index
        %get3A_535 = arith.constant 0 : index
        %get3A_536 = tpu.vector_load %arg12[%get3A_534, %get3A_535] {strides = array<i32>} : memref<800x16xf32, #tpu.memory_space<vmem>>, vector<16xf32>,
        %add3A_537 = arith.addf %scan3A_514, %get3A_536 : vector<16xf32>
        %mul3A_538 = arith.constant 16 : i32
        %mul3A_539 = arith.muli %scan3A_513, %mul3A_538 : i32
        %add3A_540 = arith.constant 1 : i32
        %add3A_541 = arith.addi %mul3A_539, %add3A_540 : i32
        %get3A_542 = arith.index_cast %add3A_541 : i32 to index
        %get3A_543 = arith.constant 0 : index
        %get3A_544 = tpu.vector_load %arg12[%get3A_542, %get3A_543] {strides = array<i32>} : memref<800x16xf32, #tpu.memory_space<vmem>>, vector<16xf32>,
        %add3A_545 = arith.addf %scan3A_515, %get3A_544 : vector<16xf32>
        %mul3A_546 = arith.constant 16 : i32
        %mul3A_547 = arith.muli %scan3A_513, %mul3A_546 : i32
        %add3A_548 = arith.constant 2 : i32
        %add3A_549 = arith.addi %mul3A_547, %add3A_548 : i32
        %get3A_550 = arith.index_cast %add3A_549 : i32 to index
        %get3A_551 = arith.constant 0 : index
        %get3A_552 = tpu.vector_load %arg12[%get3A_550, %get3A_551] {strides = array<i32>} : memref<800x16xf32, #tpu.memory_space<vmem>>, vector<16xf32>,
        %add3A_553 = arith.addf %scan3A_516, %get3A_552 : vector<16xf32>
        %mul3A_554 = arith.constant 16 : i32
        %mul3A_555 = arith.muli %scan3A_513, %mul3A_554 : i32
        %add3A_556 = arith.constant 3 : i32
        %add3A_557 = arith.addi %mul3A_555, %add3A_556 : i32
        %get3A_558 = arith.index_cast %add3A_557 : i32 to index
        %get3A_559 = arith.constant 0 : index
        %get3A_560 = tpu.vector_load %arg12[%get3A_558, %get3A_559] {strides = array<i32>} : memref<800x16xf32, #tpu.memory_space<vmem>>, vector<16xf32>,
        %add3A_561 = arith.addf %scan3A_517, %get3A_560 : vector<16xf32>
        %mul3A_562 = arith.constant 16 : i32
        %mul3A_563 = arith.muli %scan3A_513, %mul3A_562 : i32
        %add3A_564 = arith.constant 4 : i32
        %add3A_565 = arith.addi %mul3A_563, %add3A_564 : i32
        %get3A_566 = arith.index_cast %add3A_565 : i32 to index
        %get3A_567 = arith.constant 0 : index
        %get3A_568 = tpu.vector_load %arg12[%get3A_566, %get3A_567] {strides = array<i32>} : memref<800x16xf32, #tpu.memory_space<vmem>>, vector<16xf32>,
        %add3A_569 = arith.addf %scan3A_518, %get3A_568 : vector<16xf32>
        %mul3A_570 = arith.constant 16 : i32
        %mul3A_571 = arith.muli %scan3A_513, %mul3A_570 : i32
        %add3A_572 = arith.constant 5 : i32
        %add3A_573 = arith.addi %mul3A_571, %add3A_572 : i32
        %get3A_574 = arith.index_cast %add3A_573 : i32 to index
        %get3A_575 = arith.constant 0 : index
        %get3A_576 = tpu.vector_load %arg12[%get3A_574, %get3A_575] {strides = array<i32>} : memref<800x16xf32, #tpu.memory_space<vmem>>, vector<16xf32>,
        %add3A_577 = arith.addf %scan3A_519, %get3A_576 : vector<16xf32>
        %mul3A_578 = arith.constant 16 : i32
        %mul3A_579 = arith.muli %scan3A_513, %mul3A_578 : i32
        %add3A_580 = arith.constant 6 : i32
        %add3A_581 = arith.addi %mul3A_579, %add3A_580 : i32
        %get3A_582 = arith.index_cast %add3A_581 : i32 to index
        %get3A_583 = arith.constant 0 : index
        %get3A_584 = tpu.vector_load %arg12[%get3A_582, %get3A_583] {strides = array<i32>} : memref<800x16xf32, #tpu.memory_space<vmem>>, vector<16xf32>,
        %add3A_585 = arith.addf %scan3A_520, %get3A_584 : vector<16xf32>
        %mul3A_586 = arith.constant 16 : i32
        %mul3A_587 = arith.muli %scan3A_513, %mul3A_586 : i32
        %add3A_588 = arith.constant 7 : i32
        %add3A_589 = arith.addi %mul3A_587, %add3A_588 : i32
        %get3A_590 = arith.index_cast %add3A_589 : i32 to index
        %get3A_591 = arith.constant 0 : index
        %get3A_592 = tpu.vector_load %arg12[%get3A_590, %get3A_591] {strides = array<i32>} : memref<800x16xf32, #tpu.memory_space<vmem>>, vector<16xf32>,
        %add3A_593 = arith.addf %scan3A_521, %get3A_592 : vector<16xf32>
        %mul3A_594 = arith.constant 16 : i32
        %mul3A_595 = arith.muli %scan3A_513, %mul3A_594 : i32
        %add3A_596 = arith.constant 8 : i32
        %add3A_597 = arith.addi %mul3A_595, %add3A_596 : i32
        %get3A_598 = arith.index_cast %add3A_597 : i32 to index
        %get3A_599 = arith.constant 0 : index
        %get3A_600 = tpu.vector_load %arg12[%get3A_598, %get3A_599] {strides = array<i32>} : memref<800x16xf32, #tpu.memory_space<vmem>>, vector<16xf32>,
        %add3A_601 = arith.addf %scan3A_522, %get3A_600 : vector<16xf32>
        %mul3A_602 = arith.constant 16 : i32
        %mul3A_603 = arith.muli %scan3A_513, %mul3A_602 : i32
        %add3A_604 = arith.constant 9 : i32
        %add3A_605 = arith.addi %mul3A_603, %add3A_604 : i32
        %get3A_606 = arith.index_cast %add3A_605 : i32 to index
        %get3A_607 = arith.constant 0 : index
        %get3A_608 = tpu.vector_load %arg12[%get3A_606, %get3A_607] {strides = array<i32>} : memref<800x16xf32, #tpu.memory_space<vmem>>, vector<16xf32>,
        %add3A_609 = arith.addf %scan3A_523, %get3A_608 : vector<16xf32>
        %mul3A_610 = arith.constant 16 : i32
        %mul3A_611 = arith.muli %scan3A_513, %mul3A_610 : i32
        %add3A_612 = arith.constant 10 : i32
        %add3A_613 = arith.addi %mul3A_611, %add3A_612 : i32
        %get3A_614 = arith.index_cast %add3A_613 : i32 to index
        %get3A_615 = arith.constant 0 : index
        %get3A_616 = tpu.vector_load %arg12[%get3A_614, %get3A_615] {strides = array<i32>} : memref<800x16xf32, #tpu.memory_space<vmem>>, vector<16xf32>,
        %add3A_617 = arith.addf %scan3A_524, %get3A_616 : vector<16xf32>
        %mul3A_618 = arith.constant 16 : i32
        %mul3A_619 = arith.muli %scan3A_513, %mul3A_618 : i32
        %add3A_620 = arith.constant 11 : i32
        %add3A_621 = arith.addi %mul3A_619, %add3A_620 : i32
        %get3A_622 = arith.index_cast %add3A_621 : i32 to index
        %get3A_623 = arith.constant 0 : index
        %get3A_624 = tpu.vector_load %arg12[%get3A_622, %get3A_623] {strides = array<i32>} : memref<800x16xf32, #tpu.memory_space<vmem>>, vector<16xf32>,
        %add3A_625 = arith.addf %scan3A_525, %get3A_624 : vector<16xf32>
        %mul3A_626 = arith.constant 16 : i32
        %mul3A_627 = arith.muli %scan3A_513, %mul3A_626 : i32
        %add3A_628 = arith.constant 12 : i32
        %add3A_629 = arith.addi %mul3A_627, %add3A_628 : i32
        %get3A_630 = arith.index_cast %add3A_629 : i32 to index
        %get3A_631 = arith.constant 0 : index
        %get3A_632 = tpu.vector_load %arg12[%get3A_630, %get3A_631] {strides = array<i32>} : memref<800x16xf32, #tpu.memory_space<vmem>>, vector<16xf32>,
        %add3A_633 = arith.addf %scan3A_526, %get3A_632 : vector<16xf32>
        %mul3A_634 = arith.constant 16 : i32
        %mul3A_635 = arith.muli %scan3A_513, %mul3A_634 : i32
        %add3A_636 = arith.constant 13 : i32
        %add3A_637 = arith.addi %mul3A_635, %add3A_636 : i32
        %get3A_638 = arith.index_cast %add3A_637 : i32 to index
        %get3A_639 = arith.constant 0 : index
        %get3A_640 = tpu.vector_load %arg12[%get3A_638, %get3A_639] {strides = array<i32>} : memref<800x16xf32, #tpu.memory_space<vmem>>, vector<16xf32>,
        %add3A_641 = arith.addf %scan3A_527, %get3A_640 : vector<16xf32>
        %mul3A_642 = arith.constant 16 : i32
        %mul3A_643 = arith.muli %scan3A_513, %mul3A_642 : i32
        %add3A_644 = arith.constant 14 : i32
        %add3A_645 = arith.addi %mul3A_643, %add3A_644 : i32
        %get3A_646 = arith.index_cast %add3A_645 : i32 to index
        %get3A_647 = arith.constant 0 : index
        %get3A_648 = tpu.vector_load %arg12[%get3A_646, %get3A_647] {strides = array<i32>} : memref<800x16xf32, #tpu.memory_space<vmem>>, vector<16xf32>,
        %add3A_649 = arith.addf %scan3A_528, %get3A_648 : vector<16xf32>
        %mul3A_650 = arith.constant 16 : i32
        %mul3A_651 = arith.muli %scan3A_513, %mul3A_650 : i32
        %add3A_652 = arith.constant 15 : i32
        %add3A_653 = arith.addi %mul3A_651, %add3A_652 : i32
        %get3A_654 = arith.index_cast %add3A_653 : i32 to index
        %get3A_655 = arith.constant 0 : index
        %get3A_656 = tpu.vector_load %arg12[%get3A_654, %get3A_655] {strides = array<i32>} : memref<800x16xf32, #tpu.memory_space<vmem>>, vector<16xf32>,
        %add3A_657 = arith.addf %scan3A_529, %get3A_656 : vector<16xf32>
        scf.yield %add3A_537, %add3A_545, %add3A_553, %add3A_561, %add3A_569, %add3A_577, %add3A_585, %add3A_593, %add3A_601, %add3A_609, %add3A_617, %add3A_625, %add3A_633, %add3A_641, %add3A_649, %add3A_657 : vector<16xf32>, vector<16xf32>, vector<16xf32>, vector<16xf32>, vector<16xf32>, vector<16xf32>, vector<16xf32>, vector<16xf32>, vector<16xf32>, vector<16xf32>, vector<16xf32>, vector<16xf32>, vector<16xf32>, vector<16xf32>, vector<16xf32>, vector<16xf32>
      }
      %scan3A_351 = arith.constant 50 : i32
      %get3A_352 = arith.constant 0 : i32
      %get3A_353 = arith.index_cast %get3A_352 : i32 to index
      %get3A_354 = arith.constant 0 : index
      %get3A_355 = tpu.vector_load %arg15[%get3A_353, %get3A_354] {strides = array<i32>} : memref<1x16xf32, #tpu.memory_space<vmem>>, vector<16xf32>,
      %slice3A_356 = vector.extract_strided_slice %scan3A_98#1 {offsets = [0], sizes = [1], strides = [1]} : vector<16xf32> to vector<1xf32>
      %squeeze3A_357 = vector.extract %slice3A_356[0] : f32 from vector<1xf32>
      %mul3A_358 = vector.broadcast %squeeze3A_357 : f32 to vector<16xf32>
      %mul3A_359 = arith.mulf %mul3A_358, %get3A_355 : vector<16xf32>
      %sub3A_360 = arith.subf %scan3A_350#0, %mul3A_359 : vector<16xf32>
      %swap3A_361 = arith.constant 0 : i32
      %swap3A_362 = arith.index_cast %swap3A_361 : i32 to index
      %swap3A_363 = arith.constant 0 : index
      %swap3A_364 = tpu.vector_load %arg13[%swap3A_362, %swap3A_363] {strides = array<i32>} : memref<16x16xf32, #tpu.memory_space<vmem>>, vector<16xf32>,
      tpu.vector_store %arg13[%swap3A_362, %swap3A_363], %sub3A_360 {strides = array<i32>} : memref<16x16xf32, #tpu.memory_space<vmem>>, vector<16xf32>,
      %slice3A_365 = vector.extract_strided_slice %scan3A_98#1 {offsets = [1], sizes = [1], strides = [1]} : vector<16xf32> to vector<1xf32>
      %squeeze3A_366 = vector.extract %slice3A_365[0] : f32 from vector<1xf32>
      %mul3A_367 = vector.broadcast %squeeze3A_366 : f32 to vector<16xf32>
      %mul3A_368 = arith.mulf %mul3A_367, %get3A_355 : vector<16xf32>
      %sub3A_369 = arith.subf %scan3A_350#1, %mul3A_368 : vector<16xf32>
      %swap3A_370 = arith.constant 1 : i32
      %swap3A_371 = arith.index_cast %swap3A_370 : i32 to index
      %swap3A_372 = arith.constant 0 : index
      %swap3A_373 = tpu.vector_load %arg13[%swap3A_371, %swap3A_372] {strides = array<i32>} : memref<16x16xf32, #tpu.memory_space<vmem>>, vector<16xf32>,
      tpu.vector_store %arg13[%swap3A_371, %swap3A_372], %sub3A_369 {strides = array<i32>} : memref<16x16xf32, #tpu.memory_space<vmem>>, vector<16xf32>,
      %slice3A_374 = vector.extract_strided_slice %scan3A_98#1 {offsets = [2], sizes = [1], strides = [1]} : vector<16xf32> to vector<1xf32>
      %squeeze3A_375 = vector.extract %slice3A_374[0] : f32 from vector<1xf32>
      %mul3A_376 = vector.broadcast %squeeze3A_375 : f32 to vector<16xf32>
      %mul3A_377 = arith.mulf %mul3A_376, %get3A_355 : vector<16xf32>
      %sub3A_378 = arith.subf %scan3A_350#2, %mul3A_377 : vector<16xf32>
      %swap3A_379 = arith.constant 2 : i32
      %swap3A_380 = arith.index_cast %swap3A_379 : i32 to index
      %swap3A_381 = arith.constant 0 : index
      %swap3A_382 = tpu.vector_load %arg13[%swap3A_380, %swap3A_381] {strides = array<i32>} : memref<16x16xf32, #tpu.memory_space<vmem>>, vector<16xf32>,
      tpu.vector_store %arg13[%swap3A_380, %swap3A_381], %sub3A_378 {strides = array<i32>} : memref<16x16xf32, #tpu.memory_space<vmem>>, vector<16xf32>,
      %slice3A_383 = vector.extract_strided_slice %scan3A_98#1 {offsets = [3], sizes = [1], strides = [1]} : vector<16xf32> to vector<1xf32>
      %squeeze3A_384 = vector.extract %slice3A_383[0] : f32 from vector<1xf32>
      %mul3A_385 = vector.broadcast %squeeze3A_384 : f32 to vector<16xf32>
      %mul3A_386 = arith.mulf %mul3A_385, %get3A_355 : vector<16xf32>
      %sub3A_387 = arith.subf %scan3A_350#3, %mul3A_386 : vector<16xf32>
      %swap3A_388 = arith.constant 3 : i32
      %swap3A_389 = arith.index_cast %swap3A_388 : i32 to index
      %swap3A_390 = arith.constant 0 : index
      %swap3A_391 = tpu.vector_load %arg13[%swap3A_389, %swap3A_390] {strides = array<i32>} : memref<16x16xf32, #tpu.memory_space<vmem>>, vector<16xf32>,
      tpu.vector_store %arg13[%swap3A_389, %swap3A_390], %sub3A_387 {strides = array<i32>} : memref<16x16xf32, #tpu.memory_space<vmem>>, vector<16xf32>,
      %slice3A_392 = vector.extract_strided_slice %scan3A_98#1 {offsets = [4], sizes = [1], strides = [1]} : vector<16xf32> to vector<1xf32>
      %squeeze3A_393 = vector.extract %slice3A_392[0] : f32 from vector<1xf32>
      %mul3A_394 = vector.broadcast %squeeze3A_393 : f32 to vector<16xf32>
      %mul3A_395 = arith.mulf %mul3A_394, %get3A_355 : vector<16xf32>
      %sub3A_396 = arith.subf %scan3A_350#4, %mul3A_395 : vector<16xf32>
      %swap3A_397 = arith.constant 4 : i32
      %swap3A_398 = arith.index_cast %swap3A_397 : i32 to index
      %swap3A_399 = arith.constant 0 : index
      %swap3A_400 = tpu.vector_load %arg13[%swap3A_398, %swap3A_399] {strides = array<i32>} : memref<16x16xf32, #tpu.memory_space<vmem>>, vector<16xf32>,
      tpu.vector_store %arg13[%swap3A_398, %swap3A_399], %sub3A_396 {strides = array<i32>} : memref<16x16xf32, #tpu.memory_space<vmem>>, vector<16xf32>,
      %slice3A_401 = vector.extract_strided_slice %scan3A_98#1 {offsets = [5], sizes = [1], strides = [1]} : vector<16xf32> to vector<1xf32>
      %squeeze3A_402 = vector.extract %slice3A_401[0] : f32 from vector<1xf32>
      %mul3A_403 = vector.broadcast %squeeze3A_402 : f32 to vector<16xf32>
      %mul3A_404 = arith.mulf %mul3A_403, %get3A_355 : vector<16xf32>
      %sub3A_405 = arith.subf %scan3A_350#5, %mul3A_404 : vector<16xf32>
      %swap3A_406 = arith.constant 5 : i32
      %swap3A_407 = arith.index_cast %swap3A_406 : i32 to index
      %swap3A_408 = arith.constant 0 : index
      %swap3A_409 = tpu.vector_load %arg13[%swap3A_407, %swap3A_408] {strides = array<i32>} : memref<16x16xf32, #tpu.memory_space<vmem>>, vector<16xf32>,
      tpu.vector_store %arg13[%swap3A_407, %swap3A_408], %sub3A_405 {strides = array<i32>} : memref<16x16xf32, #tpu.memory_space<vmem>>, vector<16xf32>,
      %slice3A_410 = vector.extract_strided_slice %scan3A_98#1 {offsets = [6], sizes = [1], strides = [1]} : vector<16xf32> to vector<1xf32>
      %squeeze3A_411 = vector.extract %slice3A_410[0] : f32 from vector<1xf32>
      %mul3A_412 = vector.broadcast %squeeze3A_411 : f32 to vector<16xf32>
      %mul3A_413 = arith.mulf %mul3A_412, %get3A_355 : vector<16xf32>
      %sub3A_414 = arith.subf %scan3A_350#6, %mul3A_413 : vector<16xf32>
      %swap3A_415 = arith.constant 6 : i32
      %swap3A_416 = arith.index_cast %swap3A_415 : i32 to index
      %swap3A_417 = arith.constant 0 : index
      %swap3A_418 = tpu.vector_load %arg13[%swap3A_416, %swap3A_417] {strides = array<i32>} : memref<16x16xf32, #tpu.memory_space<vmem>>, vector<16xf32>,
      tpu.vector_store %arg13[%swap3A_416, %swap3A_417], %sub3A_414 {strides = array<i32>} : memref<16x16xf32, #tpu.memory_space<vmem>>, vector<16xf32>,
      %slice3A_419 = vector.extract_strided_slice %scan3A_98#1 {offsets = [7], sizes = [1], strides = [1]} : vector<16xf32> to vector<1xf32>
      %squeeze3A_420 = vector.extract %slice3A_419[0] : f32 from vector<1xf32>
      %mul3A_421 = vector.broadcast %squeeze3A_420 : f32 to vector<16xf32>
      %mul3A_422 = arith.mulf %mul3A_421, %get3A_355 : vector<16xf32>
      %sub3A_423 = arith.subf %scan3A_350#7, %mul3A_422 : vector<16xf32>
      %swap3A_424 = arith.constant 7 : i32
      %swap3A_425 = arith.index_cast %swap3A_424 : i32 to index
      %swap3A_426 = arith.constant 0 : index
      %swap3A_427 = tpu.vector_load %arg13[%swap3A_425, %swap3A_426] {strides = array<i32>} : memref<16x16xf32, #tpu.memory_space<vmem>>, vector<16xf32>,
      tpu.vector_store %arg13[%swap3A_425, %swap3A_426], %sub3A_423 {strides = array<i32>} : memref<16x16xf32, #tpu.memory_space<vmem>>, vector<16xf32>,
      %slice3A_428 = vector.extract_strided_slice %scan3A_98#1 {offsets = [8], sizes = [1], strides = [1]} : vector<16xf32> to vector<1xf32>
      %squeeze3A_429 = vector.extract %slice3A_428[0] : f32 from vector<1xf32>
      %mul3A_430 = vector.broadcast %squeeze3A_429 : f32 to vector<16xf32>
      %mul3A_431 = arith.mulf %mul3A_430, %get3A_355 : vector<16xf32>
      %sub3A_432 = arith.subf %scan3A_350#8, %mul3A_431 : vector<16xf32>
      %swap3A_433 = arith.constant 8 : i32
      %swap3A_434 = arith.index_cast %swap3A_433 : i32 to index
      %swap3A_435 = arith.constant 0 : index
      %swap3A_436 = tpu.vector_load %arg13[%swap3A_434, %swap3A_435] {strides = array<i32>} : memref<16x16xf32, #tpu.memory_space<vmem>>, vector<16xf32>,
      tpu.vector_store %arg13[%swap3A_434, %swap3A_435], %sub3A_432 {strides = array<i32>} : memref<16x16xf32, #tpu.memory_space<vmem>>, vector<16xf32>,
      %slice3A_437 = vector.extract_strided_slice %scan3A_98#1 {offsets = [9], sizes = [1], strides = [1]} : vector<16xf32> to vector<1xf32>
      %squeeze3A_438 = vector.extract %slice3A_437[0] : f32 from vector<1xf32>
      %mul3A_439 = vector.broadcast %squeeze3A_438 : f32 to vector<16xf32>
      %mul3A_440 = arith.mulf %mul3A_439, %get3A_355 : vector<16xf32>
      %sub3A_441 = arith.subf %scan3A_350#9, %mul3A_440 : vector<16xf32>
      %swap3A_442 = arith.constant 9 : i32
      %swap3A_443 = arith.index_cast %swap3A_442 : i32 to index
      %swap3A_444 = arith.constant 0 : index
      %swap3A_445 = tpu.vector_load %arg13[%swap3A_443, %swap3A_444] {strides = array<i32>} : memref<16x16xf32, #tpu.memory_space<vmem>>, vector<16xf32>,
      tpu.vector_store %arg13[%swap3A_443, %swap3A_444], %sub3A_441 {strides = array<i32>} : memref<16x16xf32, #tpu.memory_space<vmem>>, vector<16xf32>,
      %slice3A_446 = vector.extract_strided_slice %scan3A_98#1 {offsets = [10], sizes = [1], strides = [1]} : vector<16xf32> to vector<1xf32>
      %squeeze3A_447 = vector.extract %slice3A_446[0] : f32 from vector<1xf32>
      %mul3A_448 = vector.broadcast %squeeze3A_447 : f32 to vector<16xf32>
      %mul3A_449 = arith.mulf %mul3A_448, %get3A_355 : vector<16xf32>
      %sub3A_450 = arith.subf %scan3A_350#10, %mul3A_449 : vector<16xf32>
      %swap3A_451 = arith.constant 10 : i32
      %swap3A_452 = arith.index_cast %swap3A_451 : i32 to index
      %swap3A_453 = arith.constant 0 : index
      %swap3A_454 = tpu.vector_load %arg13[%swap3A_452, %swap3A_453] {strides = array<i32>} : memref<16x16xf32, #tpu.memory_space<vmem>>, vector<16xf32>,
      tpu.vector_store %arg13[%swap3A_452, %swap3A_453], %sub3A_450 {strides = array<i32>} : memref<16x16xf32, #tpu.memory_space<vmem>>, vector<16xf32>,
      %slice3A_455 = vector.extract_strided_slice %scan3A_98#1 {offsets = [11], sizes = [1], strides = [1]} : vector<16xf32> to vector<1xf32>
      %squeeze3A_456 = vector.extract %slice3A_455[0] : f32 from vector<1xf32>
      %mul3A_457 = vector.broadcast %squeeze3A_456 : f32 to vector<16xf32>
      %mul3A_458 = arith.mulf %mul3A_457, %get3A_355 : vector<16xf32>
      %sub3A_459 = arith.subf %scan3A_350#11, %mul3A_458 : vector<16xf32>
      %swap3A_460 = arith.constant 11 : i32
      %swap3A_461 = arith.index_cast %swap3A_460 : i32 to index
      %swap3A_462 = arith.constant 0 : index
      %swap3A_463 = tpu.vector_load %arg13[%swap3A_461, %swap3A_462] {strides = array<i32>} : memref<16x16xf32, #tpu.memory_space<vmem>>, vector<16xf32>,
      tpu.vector_store %arg13[%swap3A_461, %swap3A_462], %sub3A_459 {strides = array<i32>} : memref<16x16xf32, #tpu.memory_space<vmem>>, vector<16xf32>,
      %slice3A_464 = vector.extract_strided_slice %scan3A_98#1 {offsets = [12], sizes = [1], strides = [1]} : vector<16xf32> to vector<1xf32>
      %squeeze3A_465 = vector.extract %slice3A_464[0] : f32 from vector<1xf32>
      %mul3A_466 = vector.broadcast %squeeze3A_465 : f32 to vector<16xf32>
      %mul3A_467 = arith.mulf %mul3A_466, %get3A_355 : vector<16xf32>
      %sub3A_468 = arith.subf %scan3A_350#12, %mul3A_467 : vector<16xf32>
      %swap3A_469 = arith.constant 12 : i32
      %swap3A_470 = arith.index_cast %swap3A_469 : i32 to index
      %swap3A_471 = arith.constant 0 : index
      %swap3A_472 = tpu.vector_load %arg13[%swap3A_470, %swap3A_471] {strides = array<i32>} : memref<16x16xf32, #tpu.memory_space<vmem>>, vector<16xf32>,
      tpu.vector_store %arg13[%swap3A_470, %swap3A_471], %sub3A_468 {strides = array<i32>} : memref<16x16xf32, #tpu.memory_space<vmem>>, vector<16xf32>,
      %slice3A_473 = vector.extract_strided_slice %scan3A_98#1 {offsets = [13], sizes = [1], strides = [1]} : vector<16xf32> to vector<1xf32>
      %squeeze3A_474 = vector.extract %slice3A_473[0] : f32 from vector<1xf32>
      %mul3A_475 = vector.broadcast %squeeze3A_474 : f32 to vector<16xf32>
      %mul3A_476 = arith.mulf %mul3A_475, %get3A_355 : vector<16xf32>
      %sub3A_477 = arith.subf %scan3A_350#13, %mul3A_476 : vector<16xf32>
      %swap3A_478 = arith.constant 13 : i32
      %swap3A_479 = arith.index_cast %swap3A_478 : i32 to index
      %swap3A_480 = arith.constant 0 : index
      %swap3A_481 = tpu.vector_load %arg13[%swap3A_479, %swap3A_480] {strides = array<i32>} : memref<16x16xf32, #tpu.memory_space<vmem>>, vector<16xf32>,
      tpu.vector_store %arg13[%swap3A_479, %swap3A_480], %sub3A_477 {strides = array<i32>} : memref<16x16xf32, #tpu.memory_space<vmem>>, vector<16xf32>,
      %slice3A_482 = vector.extract_strided_slice %scan3A_98#1 {offsets = [14], sizes = [1], strides = [1]} : vector<16xf32> to vector<1xf32>
      %squeeze3A_483 = vector.extract %slice3A_482[0] : f32 from vector<1xf32>
      %mul3A_484 = vector.broadcast %squeeze3A_483 : f32 to vector<16xf32>
      %mul3A_485 = arith.mulf %mul3A_484, %get3A_355 : vector<16xf32>
      %sub3A_486 = arith.subf %scan3A_350#14, %mul3A_485 : vector<16xf32>
      %swap3A_487 = arith.constant 14 : i32
      %swap3A_488 = arith.index_cast %swap3A_487 : i32 to index
      %swap3A_489 = arith.constant 0 : index
      %swap3A_490 = tpu.vector_load %arg13[%swap3A_488, %swap3A_489] {strides = array<i32>} : memref<16x16xf32, #tpu.memory_space<vmem>>, vector<16xf32>,
      tpu.vector_store %arg13[%swap3A_488, %swap3A_489], %sub3A_486 {strides = array<i32>} : memref<16x16xf32, #tpu.memory_space<vmem>>, vector<16xf32>,
      %slice3A_491 = vector.extract_strided_slice %scan3A_98#1 {offsets = [15], sizes = [1], strides = [1]} : vector<16xf32> to vector<1xf32>
      %squeeze3A_492 = vector.extract %slice3A_491[0] : f32 from vector<1xf32>
      %mul3A_493 = vector.broadcast %squeeze3A_492 : f32 to vector<16xf32>
      %mul3A_494 = arith.mulf %mul3A_493, %get3A_355 : vector<16xf32>
      %sub3A_495 = arith.subf %scan3A_350#15, %mul3A_494 : vector<16xf32>
      %swap3A_496 = arith.constant 15 : i32
      %swap3A_497 = arith.index_cast %swap3A_496 : i32 to index
      %swap3A_498 = arith.constant 0 : index
      %swap3A_499 = tpu.vector_load %arg13[%swap3A_497, %swap3A_498] {strides = array<i32>} : memref<16x16xf32, #tpu.memory_space<vmem>>, vector<16xf32>,
      tpu.vector_store %arg13[%swap3A_497, %swap3A_498], %sub3A_495 {strides = array<i32>} : memref<16x16xf32, #tpu.memory_space<vmem>>, vector<16xf32>,
      %swap3A_500 = arith.constant 0 : index
      %swap3A_501 = tpu.vector_load %arg14[%swap3A_500] {strides = array<i32>} : memref<16xf32, #tpu.memory_space<vmem>>, vector<16xf32>,
      tpu.vector_store %arg14[%swap3A_500], %scan3A_98#0 {strides = array<i32>} : memref<16xf32, #tpu.memory_space<vmem>>, vector<16xf32>,
      %mul3A_502 = arith.constant 16384 : i32
      %mul3A_503 = arith.muli %select_n3A, %mul3A_502 : i32
      %add3A_504 = arith.addi %mul3A_503, %mul3A_32 : i32
      %mul3A_505 = arith.constant 16 : i32
      %mul3A_506 = arith.muli %add3A_313, %mul3A_505 : i32
      %add3A_507 = arith.addi %add3A_504, %mul3A_506 : i32
      "tpu.region"() ({
        %run_scoped3A = tpu.sem_alloc : memref<!tpu.dma_semaphore, #tpu.memory_space<semaphore_mem>>
        %dma_start3A_513 = arith.constant 0 : i32
        %dma_start3A_514 = tpu.memref_slice %arg5[%add3A_507, %dma_start3A_513] : memref<65536x16xf32, #tpu.memory_space<hbm>> -> memref<16x16xf32, #tpu.memory_space<hbm>>
        %dma_start3A_515 = arith.constant 0 : i32
        %dma_start3A_516 = tpu.memref_slice %arg5[%add3A_507, %dma_start3A_515] : memref<65536x16xf32, #tpu.memory_space<hbm>> -> memref<16x16xf32, #tpu.memory_space<hbm>>
        tpu.enqueue_dma source(%arg13 : memref<16x16xf32, #tpu.memory_space<vmem>>) target(%dma_start3A_516 : memref<16x16xf32, #tpu.memory_space<hbm>>) target_semaphore(%run_scoped3A : memref<!tpu.dma_semaphore, #tpu.memory_space<semaphore_mem>>)
        %dma_wait3A_517 = arith.constant 0 : i32
        %dma_wait3A_518 = tpu.memref_slice %arg5[%add3A_507, %dma_wait3A_517] : memref<65536x16xf32, #tpu.memory_space<hbm>> -> memref<16x16xf32, #tpu.memory_space<hbm>>
        %dma_wait3A_519 = arith.constant 0 : i32
        %dma_wait3A_520 = tpu.memref_slice %arg5[%add3A_507, %dma_wait3A_519] : memref<65536x16xf32, #tpu.memory_space<hbm>> -> memref<16x16xf32, #tpu.memory_space<hbm>>
        tpu.wait_dma2 semaphore(%run_scoped3A : memref<!tpu.dma_semaphore, #tpu.memory_space<semaphore_mem>>) src(%arg13 : memref<16x16xf32, #tpu.memory_space<vmem>>) dst(%dma_wait3A_520 : memref<16x16xf32, #tpu.memory_space<hbm>>)
        tpu.yield
      }) : () -> ()
      "tpu.region"() ({
        %run_scoped3A = tpu.sem_alloc : memref<!tpu.dma_semaphore, #tpu.memory_space<semaphore_mem>>
        %dma_start3A_513 = tpu.memref_slice %arg6[%add3A_507] : memref<65536xf32, #tpu.memory_space<hbm>> -> memref<16xf32, #tpu.memory_space<hbm>>
        %dma_start3A_514 = tpu.memref_slice %arg6[%add3A_507] : memref<65536xf32, #tpu.memory_space<hbm>> -> memref<16xf32, #tpu.memory_space<hbm>>
        tpu.enqueue_dma source(%arg14 : memref<16xf32, #tpu.memory_space<vmem>>) target(%dma_start3A_514 : memref<16xf32, #tpu.memory_space<hbm>>) target_semaphore(%run_scoped3A : memref<!tpu.dma_semaphore, #tpu.memory_space<semaphore_mem>>)
        %dma_wait3A_515 = tpu.memref_slice %arg6[%add3A_507] : memref<65536xf32, #tpu.memory_space<hbm>> -> memref<16xf32, #tpu.memory_space<hbm>>
        %dma_wait3A_516 = tpu.memref_slice %arg6[%add3A_507] : memref<65536xf32, #tpu.memory_space<hbm>> -> memref<16xf32, #tpu.memory_space<hbm>>
        tpu.wait_dma2 semaphore(%run_scoped3A : memref<!tpu.dma_semaphore, #tpu.memory_space<semaphore_mem>>) src(%arg14 : memref<16xf32, #tpu.memory_space<vmem>>) dst(%dma_wait3A_516 : memref<16xf32, #tpu.memory_space<hbm>>)
        tpu.yield
      }) : () -> ()
      %dma_wait3A_508 = arith.constant 0 : i32
      %dma_wait3A_509 = tpu.memref_slice %arg4[%dma_wait3A_508] : memref<3276800xi32, #tpu.memory_space<hbm>> -> memref<3200xi32, #tpu.memory_space<hbm>>
      %dma_wait3A_510 = arith.constant 0 : i32
      %dma_wait3A_511 = tpu.memref_slice %arg4[%dma_wait3A_510] : memref<3276800xi32, #tpu.memory_space<hbm>> -> memref<3200xi32, #tpu.memory_space<hbm>>
      tpu.wait_dma2 semaphore(%arg18 : memref<!tpu.dma_semaphore, #tpu.memory_space<semaphore_mem>>) src(%dma_wait3A_511 : memref<3200xi32, #tpu.memory_space<hbm>>) dst(%arg8 : memref<3200xi32, #tpu.memory_space<vmem>>)
      %scan3A_512 = arith.constant 0 : i32
      scf.yield %scan3A_512 : i32
    }
    %scan3A_63 = arith.constant 64 : i32
    return
  }
}

#map = affine_map<(d0, d1) -> (0, 0)>
#map1 = affine_map<(d0, d1) -> (0)>
module attributes {stable_mosaic.version = 14 : i64} {
  func.func @k(%arg0: i32, %arg1: i32, %arg2: memref<2600000x16xf32, #tpu.memory_space<hbm>>, %arg3: memref<2600000xf32, #tpu.memory_space<hbm>>, %arg4: memref<425984xi32, #tpu.memory_space<hbm>>, %arg5: memref<425984xf32, #tpu.memory_space<hbm>>, %arg6: memref<425984x16xf32, #tpu.memory_space<hbm>>, %arg7: memref<425984xf32, #tpu.memory_space<hbm>>, %arg8: memref<512xi32, #tpu.memory_space<vmem>>, %arg9: memref<512xf32, #tpu.memory_space<vmem>>, %arg10: memref<512x16xf32, #tpu.memory_space<vmem>>, %arg11: memref<512xf32, #tpu.memory_space<vmem>>, %arg12: memref<!tpu.dma_semaphore, #tpu.memory_space<semaphore_mem>>, %arg13: memref<!tpu.dma_semaphore, #tpu.memory_space<semaphore_mem>>) attributes {dimension_semantics = [#tpu.dimension_semantics<core_parallel>, #tpu.dimension_semantics<subcore_parallel>], iteration_bounds = array<i64: 2, 16>, scalar_prefetch = 0 : i64, scratch_operands = 6 : i64, tpu.core_type = #tpu.core_type<sc_vector_subcore>, window_params = [{transform_indices = #map}, {transform_indices = #map1}, {transform_indices = #map1}, {transform_indices = #map1}, {transform_indices = #map}, {transform_indices = #map1}]} {
    %mul3A = arith.constant 2 : i32
    %mul3A_0 = arith.muli %arg1, %mul3A : i32
    %add3A = arith.addi %mul3A_0, %arg0 : i32
    %mul3A_1 = arith.constant 13312 : i32
    %mul3A_2 = arith.muli %add3A, %mul3A_1 : i32
    %scan3A = arith.constant 0 : i32
    %scan3A_3 = arith.constant 0 : i32
    %scan3A_4 = arith.constant 26 : i32
    %scan3A_5 = arith.addi %scan3A_3, %scan3A_4 : i32
    %scan3A_6 = arith.constant 1 : i32
    %scan3A_7 = scf.for %scan3A_9 = %scan3A_3 to %scan3A_5 step %scan3A_6 iter_args(%scan3A_10 = %scan3A) -> (i32)  : i32 {
      %mul3A_11 = arith.constant 512 : i32
      %mul3A_12 = arith.muli %scan3A_9, %mul3A_11 : i32
      %add3A_13 = arith.addi %mul3A_2, %mul3A_12 : i32
      "tpu.region"() ({
        %run_scoped3A = tpu.sem_alloc : memref<!tpu.dma_semaphore, #tpu.memory_space<semaphore_mem>>
        %dma_start3A_37 = tpu.memref_slice %arg4[%add3A_13] : memref<425984xi32, #tpu.memory_space<hbm>> -> memref<512xi32, #tpu.memory_space<hbm>>
        %dma_start3A_38 = tpu.memref_slice %arg4[%add3A_13] : memref<425984xi32, #tpu.memory_space<hbm>> -> memref<512xi32, #tpu.memory_space<hbm>>
        tpu.enqueue_dma source(%dma_start3A_38 : memref<512xi32, #tpu.memory_space<hbm>>) target(%arg8 : memref<512xi32, #tpu.memory_space<vmem>>) target_semaphore(%run_scoped3A : memref<!tpu.dma_semaphore, #tpu.memory_space<semaphore_mem>>)
        %dma_wait3A_39 = tpu.memref_slice %arg4[%add3A_13] : memref<425984xi32, #tpu.memory_space<hbm>> -> memref<512xi32, #tpu.memory_space<hbm>>
        %dma_wait3A_40 = tpu.memref_slice %arg4[%add3A_13] : memref<425984xi32, #tpu.memory_space<hbm>> -> memref<512xi32, #tpu.memory_space<hbm>>
        tpu.wait_dma2 semaphore(%run_scoped3A : memref<!tpu.dma_semaphore, #tpu.memory_space<semaphore_mem>>) src(%dma_wait3A_40 : memref<512xi32, #tpu.memory_space<hbm>>) dst(%arg8 : memref<512xi32, #tpu.memory_space<vmem>>)
        tpu.yield
      }) : () -> ()
      "tpu.region"() ({
        %run_scoped3A = tpu.sem_alloc : memref<!tpu.dma_semaphore, #tpu.memory_space<semaphore_mem>>
        %dma_start3A_37 = tpu.memref_slice %arg5[%add3A_13] : memref<425984xf32, #tpu.memory_space<hbm>> -> memref<512xf32, #tpu.memory_space<hbm>>
        %dma_start3A_38 = tpu.memref_slice %arg5[%add3A_13] : memref<425984xf32, #tpu.memory_space<hbm>> -> memref<512xf32, #tpu.memory_space<hbm>>
        tpu.enqueue_dma source(%dma_start3A_38 : memref<512xf32, #tpu.memory_space<hbm>>) target(%arg9 : memref<512xf32, #tpu.memory_space<vmem>>) target_semaphore(%run_scoped3A : memref<!tpu.dma_semaphore, #tpu.memory_space<semaphore_mem>>)
        %dma_wait3A_39 = tpu.memref_slice %arg5[%add3A_13] : memref<425984xf32, #tpu.memory_space<hbm>> -> memref<512xf32, #tpu.memory_space<hbm>>
        %dma_wait3A_40 = tpu.memref_slice %arg5[%add3A_13] : memref<425984xf32, #tpu.memory_space<hbm>> -> memref<512xf32, #tpu.memory_space<hbm>>
        tpu.wait_dma2 semaphore(%run_scoped3A : memref<!tpu.dma_semaphore, #tpu.memory_space<semaphore_mem>>) src(%dma_wait3A_40 : memref<512xf32, #tpu.memory_space<hbm>>) dst(%arg9 : memref<512xf32, #tpu.memory_space<vmem>>)
        tpu.yield
      }) : () -> ()
      %dma_start3A = arith.constant 0 : i32
      %dma_start3A_14 = arith.constant 0 : i32
      %dma_start3A_15 = tpu.memref_slice %arg2[%dma_start3A, %dma_start3A_14] : memref<2600000x16xf32, #tpu.memory_space<hbm>> -> memref<2600000x16xf32, #tpu.memory_space<hbm>>
      tpu.enqueue_indirect_dma source(%dma_start3A_15 : memref<2600000x16xf32, #tpu.memory_space<hbm>>) target(%arg10 : memref<512x16xf32, #tpu.memory_space<vmem>>) offsets(%arg8 : memref<512xi32, #tpu.memory_space<vmem>>) semaphore(%arg12 : memref<!tpu.dma_semaphore, #tpu.memory_space<semaphore_mem>>)
      %dma_start3A_16 = arith.constant 0 : i32
      %dma_start3A_17 = tpu.memref_slice %arg3[%dma_start3A_16] : memref<2600000xf32, #tpu.memory_space<hbm>> -> memref<2600000xf32, #tpu.memory_space<hbm>>
      tpu.enqueue_indirect_dma source(%dma_start3A_17 : memref<2600000xf32, #tpu.memory_space<hbm>>) target(%arg11 : memref<512xf32, #tpu.memory_space<vmem>>) offsets(%arg8 : memref<512xi32, #tpu.memory_space<vmem>>) semaphore(%arg13 : memref<!tpu.dma_semaphore, #tpu.memory_space<semaphore_mem>>)
      %dma_wait3A = arith.constant 0 : i32
      %dma_wait3A_18 = arith.constant 0 : i32
      %dma_wait3A_19 = tpu.memref_slice %arg2[%dma_wait3A, %dma_wait3A_18] : memref<2600000x16xf32, #tpu.memory_space<hbm>> -> memref<2600000x16xf32, #tpu.memory_space<hbm>>
      tpu.wait_indirect_dma semaphore(%arg12 : memref<!tpu.dma_semaphore, #tpu.memory_space<semaphore_mem>>) src(%dma_wait3A_19 : memref<2600000x16xf32, #tpu.memory_space<hbm>>) dst(%arg10 : memref<512x16xf32, #tpu.memory_space<vmem>>)
      %dma_wait3A_20 = arith.constant 0 : i32
      %dma_wait3A_21 = tpu.memref_slice %arg3[%dma_wait3A_20] : memref<2600000xf32, #tpu.memory_space<hbm>> -> memref<2600000xf32, #tpu.memory_space<hbm>>
      tpu.wait_indirect_dma semaphore(%arg13 : memref<!tpu.dma_semaphore, #tpu.memory_space<semaphore_mem>>) src(%dma_wait3A_21 : memref<2600000xf32, #tpu.memory_space<hbm>>) dst(%arg11 : memref<512xf32, #tpu.memory_space<vmem>>)
      %scan3A_22 = arith.constant 0 : i32
      %scan3A_23 = arith.constant 0 : i32
      %scan3A_24 = arith.constant 32 : i32
      %scan3A_25 = arith.addi %scan3A_23, %scan3A_24 : i32
      %scan3A_26 = arith.constant 1 : i32
      %scan3A_27 = scf.for %scan3A_37 = %scan3A_23 to %scan3A_25 step %scan3A_26 iter_args(%scan3A_38 = %scan3A_22) -> (i32)  : i32 {
        %mul3A_39 = arith.constant 16 : i32
        %mul3A_40 = arith.muli %scan3A_37, %mul3A_39 : i32
        %get3A = arith.index_cast %mul3A_40 : i32 to index
        %get3A_41 = tpu.vector_load %arg9[%get3A] {strides = array<i32>} : memref<512xf32, #tpu.memory_space<vmem>>, vector<16xf32>,
        %add3A_42 = arith.constant 0 : i32
        %add3A_43 = arith.addi %mul3A_40, %add3A_42 : i32
        %get3A_44 = arith.index_cast %add3A_43 : i32 to index
        %get3A_45 = arith.constant 0 : index
        %get3A_46 = tpu.vector_load %arg10[%get3A_44, %get3A_45] {strides = array<i32>} : memref<512x16xf32, #tpu.memory_space<vmem>>, vector<16xf32>,
        %slice3A = vector.extract_strided_slice %get3A_41 {offsets = [0], sizes = [1], strides = [1]} : vector<16xf32> to vector<1xf32>
        %squeeze3A = vector.extract %slice3A[0] : f32 from vector<1xf32>
        %mul3A_47 = vector.broadcast %squeeze3A : f32 to vector<16xf32>
        %mul3A_48 = arith.mulf %get3A_46, %mul3A_47 : vector<16xf32>
        %add3A_49 = arith.constant 0 : i32
        %add3A_50 = arith.addi %mul3A_40, %add3A_49 : i32
        %swap3A = arith.index_cast %add3A_50 : i32 to index
        %swap3A_51 = arith.constant 0 : index
        %swap3A_52 = tpu.vector_load %arg10[%swap3A, %swap3A_51] {strides = array<i32>} : memref<512x16xf32, #tpu.memory_space<vmem>>, vector<16xf32>,
        tpu.vector_store %arg10[%swap3A, %swap3A_51], %mul3A_48 {strides = array<i32>} : memref<512x16xf32, #tpu.memory_space<vmem>>, vector<16xf32>,
        %add3A_53 = arith.constant 1 : i32
        %add3A_54 = arith.addi %mul3A_40, %add3A_53 : i32
        %get3A_55 = arith.index_cast %add3A_54 : i32 to index
        %get3A_56 = arith.constant 0 : index
        %get3A_57 = tpu.vector_load %arg10[%get3A_55, %get3A_56] {strides = array<i32>} : memref<512x16xf32, #tpu.memory_space<vmem>>, vector<16xf32>,
        %slice3A_58 = vector.extract_strided_slice %get3A_41 {offsets = [1], sizes = [1], strides = [1]} : vector<16xf32> to vector<1xf32>
        %squeeze3A_59 = vector.extract %slice3A_58[0] : f32 from vector<1xf32>
        %mul3A_60 = vector.broadcast %squeeze3A_59 : f32 to vector<16xf32>
        %mul3A_61 = arith.mulf %get3A_57, %mul3A_60 : vector<16xf32>
        %add3A_62 = arith.constant 1 : i32
        %add3A_63 = arith.addi %mul3A_40, %add3A_62 : i32
        %swap3A_64 = arith.index_cast %add3A_63 : i32 to index
        %swap3A_65 = arith.constant 0 : index
        %swap3A_66 = tpu.vector_load %arg10[%swap3A_64, %swap3A_65] {strides = array<i32>} : memref<512x16xf32, #tpu.memory_space<vmem>>, vector<16xf32>,
        tpu.vector_store %arg10[%swap3A_64, %swap3A_65], %mul3A_61 {strides = array<i32>} : memref<512x16xf32, #tpu.memory_space<vmem>>, vector<16xf32>,
        %add3A_67 = arith.constant 2 : i32
        %add3A_68 = arith.addi %mul3A_40, %add3A_67 : i32
        %get3A_69 = arith.index_cast %add3A_68 : i32 to index
        %get3A_70 = arith.constant 0 : index
        %get3A_71 = tpu.vector_load %arg10[%get3A_69, %get3A_70] {strides = array<i32>} : memref<512x16xf32, #tpu.memory_space<vmem>>, vector<16xf32>,
        %slice3A_72 = vector.extract_strided_slice %get3A_41 {offsets = [2], sizes = [1], strides = [1]} : vector<16xf32> to vector<1xf32>
        %squeeze3A_73 = vector.extract %slice3A_72[0] : f32 from vector<1xf32>
        %mul3A_74 = vector.broadcast %squeeze3A_73 : f32 to vector<16xf32>
        %mul3A_75 = arith.mulf %get3A_71, %mul3A_74 : vector<16xf32>
        %add3A_76 = arith.constant 2 : i32
        %add3A_77 = arith.addi %mul3A_40, %add3A_76 : i32
        %swap3A_78 = arith.index_cast %add3A_77 : i32 to index
        %swap3A_79 = arith.constant 0 : index
        %swap3A_80 = tpu.vector_load %arg10[%swap3A_78, %swap3A_79] {strides = array<i32>} : memref<512x16xf32, #tpu.memory_space<vmem>>, vector<16xf32>,
        tpu.vector_store %arg10[%swap3A_78, %swap3A_79], %mul3A_75 {strides = array<i32>} : memref<512x16xf32, #tpu.memory_space<vmem>>, vector<16xf32>,
        %add3A_81 = arith.constant 3 : i32
        %add3A_82 = arith.addi %mul3A_40, %add3A_81 : i32
        %get3A_83 = arith.index_cast %add3A_82 : i32 to index
        %get3A_84 = arith.constant 0 : index
        %get3A_85 = tpu.vector_load %arg10[%get3A_83, %get3A_84] {strides = array<i32>} : memref<512x16xf32, #tpu.memory_space<vmem>>, vector<16xf32>,
        %slice3A_86 = vector.extract_strided_slice %get3A_41 {offsets = [3], sizes = [1], strides = [1]} : vector<16xf32> to vector<1xf32>
        %squeeze3A_87 = vector.extract %slice3A_86[0] : f32 from vector<1xf32>
        %mul3A_88 = vector.broadcast %squeeze3A_87 : f32 to vector<16xf32>
        %mul3A_89 = arith.mulf %get3A_85, %mul3A_88 : vector<16xf32>
        %add3A_90 = arith.constant 3 : i32
        %add3A_91 = arith.addi %mul3A_40, %add3A_90 : i32
        %swap3A_92 = arith.index_cast %add3A_91 : i32 to index
        %swap3A_93 = arith.constant 0 : index
        %swap3A_94 = tpu.vector_load %arg10[%swap3A_92, %swap3A_93] {strides = array<i32>} : memref<512x16xf32, #tpu.memory_space<vmem>>, vector<16xf32>,
        tpu.vector_store %arg10[%swap3A_92, %swap3A_93], %mul3A_89 {strides = array<i32>} : memref<512x16xf32, #tpu.memory_space<vmem>>, vector<16xf32>,
        %add3A_95 = arith.constant 4 : i32
        %add3A_96 = arith.addi %mul3A_40, %add3A_95 : i32
        %get3A_97 = arith.index_cast %add3A_96 : i32 to index
        %get3A_98 = arith.constant 0 : index
        %get3A_99 = tpu.vector_load %arg10[%get3A_97, %get3A_98] {strides = array<i32>} : memref<512x16xf32, #tpu.memory_space<vmem>>, vector<16xf32>,
        %slice3A_100 = vector.extract_strided_slice %get3A_41 {offsets = [4], sizes = [1], strides = [1]} : vector<16xf32> to vector<1xf32>
        %squeeze3A_101 = vector.extract %slice3A_100[0] : f32 from vector<1xf32>
        %mul3A_102 = vector.broadcast %squeeze3A_101 : f32 to vector<16xf32>
        %mul3A_103 = arith.mulf %get3A_99, %mul3A_102 : vector<16xf32>
        %add3A_104 = arith.constant 4 : i32
        %add3A_105 = arith.addi %mul3A_40, %add3A_104 : i32
        %swap3A_106 = arith.index_cast %add3A_105 : i32 to index
        %swap3A_107 = arith.constant 0 : index
        %swap3A_108 = tpu.vector_load %arg10[%swap3A_106, %swap3A_107] {strides = array<i32>} : memref<512x16xf32, #tpu.memory_space<vmem>>, vector<16xf32>,
        tpu.vector_store %arg10[%swap3A_106, %swap3A_107], %mul3A_103 {strides = array<i32>} : memref<512x16xf32, #tpu.memory_space<vmem>>, vector<16xf32>,
        %add3A_109 = arith.constant 5 : i32
        %add3A_110 = arith.addi %mul3A_40, %add3A_109 : i32
        %get3A_111 = arith.index_cast %add3A_110 : i32 to index
        %get3A_112 = arith.constant 0 : index
        %get3A_113 = tpu.vector_load %arg10[%get3A_111, %get3A_112] {strides = array<i32>} : memref<512x16xf32, #tpu.memory_space<vmem>>, vector<16xf32>,
        %slice3A_114 = vector.extract_strided_slice %get3A_41 {offsets = [5], sizes = [1], strides = [1]} : vector<16xf32> to vector<1xf32>
        %squeeze3A_115 = vector.extract %slice3A_114[0] : f32 from vector<1xf32>
        %mul3A_116 = vector.broadcast %squeeze3A_115 : f32 to vector<16xf32>
        %mul3A_117 = arith.mulf %get3A_113, %mul3A_116 : vector<16xf32>
        %add3A_118 = arith.constant 5 : i32
        %add3A_119 = arith.addi %mul3A_40, %add3A_118 : i32
        %swap3A_120 = arith.index_cast %add3A_119 : i32 to index
        %swap3A_121 = arith.constant 0 : index
        %swap3A_122 = tpu.vector_load %arg10[%swap3A_120, %swap3A_121] {strides = array<i32>} : memref<512x16xf32, #tpu.memory_space<vmem>>, vector<16xf32>,
        tpu.vector_store %arg10[%swap3A_120, %swap3A_121], %mul3A_117 {strides = array<i32>} : memref<512x16xf32, #tpu.memory_space<vmem>>, vector<16xf32>,
        %add3A_123 = arith.constant 6 : i32
        %add3A_124 = arith.addi %mul3A_40, %add3A_123 : i32
        %get3A_125 = arith.index_cast %add3A_124 : i32 to index
        %get3A_126 = arith.constant 0 : index
        %get3A_127 = tpu.vector_load %arg10[%get3A_125, %get3A_126] {strides = array<i32>} : memref<512x16xf32, #tpu.memory_space<vmem>>, vector<16xf32>,
        %slice3A_128 = vector.extract_strided_slice %get3A_41 {offsets = [6], sizes = [1], strides = [1]} : vector<16xf32> to vector<1xf32>
        %squeeze3A_129 = vector.extract %slice3A_128[0] : f32 from vector<1xf32>
        %mul3A_130 = vector.broadcast %squeeze3A_129 : f32 to vector<16xf32>
        %mul3A_131 = arith.mulf %get3A_127, %mul3A_130 : vector<16xf32>
        %add3A_132 = arith.constant 6 : i32
        %add3A_133 = arith.addi %mul3A_40, %add3A_132 : i32
        %swap3A_134 = arith.index_cast %add3A_133 : i32 to index
        %swap3A_135 = arith.constant 0 : index
        %swap3A_136 = tpu.vector_load %arg10[%swap3A_134, %swap3A_135] {strides = array<i32>} : memref<512x16xf32, #tpu.memory_space<vmem>>, vector<16xf32>,
        tpu.vector_store %arg10[%swap3A_134, %swap3A_135], %mul3A_131 {strides = array<i32>} : memref<512x16xf32, #tpu.memory_space<vmem>>, vector<16xf32>,
        %add3A_137 = arith.constant 7 : i32
        %add3A_138 = arith.addi %mul3A_40, %add3A_137 : i32
        %get3A_139 = arith.index_cast %add3A_138 : i32 to index
        %get3A_140 = arith.constant 0 : index
        %get3A_141 = tpu.vector_load %arg10[%get3A_139, %get3A_140] {strides = array<i32>} : memref<512x16xf32, #tpu.memory_space<vmem>>, vector<16xf32>,
        %slice3A_142 = vector.extract_strided_slice %get3A_41 {offsets = [7], sizes = [1], strides = [1]} : vector<16xf32> to vector<1xf32>
        %squeeze3A_143 = vector.extract %slice3A_142[0] : f32 from vector<1xf32>
        %mul3A_144 = vector.broadcast %squeeze3A_143 : f32 to vector<16xf32>
        %mul3A_145 = arith.mulf %get3A_141, %mul3A_144 : vector<16xf32>
        %add3A_146 = arith.constant 7 : i32
        %add3A_147 = arith.addi %mul3A_40, %add3A_146 : i32
        %swap3A_148 = arith.index_cast %add3A_147 : i32 to index
        %swap3A_149 = arith.constant 0 : index
        %swap3A_150 = tpu.vector_load %arg10[%swap3A_148, %swap3A_149] {strides = array<i32>} : memref<512x16xf32, #tpu.memory_space<vmem>>, vector<16xf32>,
        tpu.vector_store %arg10[%swap3A_148, %swap3A_149], %mul3A_145 {strides = array<i32>} : memref<512x16xf32, #tpu.memory_space<vmem>>, vector<16xf32>,
        %add3A_151 = arith.constant 8 : i32
        %add3A_152 = arith.addi %mul3A_40, %add3A_151 : i32
        %get3A_153 = arith.index_cast %add3A_152 : i32 to index
        %get3A_154 = arith.constant 0 : index
        %get3A_155 = tpu.vector_load %arg10[%get3A_153, %get3A_154] {strides = array<i32>} : memref<512x16xf32, #tpu.memory_space<vmem>>, vector<16xf32>,
        %slice3A_156 = vector.extract_strided_slice %get3A_41 {offsets = [8], sizes = [1], strides = [1]} : vector<16xf32> to vector<1xf32>
        %squeeze3A_157 = vector.extract %slice3A_156[0] : f32 from vector<1xf32>
        %mul3A_158 = vector.broadcast %squeeze3A_157 : f32 to vector<16xf32>
        %mul3A_159 = arith.mulf %get3A_155, %mul3A_158 : vector<16xf32>
        %add3A_160 = arith.constant 8 : i32
        %add3A_161 = arith.addi %mul3A_40, %add3A_160 : i32
        %swap3A_162 = arith.index_cast %add3A_161 : i32 to index
        %swap3A_163 = arith.constant 0 : index
        %swap3A_164 = tpu.vector_load %arg10[%swap3A_162, %swap3A_163] {strides = array<i32>} : memref<512x16xf32, #tpu.memory_space<vmem>>, vector<16xf32>,
        tpu.vector_store %arg10[%swap3A_162, %swap3A_163], %mul3A_159 {strides = array<i32>} : memref<512x16xf32, #tpu.memory_space<vmem>>, vector<16xf32>,
        %add3A_165 = arith.constant 9 : i32
        %add3A_166 = arith.addi %mul3A_40, %add3A_165 : i32
        %get3A_167 = arith.index_cast %add3A_166 : i32 to index
        %get3A_168 = arith.constant 0 : index
        %get3A_169 = tpu.vector_load %arg10[%get3A_167, %get3A_168] {strides = array<i32>} : memref<512x16xf32, #tpu.memory_space<vmem>>, vector<16xf32>,
        %slice3A_170 = vector.extract_strided_slice %get3A_41 {offsets = [9], sizes = [1], strides = [1]} : vector<16xf32> to vector<1xf32>
        %squeeze3A_171 = vector.extract %slice3A_170[0] : f32 from vector<1xf32>
        %mul3A_172 = vector.broadcast %squeeze3A_171 : f32 to vector<16xf32>
        %mul3A_173 = arith.mulf %get3A_169, %mul3A_172 : vector<16xf32>
        %add3A_174 = arith.constant 9 : i32
        %add3A_175 = arith.addi %mul3A_40, %add3A_174 : i32
        %swap3A_176 = arith.index_cast %add3A_175 : i32 to index
        %swap3A_177 = arith.constant 0 : index
        %swap3A_178 = tpu.vector_load %arg10[%swap3A_176, %swap3A_177] {strides = array<i32>} : memref<512x16xf32, #tpu.memory_space<vmem>>, vector<16xf32>,
        tpu.vector_store %arg10[%swap3A_176, %swap3A_177], %mul3A_173 {strides = array<i32>} : memref<512x16xf32, #tpu.memory_space<vmem>>, vector<16xf32>,
        %add3A_179 = arith.constant 10 : i32
        %add3A_180 = arith.addi %mul3A_40, %add3A_179 : i32
        %get3A_181 = arith.index_cast %add3A_180 : i32 to index
        %get3A_182 = arith.constant 0 : index
        %get3A_183 = tpu.vector_load %arg10[%get3A_181, %get3A_182] {strides = array<i32>} : memref<512x16xf32, #tpu.memory_space<vmem>>, vector<16xf32>,
        %slice3A_184 = vector.extract_strided_slice %get3A_41 {offsets = [10], sizes = [1], strides = [1]} : vector<16xf32> to vector<1xf32>
        %squeeze3A_185 = vector.extract %slice3A_184[0] : f32 from vector<1xf32>
        %mul3A_186 = vector.broadcast %squeeze3A_185 : f32 to vector<16xf32>
        %mul3A_187 = arith.mulf %get3A_183, %mul3A_186 : vector<16xf32>
        %add3A_188 = arith.constant 10 : i32
        %add3A_189 = arith.addi %mul3A_40, %add3A_188 : i32
        %swap3A_190 = arith.index_cast %add3A_189 : i32 to index
        %swap3A_191 = arith.constant 0 : index
        %swap3A_192 = tpu.vector_load %arg10[%swap3A_190, %swap3A_191] {strides = array<i32>} : memref<512x16xf32, #tpu.memory_space<vmem>>, vector<16xf32>,
        tpu.vector_store %arg10[%swap3A_190, %swap3A_191], %mul3A_187 {strides = array<i32>} : memref<512x16xf32, #tpu.memory_space<vmem>>, vector<16xf32>,
        %add3A_193 = arith.constant 11 : i32
        %add3A_194 = arith.addi %mul3A_40, %add3A_193 : i32
        %get3A_195 = arith.index_cast %add3A_194 : i32 to index
        %get3A_196 = arith.constant 0 : index
        %get3A_197 = tpu.vector_load %arg10[%get3A_195, %get3A_196] {strides = array<i32>} : memref<512x16xf32, #tpu.memory_space<vmem>>, vector<16xf32>,
        %slice3A_198 = vector.extract_strided_slice %get3A_41 {offsets = [11], sizes = [1], strides = [1]} : vector<16xf32> to vector<1xf32>
        %squeeze3A_199 = vector.extract %slice3A_198[0] : f32 from vector<1xf32>
        %mul3A_200 = vector.broadcast %squeeze3A_199 : f32 to vector<16xf32>
        %mul3A_201 = arith.mulf %get3A_197, %mul3A_200 : vector<16xf32>
        %add3A_202 = arith.constant 11 : i32
        %add3A_203 = arith.addi %mul3A_40, %add3A_202 : i32
        %swap3A_204 = arith.index_cast %add3A_203 : i32 to index
        %swap3A_205 = arith.constant 0 : index
        %swap3A_206 = tpu.vector_load %arg10[%swap3A_204, %swap3A_205] {strides = array<i32>} : memref<512x16xf32, #tpu.memory_space<vmem>>, vector<16xf32>,
        tpu.vector_store %arg10[%swap3A_204, %swap3A_205], %mul3A_201 {strides = array<i32>} : memref<512x16xf32, #tpu.memory_space<vmem>>, vector<16xf32>,
        %add3A_207 = arith.constant 12 : i32
        %add3A_208 = arith.addi %mul3A_40, %add3A_207 : i32
        %get3A_209 = arith.index_cast %add3A_208 : i32 to index
        %get3A_210 = arith.constant 0 : index
        %get3A_211 = tpu.vector_load %arg10[%get3A_209, %get3A_210] {strides = array<i32>} : memref<512x16xf32, #tpu.memory_space<vmem>>, vector<16xf32>,
        %slice3A_212 = vector.extract_strided_slice %get3A_41 {offsets = [12], sizes = [1], strides = [1]} : vector<16xf32> to vector<1xf32>
        %squeeze3A_213 = vector.extract %slice3A_212[0] : f32 from vector<1xf32>
        %mul3A_214 = vector.broadcast %squeeze3A_213 : f32 to vector<16xf32>
        %mul3A_215 = arith.mulf %get3A_211, %mul3A_214 : vector<16xf32>
        %add3A_216 = arith.constant 12 : i32
        %add3A_217 = arith.addi %mul3A_40, %add3A_216 : i32
        %swap3A_218 = arith.index_cast %add3A_217 : i32 to index
        %swap3A_219 = arith.constant 0 : index
        %swap3A_220 = tpu.vector_load %arg10[%swap3A_218, %swap3A_219] {strides = array<i32>} : memref<512x16xf32, #tpu.memory_space<vmem>>, vector<16xf32>,
        tpu.vector_store %arg10[%swap3A_218, %swap3A_219], %mul3A_215 {strides = array<i32>} : memref<512x16xf32, #tpu.memory_space<vmem>>, vector<16xf32>,
        %add3A_221 = arith.constant 13 : i32
        %add3A_222 = arith.addi %mul3A_40, %add3A_221 : i32
        %get3A_223 = arith.index_cast %add3A_222 : i32 to index
        %get3A_224 = arith.constant 0 : index
        %get3A_225 = tpu.vector_load %arg10[%get3A_223, %get3A_224] {strides = array<i32>} : memref<512x16xf32, #tpu.memory_space<vmem>>, vector<16xf32>,
        %slice3A_226 = vector.extract_strided_slice %get3A_41 {offsets = [13], sizes = [1], strides = [1]} : vector<16xf32> to vector<1xf32>
        %squeeze3A_227 = vector.extract %slice3A_226[0] : f32 from vector<1xf32>
        %mul3A_228 = vector.broadcast %squeeze3A_227 : f32 to vector<16xf32>
        %mul3A_229 = arith.mulf %get3A_225, %mul3A_228 : vector<16xf32>
        %add3A_230 = arith.constant 13 : i32
        %add3A_231 = arith.addi %mul3A_40, %add3A_230 : i32
        %swap3A_232 = arith.index_cast %add3A_231 : i32 to index
        %swap3A_233 = arith.constant 0 : index
        %swap3A_234 = tpu.vector_load %arg10[%swap3A_232, %swap3A_233] {strides = array<i32>} : memref<512x16xf32, #tpu.memory_space<vmem>>, vector<16xf32>,
        tpu.vector_store %arg10[%swap3A_232, %swap3A_233], %mul3A_229 {strides = array<i32>} : memref<512x16xf32, #tpu.memory_space<vmem>>, vector<16xf32>,
        %add3A_235 = arith.constant 14 : i32
        %add3A_236 = arith.addi %mul3A_40, %add3A_235 : i32
        %get3A_237 = arith.index_cast %add3A_236 : i32 to index
        %get3A_238 = arith.constant 0 : index
        %get3A_239 = tpu.vector_load %arg10[%get3A_237, %get3A_238] {strides = array<i32>} : memref<512x16xf32, #tpu.memory_space<vmem>>, vector<16xf32>,
        %slice3A_240 = vector.extract_strided_slice %get3A_41 {offsets = [14], sizes = [1], strides = [1]} : vector<16xf32> to vector<1xf32>
        %squeeze3A_241 = vector.extract %slice3A_240[0] : f32 from vector<1xf32>
        %mul3A_242 = vector.broadcast %squeeze3A_241 : f32 to vector<16xf32>
        %mul3A_243 = arith.mulf %get3A_239, %mul3A_242 : vector<16xf32>
        %add3A_244 = arith.constant 14 : i32
        %add3A_245 = arith.addi %mul3A_40, %add3A_244 : i32
        %swap3A_246 = arith.index_cast %add3A_245 : i32 to index
        %swap3A_247 = arith.constant 0 : index
        %swap3A_248 = tpu.vector_load %arg10[%swap3A_246, %swap3A_247] {strides = array<i32>} : memref<512x16xf32, #tpu.memory_space<vmem>>, vector<16xf32>,
        tpu.vector_store %arg10[%swap3A_246, %swap3A_247], %mul3A_243 {strides = array<i32>} : memref<512x16xf32, #tpu.memory_space<vmem>>, vector<16xf32>,
        %add3A_249 = arith.constant 15 : i32
        %add3A_250 = arith.addi %mul3A_40, %add3A_249 : i32
        %get3A_251 = arith.index_cast %add3A_250 : i32 to index
        %get3A_252 = arith.constant 0 : index
        %get3A_253 = tpu.vector_load %arg10[%get3A_251, %get3A_252] {strides = array<i32>} : memref<512x16xf32, #tpu.memory_space<vmem>>, vector<16xf32>,
        %slice3A_254 = vector.extract_strided_slice %get3A_41 {offsets = [15], sizes = [1], strides = [1]} : vector<16xf32> to vector<1xf32>
        %squeeze3A_255 = vector.extract %slice3A_254[0] : f32 from vector<1xf32>
        %mul3A_256 = vector.broadcast %squeeze3A_255 : f32 to vector<16xf32>
        %mul3A_257 = arith.mulf %get3A_253, %mul3A_256 : vector<16xf32>
        %add3A_258 = arith.constant 15 : i32
        %add3A_259 = arith.addi %mul3A_40, %add3A_258 : i32
        %swap3A_260 = arith.index_cast %add3A_259 : i32 to index
        %swap3A_261 = arith.constant 0 : index
        %swap3A_262 = tpu.vector_load %arg10[%swap3A_260, %swap3A_261] {strides = array<i32>} : memref<512x16xf32, #tpu.memory_space<vmem>>, vector<16xf32>,
        tpu.vector_store %arg10[%swap3A_260, %swap3A_261], %mul3A_257 {strides = array<i32>} : memref<512x16xf32, #tpu.memory_space<vmem>>, vector<16xf32>,
        %scan3A_263 = arith.constant 0 : i32
        scf.yield %scan3A_263 : i32
      }
      %scan3A_28 = arith.constant 32 : i32
      %scan3A_29 = arith.constant 0 : i32
      %scan3A_30 = arith.constant 0 : i32
      %scan3A_31 = arith.constant 32 : i32
      %scan3A_32 = arith.addi %scan3A_30, %scan3A_31 : i32
      %scan3A_33 = arith.constant 1 : i32
      %scan3A_34 = scf.for %scan3A_37 = %scan3A_30 to %scan3A_32 step %scan3A_33 iter_args(%scan3A_38 = %scan3A_29) -> (i32)  : i32 {
        %mul3A_39 = arith.constant 16 : i32
        %mul3A_40 = arith.muli %scan3A_37, %mul3A_39 : i32
        %get3A = arith.index_cast %mul3A_40 : i32 to index
        %get3A_41 = tpu.vector_load %arg11[%get3A] {strides = array<i32>} : memref<512xf32, #tpu.memory_space<vmem>>, vector<16xf32>,
        %get3A_42 = arith.index_cast %mul3A_40 : i32 to index
        %get3A_43 = tpu.vector_load %arg9[%get3A_42] {strides = array<i32>} : memref<512xf32, #tpu.memory_space<vmem>>, vector<16xf32>,
        %mul3A_44 = arith.mulf %get3A_41, %get3A_43 : vector<16xf32>
        %swap3A = arith.index_cast %mul3A_40 : i32 to index
        %swap3A_45 = tpu.vector_load %arg11[%swap3A] {strides = array<i32>} : memref<512xf32, #tpu.memory_space<vmem>>, vector<16xf32>,
        tpu.vector_store %arg11[%swap3A], %mul3A_44 {strides = array<i32>} : memref<512xf32, #tpu.memory_space<vmem>>, vector<16xf32>,
        %scan3A_46 = arith.constant 0 : i32
        scf.yield %scan3A_46 : i32
      }
      %scan3A_35 = arith.constant 32 : i32
      "tpu.region"() ({
        %run_scoped3A = tpu.sem_alloc : memref<!tpu.dma_semaphore, #tpu.memory_space<semaphore_mem>>
        %dma_start3A_37 = arith.constant 0 : i32
        %dma_start3A_38 = tpu.memref_slice %arg6[%add3A_13, %dma_start3A_37] : memref<425984x16xf32, #tpu.memory_space<hbm>> -> memref<512x16xf32, #tpu.memory_space<hbm>>
        %dma_start3A_39 = arith.constant 0 : i32
        %dma_start3A_40 = tpu.memref_slice %arg6[%add3A_13, %dma_start3A_39] : memref<425984x16xf32, #tpu.memory_space<hbm>> -> memref<512x16xf32, #tpu.memory_space<hbm>>
        tpu.enqueue_dma source(%arg10 : memref<512x16xf32, #tpu.memory_space<vmem>>) target(%dma_start3A_40 : memref<512x16xf32, #tpu.memory_space<hbm>>) target_semaphore(%run_scoped3A : memref<!tpu.dma_semaphore, #tpu.memory_space<semaphore_mem>>)
        %dma_wait3A_41 = arith.constant 0 : i32
        %dma_wait3A_42 = tpu.memref_slice %arg6[%add3A_13, %dma_wait3A_41] : memref<425984x16xf32, #tpu.memory_space<hbm>> -> memref<512x16xf32, #tpu.memory_space<hbm>>
        %dma_wait3A_43 = arith.constant 0 : i32
        %dma_wait3A_44 = tpu.memref_slice %arg6[%add3A_13, %dma_wait3A_43] : memref<425984x16xf32, #tpu.memory_space<hbm>> -> memref<512x16xf32, #tpu.memory_space<hbm>>
        tpu.wait_dma2 semaphore(%run_scoped3A : memref<!tpu.dma_semaphore, #tpu.memory_space<semaphore_mem>>) src(%arg10 : memref<512x16xf32, #tpu.memory_space<vmem>>) dst(%dma_wait3A_44 : memref<512x16xf32, #tpu.memory_space<hbm>>)
        tpu.yield
      }) : () -> ()
      "tpu.region"() ({
        %run_scoped3A = tpu.sem_alloc : memref<!tpu.dma_semaphore, #tpu.memory_space<semaphore_mem>>
        %dma_start3A_37 = tpu.memref_slice %arg7[%add3A_13] : memref<425984xf32, #tpu.memory_space<hbm>> -> memref<512xf32, #tpu.memory_space<hbm>>
        %dma_start3A_38 = tpu.memref_slice %arg7[%add3A_13] : memref<425984xf32, #tpu.memory_space<hbm>> -> memref<512xf32, #tpu.memory_space<hbm>>
        tpu.enqueue_dma source(%arg11 : memref<512xf32, #tpu.memory_space<vmem>>) target(%dma_start3A_38 : memref<512xf32, #tpu.memory_space<hbm>>) target_semaphore(%run_scoped3A : memref<!tpu.dma_semaphore, #tpu.memory_space<semaphore_mem>>)
        %dma_wait3A_39 = tpu.memref_slice %arg7[%add3A_13] : memref<425984xf32, #tpu.memory_space<hbm>> -> memref<512xf32, #tpu.memory_space<hbm>>
        %dma_wait3A_40 = tpu.memref_slice %arg7[%add3A_13] : memref<425984xf32, #tpu.memory_space<hbm>> -> memref<512xf32, #tpu.memory_space<hbm>>
        tpu.wait_dma2 semaphore(%run_scoped3A : memref<!tpu.dma_semaphore, #tpu.memory_space<semaphore_mem>>) src(%arg11 : memref<512xf32, #tpu.memory_space<vmem>>) dst(%dma_wait3A_40 : memref<512xf32, #tpu.memory_space<hbm>>)
        tpu.yield
      }) : () -> ()
      %scan3A_36 = arith.constant 0 : i32
      scf.yield %scan3A_36 : i32
    }
    %scan3A_8 = arith.constant 26 : i32
    return
  }
}

module attributes {stable_mosaic.version = 14 : i64} {
  func.func @_k1a_body(%arg0: i32, %arg1: memref<512x416xf32, #tpu.memory_space<vmem>>, %arg2: memref<416x300xf32, #tpu.memory_space<vmem>>, %arg3: memref<1x300xf32, #tpu.memory_space<vmem>>, %arg4: memref<416x16xf32, #tpu.memory_space<vmem>>, %arg5: memref<512x300xf32, #tpu.memory_space<vmem>>, %arg6: memref<1x1x300xf32, #tpu.memory_space<vmem>>, %arg7: memref<1x1x300xf32, #tpu.memory_space<vmem>>, %arg8: memref<512x16xf32, #tpu.memory_space<vmem>>, %arg9: memref<512x16xf32, #tpu.memory_space<vmem>>) attributes {dimension_semantics = [#tpu.dimension_semantics<arbitrary>], iteration_bounds = array<i64: 32>, scalar_prefetch = 0 : i64, scratch_operands = 0 : i64, tpu.core_type = #tpu.core_type<tc>, window_params = [{transform_indices = @transform_0, window_bounds = array<i64: 512, 416>}, {pipeline_mode = #tpu.pipeline_mode<synchronous>, transform_indices = @transform_1, window_bounds = array<i64: 416, 300>}, {pipeline_mode = #tpu.pipeline_mode<synchronous>, transform_indices = @transform_2, window_bounds = array<i64: 1, 300>}, {pipeline_mode = #tpu.pipeline_mode<synchronous>, transform_indices = @transform_3, window_bounds = array<i64: 416, 16>}, {transform_indices = @transform_4, window_bounds = array<i64: 512, 300>}, {transform_indices = @transform_5, window_bounds = array<i64: 1, 1, 300>}, {transform_indices = @transform_6, window_bounds = array<i64: 1, 1, 300>}, {transform_indices = @transform_7, window_bounds = array<i64: 512, 16>}, {transform_indices = @transform_8, window_bounds = array<i64: 512, 16>}]} {
    %get3A = arith.constant 0 : index
    %get3A_0 = arith.constant 0 : index
    %get3A_1 = vector.load %arg1[%get3A, %get3A_0] : memref<512x416xf32, #tpu.memory_space<vmem>>, vector<512x416xf32>
    %get3A_2 = arith.constant 0 : index
    %get3A_3 = arith.constant 0 : index
    %get3A_4 = vector.load %arg2[%get3A_2, %get3A_3] : memref<416x300xf32, #tpu.memory_space<vmem>>, vector<416x300xf32>
    %dot_general3A = arith.constant dense<0.000000e+00> : vector<512x300xf32>
    %dot_general3A_5 = tpu.matmul %get3A_1, %get3A_4, %dot_general3A {dimension_numbers = #tpu.dot_dimension_numbers<[1], [0], [0], [1], [0, 0, 1, 1], [], []>, transpose_lhs_hint = false} : vector<512x416xf32>, vector<416x300xf32>, vector<512x300xf32> -> vector<512x300xf32>
    %get3A_6 = arith.constant 0 : index
    %get3A_7 = arith.constant 0 : index
    %get3A_8 = vector.load %arg3[%get3A_6, %get3A_7] : memref<1x300xf32, #tpu.memory_space<vmem>>, vector<1x300xf32>
    %add3A = vector.broadcast %get3A_8 : vector<1x300xf32> to vector<512x300xf32>
    %add3A_9 = arith.addf %dot_general3A_5, %add3A : vector<512x300xf32>
    %swap3A = arith.constant 0 : index
    %swap3A_10 = arith.constant 0 : index
    %swap3A_11 = vector.load %arg5[%swap3A, %swap3A_10] : memref<512x300xf32, #tpu.memory_space<vmem>>, vector<512x300xf32>
    tpu.vector_store %arg5[%swap3A, %swap3A_10], %add3A_9 {strides = array<i32>} : memref<512x300xf32, #tpu.memory_space<vmem>>, vector<512x300xf32>,
    %reduce_sum3A = arith.constant dense<0.000000e+00> : vector<300xf32>
    %reduce_sum3A_12 = vector.multi_reduction <add>, %add3A_9, %reduce_sum3A [0] : vector<512x300xf32> to vector<300xf32>
    %swap3A_13 = arith.constant 0 : index
    %swap3A_14 = arith.constant 0 : index
    %swap3A_15 = arith.constant 0 : index
    %swap3A_16 = vector.load %arg6[%swap3A_13, %swap3A_14, %swap3A_15] : memref<1x1x300xf32, #tpu.memory_space<vmem>>, vector<1x1x300xf32>
    %swap3A_17 = vector.shape_cast %swap3A_16 : vector<1x1x300xf32> to vector<300xf32>
    %swap3A_18 = vector.shape_cast %reduce_sum3A_12 : vector<300xf32> to vector<1x1x300xf32>
    tpu.vector_store %arg6[%swap3A_13, %swap3A_14, %swap3A_15], %swap3A_18 {strides = array<i32>} : memref<1x1x300xf32, #tpu.memory_space<vmem>>, vector<1x1x300xf32>,
    %mul3A = arith.mulf %add3A_9, %add3A_9 : vector<512x300xf32>
    %reduce_sum3A_19 = arith.constant dense<0.000000e+00> : vector<300xf32>
    %reduce_sum3A_20 = vector.multi_reduction <add>, %mul3A, %reduce_sum3A_19 [0] : vector<512x300xf32> to vector<300xf32>
    %swap3A_21 = arith.constant 0 : index
    %swap3A_22 = arith.constant 0 : index
    %swap3A_23 = arith.constant 0 : index
    %swap3A_24 = vector.load %arg7[%swap3A_21, %swap3A_22, %swap3A_23] : memref<1x1x300xf32, #tpu.memory_space<vmem>>, vector<1x1x300xf32>
    %swap3A_25 = vector.shape_cast %swap3A_24 : vector<1x1x300xf32> to vector<300xf32>
    %swap3A_26 = vector.shape_cast %reduce_sum3A_20 : vector<300xf32> to vector<1x1x300xf32>
    tpu.vector_store %arg7[%swap3A_21, %swap3A_22, %swap3A_23], %swap3A_26 {strides = array<i32>} : memref<1x1x300xf32, #tpu.memory_space<vmem>>, vector<1x1x300xf32>,
    %get3A_27 = arith.constant 0 : index
    %get3A_28 = arith.constant 0 : index
    %get3A_29 = vector.load %arg4[%get3A_27, %get3A_28] : memref<416x16xf32, #tpu.memory_space<vmem>>, vector<416x16xf32>
    %dot_general3A_30 = arith.constant dense<0.000000e+00> : vector<512x16xf32>
    %dot_general3A_31 = tpu.matmul %get3A_1, %get3A_29, %dot_general3A_30 {dimension_numbers = #tpu.dot_dimension_numbers<[1], [0], [0], [1], [0, 0, 1, 1], [], []>, transpose_lhs_hint = false} : vector<512x416xf32>, vector<416x16xf32>, vector<512x16xf32> -> vector<512x16xf32>
    %swap3A_32 = arith.constant 0 : index
    %swap3A_33 = arith.constant 0 : index
    %swap3A_34 = vector.load %arg8[%swap3A_32, %swap3A_33] : memref<512x16xf32, #tpu.memory_space<vmem>>, vector<512x16xf32>
    tpu.vector_store %arg8[%swap3A_32, %swap3A_33], %dot_general3A_31 {strides = array<i32>} : memref<512x16xf32, #tpu.memory_space<vmem>>, vector<512x16xf32>,
    %mul3A_35 = arith.mulf %get3A_1, %get3A_1 : vector<512x416xf32>
    %dot_general3A_36 = arith.constant dense<0.000000e+00> : vector<512x16xf32>
    %dot_general3A_37 = tpu.matmul %mul3A_35, %get3A_29, %dot_general3A_36 {dimension_numbers = #tpu.dot_dimension_numbers<[1], [0], [0], [1], [0, 0, 1, 1], [], []>, transpose_lhs_hint = false} : vector<512x416xf32>, vector<416x16xf32>, vector<512x16xf32> -> vector<512x16xf32>
    %swap3A_38 = arith.constant 0 : index
    %swap3A_39 = arith.constant 0 : index
    %swap3A_40 = vector.load %arg9[%swap3A_38, %swap3A_39] : memref<512x16xf32, #tpu.memory_space<vmem>>, vector<512x16xf32>
    tpu.vector_store %arg9[%swap3A_38, %swap3A_39], %dot_general3A_37 {strides = array<i32>} : memref<512x16xf32, #tpu.memory_space<vmem>>, vector<512x16xf32>,
    return
  }
  func.func @transform_0(%arg0: i32) -> (i32, i32) {
    %c0_i32 = arith.constant 0 : i32
    %c0_i32_0 = arith.constant 0 : i32
    return %arg0, %c0_i32 : i32, i32
  }
  func.func @transform_1(%arg0: i32) -> (i32, i32) {
    %c0_i32 = arith.constant 0 : i32
    %c0_i32_0 = arith.constant 0 : i32
    %c0_i32_1 = arith.constant 0 : i32
    return %c0_i32, %c0_i32_0 : i32, i32
  }
  func.func @transform_2(%arg0: i32) -> (i32, i32) {
    %c0_i32 = arith.constant 0 : i32
    %c0_i32_0 = arith.constant 0 : i32
    %c0_i32_1 = arith.constant 0 : i32
    return %c0_i32, %c0_i32_0 : i32, i32
  }
  func.func @transform_3(%arg0: i32) -> (i32, i32) {
    %c0_i32 = arith.constant 0 : i32
    %c0_i32_0 = arith.constant 0 : i32
    %c0_i32_1 = arith.constant 0 : i32
    return %c0_i32, %c0_i32_0 : i32, i32
  }
  func.func @transform_4(%arg0: i32) -> (i32, i32) {
    %c0_i32 = arith.constant 0 : i32
    %c0_i32_0 = arith.constant 0 : i32
    return %arg0, %c0_i32 : i32, i32
  }
  func.func @transform_5(%arg0: i32) -> (i32, i32, i32) {
    %c0_i32 = arith.constant 0 : i32
    %c0_i32_0 = arith.constant 0 : i32
    %c0_i32_1 = arith.constant 0 : i32
    return %arg0, %c0_i32, %c0_i32_0 : i32, i32, i32
  }
  func.func @transform_6(%arg0: i32) -> (i32, i32, i32) {
    %c0_i32 = arith.constant 0 : i32
    %c0_i32_0 = arith.constant 0 : i32
    %c0_i32_1 = arith.constant 0 : i32
    return %arg0, %c0_i32, %c0_i32_0 : i32, i32, i32
  }
  func.func @transform_7(%arg0: i32) -> (i32, i32) {
    %c0_i32 = arith.constant 0 : i32
    %c0_i32_0 = arith.constant 0 : i32
    return %arg0, %c0_i32 : i32, i32
  }
  func.func @transform_8(%arg0: i32) -> (i32, i32) {
    %c0_i32 = arith.constant 0 : i32
    %c0_i32_0 = arith.constant 0 : i32
    return %arg0, %c0_i32 : i32, i32
  }
}

module attributes {stable_mosaic.version = 14 : i64} {
  func.func @_kmid_body(%arg0: i32, %arg1: memref<512x300xf32, #tpu.memory_space<vmem>>, %arg2: memref<32x1x300xf32, #tpu.memory_space<vmem>>, %arg3: memref<32x1x300xf32, #tpu.memory_space<vmem>>, %arg4: memref<1x300xf32, #tpu.memory_space<vmem>>, %arg5: memref<1x300xf32, #tpu.memory_space<vmem>>, %arg6: memref<300x300xf32, #tpu.memory_space<vmem>>, %arg7: memref<1x300xf32, #tpu.memory_space<vmem>>, %arg8: memref<512x300xf32, #tpu.memory_space<vmem>>, %arg9: memref<1x1x300xf32, #tpu.memory_space<vmem>>, %arg10: memref<1x1x300xf32, #tpu.memory_space<vmem>>) attributes {dimension_semantics = [#tpu.dimension_semantics<arbitrary>], iteration_bounds = array<i64: 32>, scalar_prefetch = 0 : i64, scratch_operands = 0 : i64, tpu.core_type = #tpu.core_type<tc>, window_params = [{transform_indices = @transform_0, window_bounds = array<i64: 512, 300>}, {pipeline_mode = #tpu.pipeline_mode<synchronous>, transform_indices = @transform_1, window_bounds = array<i64: 32, 1, 300>}, {pipeline_mode = #tpu.pipeline_mode<synchronous>, transform_indices = @transform_2, window_bounds = array<i64: 32, 1, 300>}, {pipeline_mode = #tpu.pipeline_mode<synchronous>, transform_indices = @transform_3, window_bounds = array<i64: 1, 300>}, {pipeline_mode = #tpu.pipeline_mode<synchronous>, transform_indices = @transform_4, window_bounds = array<i64: 1, 300>}, {pipeline_mode = #tpu.pipeline_mode<synchronous>, transform_indices = @transform_5, window_bounds = array<i64: 300, 300>}, {pipeline_mode = #tpu.pipeline_mode<synchronous>, transform_indices = @transform_6, window_bounds = array<i64: 1, 300>}, {transform_indices = @transform_7, window_bounds = array<i64: 512, 300>}, {transform_indices = @transform_8, window_bounds = array<i64: 1, 1, 300>}, {transform_indices = @transform_9, window_bounds = array<i64: 1, 1, 300>}]} {
    %get3A = arith.constant 0 : index
    %get3A_0 = arith.constant 0 : index
    %get3A_1 = arith.constant 0 : index
    %get3A_2 = vector.load %arg2[%get3A, %get3A_0, %get3A_1] : memref<32x1x300xf32, #tpu.memory_space<vmem>>, vector<32x1x300xf32>
    %reduce_sum3A = arith.constant dense<0.000000e+00> : vector<300xf32>
    %reduce_sum3A_3 = vector.multi_reduction <add>, %get3A_2, %reduce_sum3A [0, 1] : vector<32x1x300xf32> to vector<300xf32>
    %get3A_4 = arith.constant 0 : index
    %get3A_5 = arith.constant 0 : index
    %get3A_6 = arith.constant 0 : index
    %get3A_7 = vector.load %arg3[%get3A_4, %get3A_5, %get3A_6] : memref<32x1x300xf32, #tpu.memory_space<vmem>>, vector<32x1x300xf32>
    %reduce_sum3A_8 = arith.constant dense<0.000000e+00> : vector<300xf32>
    %reduce_sum3A_9 = vector.multi_reduction <add>, %get3A_7, %reduce_sum3A_8 [0, 1] : vector<32x1x300xf32> to vector<300xf32>
    %mul3A = arith.constant 6.10351563E-5 : f32
    %mul3A_10 = vector.broadcast %mul3A : f32 to vector<300xf32>
    %mul3A_11 = arith.mulf %reduce_sum3A_3, %mul3A_10 : vector<300xf32>
    %mul3A_12 = arith.constant 6.10351563E-5 : f32
    %mul3A_13 = vector.broadcast %mul3A_12 : f32 to vector<300xf32>
    %mul3A_14 = arith.mulf %reduce_sum3A_9, %mul3A_13 : vector<300xf32>
    %mul3A_15 = arith.mulf %mul3A_11, %mul3A_11 : vector<300xf32>
    %sub3A = arith.subf %mul3A_14, %mul3A_15 : vector<300xf32>
    %get3A_16 = arith.constant 0 : index
    %get3A_17 = arith.constant 0 : index
    %get3A_18 = vector.load %arg4[%get3A_16, %get3A_17] : memref<1x300xf32, #tpu.memory_space<vmem>>, vector<1x300xf32>
    %get3A_19 = vector.shape_cast %get3A_18 : vector<1x300xf32> to vector<300xf32>
    %add3A = arith.constant 9.99999974E-6 : f32
    %add3A_20 = vector.broadcast %add3A : f32 to vector<300xf32>
    %add3A_21 = arith.addf %sub3A, %add3A_20 : vector<300xf32>
    %rsqrt3A = math.rsqrt %add3A_21 : vector<300xf32>
    %mul3A_22 = arith.mulf %get3A_19, %rsqrt3A : vector<300xf32>
    %get3A_23 = arith.constant 0 : index
    %get3A_24 = arith.constant 0 : index
    %get3A_25 = vector.load %arg5[%get3A_23, %get3A_24] : memref<1x300xf32, #tpu.memory_space<vmem>>, vector<1x300xf32>
    %get3A_26 = vector.shape_cast %get3A_25 : vector<1x300xf32> to vector<300xf32>
    %mul3A_27 = arith.mulf %mul3A_11, %mul3A_22 : vector<300xf32>
    %sub3A_28 = arith.subf %get3A_26, %mul3A_27 : vector<300xf32>
    %get3A_29 = arith.constant 0 : index
    %get3A_30 = arith.constant 0 : index
    %get3A_31 = vector.load %arg1[%get3A_29, %get3A_30] : memref<512x300xf32, #tpu.memory_space<vmem>>, vector<512x300xf32>
    %broadcast_in_dim3A = vector.shape_cast %mul3A_22 : vector<300xf32> to vector<1x300xf32>
    %mul3A_32 = vector.broadcast %broadcast_in_dim3A : vector<1x300xf32> to vector<512x300xf32>
    %mul3A_33 = arith.mulf %get3A_31, %mul3A_32 : vector<512x300xf32>
    %broadcast_in_dim3A_34 = vector.shape_cast %sub3A_28 : vector<300xf32> to vector<1x300xf32>
    %add3A_35 = vector.broadcast %broadcast_in_dim3A_34 : vector<1x300xf32> to vector<512x300xf32>
    %add3A_36 = arith.addf %mul3A_33, %add3A_35 : vector<512x300xf32>
    %max3A = arith.constant 0.000000e+00 : f32
    %max3A_37 = vector.broadcast %max3A : f32 to vector<512x300xf32>
    %max3A_38 = arith.maximumf %add3A_36, %max3A_37 : vector<512x300xf32>
    %get3A_39 = arith.constant 0 : index
    %get3A_40 = arith.constant 0 : index
    %get3A_41 = vector.load %arg6[%get3A_39, %get3A_40] : memref<300x300xf32, #tpu.memory_space<vmem>>, vector<300x300xf32>
    %dot_general3A = arith.constant dense<0.000000e+00> : vector<512x300xf32>
    %dot_general3A_42 = tpu.matmul %max3A_38, %get3A_41, %dot_general3A {dimension_numbers = #tpu.dot_dimension_numbers<[1], [0], [0], [1], [0, 0, 1, 1], [], []>, transpose_lhs_hint = false} : vector<512x300xf32>, vector<300x300xf32>, vector<512x300xf32> -> vector<512x300xf32>
    %get3A_43 = arith.constant 0 : index
    %get3A_44 = arith.constant 0 : index
    %get3A_45 = vector.load %arg7[%get3A_43, %get3A_44] : memref<1x300xf32, #tpu.memory_space<vmem>>, vector<1x300xf32>
    %add3A_46 = vector.broadcast %get3A_45 : vector<1x300xf32> to vector<512x300xf32>
    %add3A_47 = arith.addf %dot_general3A_42, %add3A_46 : vector<512x300xf32>
    %swap3A = arith.constant 0 : index
    %swap3A_48 = arith.constant 0 : index
    %swap3A_49 = vector.load %arg8[%swap3A, %swap3A_48] : memref<512x300xf32, #tpu.memory_space<vmem>>, vector<512x300xf32>
    tpu.vector_store %arg8[%swap3A, %swap3A_48], %add3A_47 {strides = array<i32>} : memref<512x300xf32, #tpu.memory_space<vmem>>, vector<512x300xf32>,
    %reduce_sum3A_50 = arith.constant dense<0.000000e+00> : vector<300xf32>
    %reduce_sum3A_51 = vector.multi_reduction <add>, %add3A_47, %reduce_sum3A_50 [0] : vector<512x300xf32> to vector<300xf32>
    %swap3A_52 = arith.constant 0 : index
    %swap3A_53 = arith.constant 0 : index
    %swap3A_54 = arith.constant 0 : index
    %swap3A_55 = vector.load %arg9[%swap3A_52, %swap3A_53, %swap3A_54] : memref<1x1x300xf32, #tpu.memory_space<vmem>>, vector<1x1x300xf32>
    %swap3A_56 = vector.shape_cast %swap3A_55 : vector<1x1x300xf32> to vector<300xf32>
    %swap3A_57 = vector.shape_cast %reduce_sum3A_51 : vector<300xf32> to vector<1x1x300xf32>
    tpu.vector_store %arg9[%swap3A_52, %swap3A_53, %swap3A_54], %swap3A_57 {strides = array<i32>} : memref<1x1x300xf32, #tpu.memory_space<vmem>>, vector<1x1x300xf32>,
    %mul3A_58 = arith.mulf %add3A_47, %add3A_47 : vector<512x300xf32>
    %reduce_sum3A_59 = arith.constant dense<0.000000e+00> : vector<300xf32>
    %reduce_sum3A_60 = vector.multi_reduction <add>, %mul3A_58, %reduce_sum3A_59 [0] : vector<512x300xf32> to vector<300xf32>
    %swap3A_61 = arith.constant 0 : index
    %swap3A_62 = arith.constant 0 : index
    %swap3A_63 = arith.constant 0 : index
    %swap3A_64 = vector.load %arg10[%swap3A_61, %swap3A_62, %swap3A_63] : memref<1x1x300xf32, #tpu.memory_space<vmem>>, vector<1x1x300xf32>
    %swap3A_65 = vector.shape_cast %swap3A_64 : vector<1x1x300xf32> to vector<300xf32>
    %swap3A_66 = vector.shape_cast %reduce_sum3A_60 : vector<300xf32> to vector<1x1x300xf32>
    tpu.vector_store %arg10[%swap3A_61, %swap3A_62, %swap3A_63], %swap3A_66 {strides = array<i32>} : memref<1x1x300xf32, #tpu.memory_space<vmem>>, vector<1x1x300xf32>,
    return
  }
  func.func @transform_0(%arg0: i32) -> (i32, i32) {
    %c0_i32 = arith.constant 0 : i32
    %c0_i32_0 = arith.constant 0 : i32
    return %arg0, %c0_i32 : i32, i32
  }
  func.func @transform_1(%arg0: i32) -> (i32, i32, i32) {
    %c0_i32 = arith.constant 0 : i32
    %c0_i32_0 = arith.constant 0 : i32
    %c0_i32_1 = arith.constant 0 : i32
    %c0_i32_2 = arith.constant 0 : i32
    return %c0_i32, %c0_i32_0, %c0_i32_1 : i32, i32, i32
  }
  func.func @transform_2(%arg0: i32) -> (i32, i32, i32) {
    %c0_i32 = arith.constant 0 : i32
    %c0_i32_0 = arith.constant 0 : i32
    %c0_i32_1 = arith.constant 0 : i32
    %c0_i32_2 = arith.constant 0 : i32
    return %c0_i32, %c0_i32_0, %c0_i32_1 : i32, i32, i32
  }
  func.func @transform_3(%arg0: i32) -> (i32, i32) {
    %c0_i32 = arith.constant 0 : i32
    %c0_i32_0 = arith.constant 0 : i32
    %c0_i32_1 = arith.constant 0 : i32
    return %c0_i32, %c0_i32_0 : i32, i32
  }
  func.func @transform_4(%arg0: i32) -> (i32, i32) {
    %c0_i32 = arith.constant 0 : i32
    %c0_i32_0 = arith.constant 0 : i32
    %c0_i32_1 = arith.constant 0 : i32
    return %c0_i32, %c0_i32_0 : i32, i32
  }
  func.func @transform_5(%arg0: i32) -> (i32, i32) {
    %c0_i32 = arith.constant 0 : i32
    %c0_i32_0 = arith.constant 0 : i32
    %c0_i32_1 = arith.constant 0 : i32
    return %c0_i32, %c0_i32_0 : i32, i32
  }
  func.func @transform_6(%arg0: i32) -> (i32, i32) {
    %c0_i32 = arith.constant 0 : i32
    %c0_i32_0 = arith.constant 0 : i32
    %c0_i32_1 = arith.constant 0 : i32
    return %c0_i32, %c0_i32_0 : i32, i32
  }
  func.func @transform_7(%arg0: i32) -> (i32, i32) {
    %c0_i32 = arith.constant 0 : i32
    %c0_i32_0 = arith.constant 0 : i32
    return %arg0, %c0_i32 : i32, i32
  }
  func.func @transform_8(%arg0: i32) -> (i32, i32, i32) {
    %c0_i32 = arith.constant 0 : i32
    %c0_i32_0 = arith.constant 0 : i32
    %c0_i32_1 = arith.constant 0 : i32
    return %arg0, %c0_i32, %c0_i32_0 : i32, i32, i32
  }
  func.func @transform_9(%arg0: i32) -> (i32, i32, i32) {
    %c0_i32 = arith.constant 0 : i32
    %c0_i32_0 = arith.constant 0 : i32
    %c0_i32_1 = arith.constant 0 : i32
    return %arg0, %c0_i32, %c0_i32_0 : i32, i32, i32
  }
}

module attributes {stable_mosaic.version = 14 : i64} {
  func.func @_k4_body(%arg0: i32, %arg1: memref<512x300xf32, #tpu.memory_space<vmem>>, %arg2: memref<32x1x300xf32, #tpu.memory_space<vmem>>, %arg3: memref<32x1x300xf32, #tpu.memory_space<vmem>>, %arg4: memref<1x300xf32, #tpu.memory_space<vmem>>, %arg5: memref<1x300xf32, #tpu.memory_space<vmem>>, %arg6: memref<512x16xf32, #tpu.memory_space<vmem>>, %arg7: memref<512x16xf32, #tpu.memory_space<vmem>>, %arg8: memref<4x512x16xf32, #tpu.memory_space<vmem>>, %arg9: memref<4x512xf32, #tpu.memory_space<vmem>>, %arg10: memref<512x26xf32, #tpu.memory_space<vmem>>, %arg11: memref<1x1xf32, #tpu.memory_space<vmem>>, %arg12: memref<1x1x512xf32, #tpu.memory_space<vmem>>) attributes {dimension_semantics = [#tpu.dimension_semantics<arbitrary>], iteration_bounds = array<i64: 32>, scalar_prefetch = 0 : i64, scratch_operands = 0 : i64, tpu.core_type = #tpu.core_type<tc>, window_params = [{transform_indices = @transform_0, window_bounds = array<i64: 512, 300>}, {pipeline_mode = #tpu.pipeline_mode<synchronous>, transform_indices = @transform_1, window_bounds = array<i64: 32, 1, 300>}, {pipeline_mode = #tpu.pipeline_mode<synchronous>, transform_indices = @transform_2, window_bounds = array<i64: 32, 1, 300>}, {pipeline_mode = #tpu.pipeline_mode<synchronous>, transform_indices = @transform_3, window_bounds = array<i64: 1, 300>}, {pipeline_mode = #tpu.pipeline_mode<synchronous>, transform_indices = @transform_4, window_bounds = array<i64: 1, 300>}, {transform_indices = @transform_5, window_bounds = array<i64: 512, 16>}, {transform_indices = @transform_6, window_bounds = array<i64: 512, 16>}, {transform_indices = @transform_7, window_bounds = array<i64: 4, 512, 16>}, {transform_indices = @transform_8, window_bounds = array<i64: 4, 512>}, {transform_indices = @transform_9, window_bounds = array<i64: 512, 26>}, {pipeline_mode = #tpu.pipeline_mode<synchronous>, transform_indices = @transform_10, window_bounds = array<i64: 1, 1>}, {transform_indices = @transform_11, window_bounds = array<i64: 1, 1, 512>}]} {
    %get3A = arith.constant 0 : index
    %get3A_0 = arith.constant 0 : index
    %get3A_1 = arith.constant 0 : index
    %get3A_2 = vector.load %arg2[%get3A, %get3A_0, %get3A_1] : memref<32x1x300xf32, #tpu.memory_space<vmem>>, vector<32x1x300xf32>
    %reduce_sum3A = arith.constant dense<0.000000e+00> : vector<300xf32>
    %reduce_sum3A_3 = vector.multi_reduction <add>, %get3A_2, %reduce_sum3A [0, 1] : vector<32x1x300xf32> to vector<300xf32>
    %get3A_4 = arith.constant 0 : index
    %get3A_5 = arith.constant 0 : index
    %get3A_6 = arith.constant 0 : index
    %get3A_7 = vector.load %arg3[%get3A_4, %get3A_5, %get3A_6] : memref<32x1x300xf32, #tpu.memory_space<vmem>>, vector<32x1x300xf32>
    %reduce_sum3A_8 = arith.constant dense<0.000000e+00> : vector<300xf32>
    %reduce_sum3A_9 = vector.multi_reduction <add>, %get3A_7, %reduce_sum3A_8 [0, 1] : vector<32x1x300xf32> to vector<300xf32>
    %mul3A = arith.constant 6.10351563E-5 : f32
    %mul3A_10 = vector.broadcast %mul3A : f32 to vector<300xf32>
    %mul3A_11 = arith.mulf %reduce_sum3A_3, %mul3A_10 : vector<300xf32>
    %mul3A_12 = arith.constant 6.10351563E-5 : f32
    %mul3A_13 = vector.broadcast %mul3A_12 : f32 to vector<300xf32>
    %mul3A_14 = arith.mulf %reduce_sum3A_9, %mul3A_13 : vector<300xf32>
    %mul3A_15 = arith.mulf %mul3A_11, %mul3A_11 : vector<300xf32>
    %sub3A = arith.subf %mul3A_14, %mul3A_15 : vector<300xf32>
    %get3A_16 = arith.constant 0 : index
    %get3A_17 = arith.constant 0 : index
    %get3A_18 = vector.load %arg4[%get3A_16, %get3A_17] : memref<1x300xf32, #tpu.memory_space<vmem>>, vector<1x300xf32>
    %get3A_19 = vector.shape_cast %get3A_18 : vector<1x300xf32> to vector<300xf32>
    %add3A = arith.constant 9.99999974E-6 : f32
    %add3A_20 = vector.broadcast %add3A : f32 to vector<300xf32>
    %add3A_21 = arith.addf %sub3A, %add3A_20 : vector<300xf32>
    %rsqrt3A = math.rsqrt %add3A_21 : vector<300xf32>
    %mul3A_22 = arith.mulf %get3A_19, %rsqrt3A : vector<300xf32>
    %get3A_23 = arith.constant 0 : index
    %get3A_24 = arith.constant 0 : index
    %get3A_25 = vector.load %arg5[%get3A_23, %get3A_24] : memref<1x300xf32, #tpu.memory_space<vmem>>, vector<1x300xf32>
    %get3A_26 = vector.shape_cast %get3A_25 : vector<1x300xf32> to vector<300xf32>
    %mul3A_27 = arith.mulf %mul3A_11, %mul3A_22 : vector<300xf32>
    %sub3A_28 = arith.subf %get3A_26, %mul3A_27 : vector<300xf32>
    %get3A_29 = arith.constant 0 : index
    %get3A_30 = arith.constant 0 : index
    %get3A_31 = vector.load %arg1[%get3A_29, %get3A_30] : memref<512x300xf32, #tpu.memory_space<vmem>>, vector<512x300xf32>
    %broadcast_in_dim3A = vector.shape_cast %mul3A_22 : vector<300xf32> to vector<1x300xf32>
    %mul3A_32 = vector.broadcast %broadcast_in_dim3A : vector<1x300xf32> to vector<512x300xf32>
    %mul3A_33 = arith.mulf %get3A_31, %mul3A_32 : vector<512x300xf32>
    %broadcast_in_dim3A_34 = vector.shape_cast %sub3A_28 : vector<300xf32> to vector<1x300xf32>
    %add3A_35 = vector.broadcast %broadcast_in_dim3A_34 : vector<1x300xf32> to vector<512x300xf32>
    %add3A_36 = arith.addf %mul3A_33, %add3A_35 : vector<512x300xf32>
    %max3A = arith.constant 0.000000e+00 : f32
    %max3A_37 = vector.broadcast %max3A : f32 to vector<512x300xf32>
    %max3A_38 = arith.maximumf %add3A_36, %max3A_37 : vector<512x300xf32>
    %get3A_39 = arith.constant 0 : index
    %get3A_40 = arith.constant 0 : index
    %get3A_41 = arith.constant 0 : index
    %get3A_42 = vector.load %arg8[%get3A_39, %get3A_40, %get3A_41] : memref<4x512x16xf32, #tpu.memory_space<vmem>>, vector<4x512x16xf32>
    %get3A_43 = arith.constant 0 : index
    %get3A_44 = arith.constant 0 : index
    %get3A_45 = vector.load %arg6[%get3A_43, %get3A_44] : memref<512x16xf32, #tpu.memory_space<vmem>>, vector<512x16xf32>
    %reduce_sum3A_46 = arith.constant dense<0.000000e+00> : vector<512x16xf32>
    %reduce_sum3A_47 = vector.multi_reduction <add>, %get3A_42, %reduce_sum3A_46 [0] : vector<4x512x16xf32> to vector<512x16xf32>
    %add3A_48 = arith.addf %get3A_45, %reduce_sum3A_47 : vector<512x16xf32>
    %get3A_49 = arith.constant 0 : index
    %get3A_50 = arith.constant 0 : index
    %get3A_51 = vector.load %arg7[%get3A_49, %get3A_50] : memref<512x16xf32, #tpu.memory_space<vmem>>, vector<512x16xf32>
    %mul3A_52 = arith.mulf %get3A_42, %get3A_42 : vector<4x512x16xf32>
    %reduce_sum3A_53 = arith.constant dense<0.000000e+00> : vector<512x16xf32>
    %reduce_sum3A_54 = vector.multi_reduction <add>, %mul3A_52, %reduce_sum3A_53 [0] : vector<4x512x16xf32> to vector<512x16xf32>
    %add3A_55 = arith.addf %get3A_51, %reduce_sum3A_54 : vector<512x16xf32>
    %mul3A_56 = arith.mulf %add3A_48, %add3A_48 : vector<512x16xf32>
    %sub3A_57 = arith.subf %mul3A_56, %add3A_55 : vector<512x16xf32>
    %mul3A_58 = arith.constant 5.000000e-01 : f32
    %mul3A_59 = vector.broadcast %mul3A_58 : f32 to vector<512x16xf32>
    %mul3A_60 = arith.mulf %mul3A_59, %sub3A_57 : vector<512x16xf32>
    %reduce_sum3A_61 = arith.constant dense<0.000000e+00> : vector<512xf32>
    %reduce_sum3A_62 = vector.multi_reduction <add>, %max3A_38, %reduce_sum3A_61 [1] : vector<512x300xf32> to vector<512xf32>
    %reduce_sum3A_63 = arith.constant dense<0.000000e+00> : vector<512xf32>
    %reduce_sum3A_64 = vector.multi_reduction <add>, %mul3A_60, %reduce_sum3A_63 [1] : vector<512x16xf32> to vector<512xf32>
    %add3A_65 = arith.addf %reduce_sum3A_62, %reduce_sum3A_64 : vector<512xf32>
    %get3A_66 = arith.constant 0 : index
    %get3A_67 = arith.constant 0 : index
    %get3A_68 = vector.load %arg10[%get3A_66, %get3A_67] : memref<512x26xf32, #tpu.memory_space<vmem>>, vector<512x26xf32>
    %reduce_sum3A_69 = arith.constant dense<0.000000e+00> : vector<512xf32>
    %reduce_sum3A_70 = vector.multi_reduction <add>, %get3A_68, %reduce_sum3A_69 [1] : vector<512x26xf32> to vector<512xf32>
    %add3A_71 = arith.addf %add3A_65, %reduce_sum3A_70 : vector<512xf32>
    %get3A_72 = arith.constant 0 : index
    %get3A_73 = arith.constant 0 : index
    %get3A_74 = vector.load %arg9[%get3A_72, %get3A_73] : memref<4x512xf32, #tpu.memory_space<vmem>>, vector<4x512xf32>
    %reduce_sum3A_75 = arith.constant dense<0.000000e+00> : vector<512xf32>
    %reduce_sum3A_76 = vector.multi_reduction <add>, %get3A_74, %reduce_sum3A_75 [0] : vector<4x512xf32> to vector<512xf32>
    %add3A_77 = arith.addf %add3A_71, %reduce_sum3A_76 : vector<512xf32>
    %get3A_78 = arith.constant 0 : index
    %get3A_79 = arith.constant 0 : index
    %get3A_80 = vector.load %arg11[%get3A_78, %get3A_79] : memref<1x1xf32, #tpu.memory_space<vmem>>, vector<1x1xf32>
    %get3A_81 = vector.extract %get3A_80[0, 0] : f32 from vector<1x1xf32>
    %add3A_82 = vector.broadcast %get3A_81 : f32 to vector<512xf32>
    %add3A_83 = arith.addf %add3A_77, %add3A_82 : vector<512xf32>
    %swap3A = arith.constant 0 : index
    %swap3A_84 = arith.constant 0 : index
    %swap3A_85 = arith.constant 0 : index
    %swap3A_86 = vector.load %arg12[%swap3A, %swap3A_84, %swap3A_85] : memref<1x1x512xf32, #tpu.memory_space<vmem>>, vector<1x1x512xf32>
    %swap3A_87 = vector.shape_cast %swap3A_86 : vector<1x1x512xf32> to vector<512xf32>
    %swap3A_88 = vector.shape_cast %add3A_83 : vector<512xf32> to vector<1x1x512xf32>
    tpu.vector_store %arg12[%swap3A, %swap3A_84, %swap3A_85], %swap3A_88 {strides = array<i32>} : memref<1x1x512xf32, #tpu.memory_space<vmem>>, vector<1x1x512xf32>,
    return
  }
  func.func @transform_0(%arg0: i32) -> (i32, i32) {
    %c0_i32 = arith.constant 0 : i32
    %c0_i32_0 = arith.constant 0 : i32
    return %arg0, %c0_i32 : i32, i32
  }
  func.func @transform_1(%arg0: i32) -> (i32, i32, i32) {
    %c0_i32 = arith.constant 0 : i32
    %c0_i32_0 = arith.constant 0 : i32
    %c0_i32_1 = arith.constant 0 : i32
    %c0_i32_2 = arith.constant 0 : i32
    return %c0_i32, %c0_i32_0, %c0_i32_1 : i32, i32, i32
  }
  func.func @transform_2(%arg0: i32) -> (i32, i32, i32) {
    %c0_i32 = arith.constant 0 : i32
    %c0_i32_0 = arith.constant 0 : i32
    %c0_i32_1 = arith.constant 0 : i32
    %c0_i32_2 = arith.constant 0 : i32
    return %c0_i32, %c0_i32_0, %c0_i32_1 : i32, i32, i32
  }
  func.func @transform_3(%arg0: i32) -> (i32, i32) {
    %c0_i32 = arith.constant 0 : i32
    %c0_i32_0 = arith.constant 0 : i32
    %c0_i32_1 = arith.constant 0 : i32
    return %c0_i32, %c0_i32_0 : i32, i32
  }
  func.func @transform_4(%arg0: i32) -> (i32, i32) {
    %c0_i32 = arith.constant 0 : i32
    %c0_i32_0 = arith.constant 0 : i32
    %c0_i32_1 = arith.constant 0 : i32
    return %c0_i32, %c0_i32_0 : i32, i32
  }
  func.func @transform_5(%arg0: i32) -> (i32, i32) {
    %c0_i32 = arith.constant 0 : i32
    %c0_i32_0 = arith.constant 0 : i32
    return %arg0, %c0_i32 : i32, i32
  }
  func.func @transform_6(%arg0: i32) -> (i32, i32) {
    %c0_i32 = arith.constant 0 : i32
    %c0_i32_0 = arith.constant 0 : i32
    return %arg0, %c0_i32 : i32, i32
  }
  func.func @transform_7(%arg0: i32) -> (i32, i32, i32) {
    %c0_i32 = arith.constant 0 : i32
    %c0_i32_0 = arith.constant 0 : i32
    %c0_i32_1 = arith.constant 0 : i32
    return %c0_i32, %arg0, %c0_i32_0 : i32, i32, i32
  }
  func.func @transform_8(%arg0: i32) -> (i32, i32) {
    %c0_i32 = arith.constant 0 : i32
    %c0_i32_0 = arith.constant 0 : i32
    return %c0_i32, %arg0 : i32, i32
  }
  func.func @transform_9(%arg0: i32) -> (i32, i32) {
    %c0_i32 = arith.constant 0 : i32
    %c0_i32_0 = arith.constant 0 : i32
    return %arg0, %c0_i32 : i32, i32
  }
  func.func @transform_10(%arg0: i32) -> (i32, i32) {
    %c0_i32 = arith.constant 0 : i32
    %c0_i32_0 = arith.constant 0 : i32
    %c0_i32_1 = arith.constant 0 : i32
    return %c0_i32, %c0_i32_0 : i32, i32
  }
  func.func @transform_11(%arg0: i32) -> (i32, i32, i32) {
    %c0_i32 = arith.constant 0 : i32
    %c0_i32_0 = arith.constant 0 : i32
    %c0_i32_1 = arith.constant 0 : i32
    return %arg0, %c0_i32, %c0_i32_0 : i32, i32, i32
  }
}

</mosaic_0001>

<sc_bundles>
// kernel: kernel.11.cloned.1.call-start
scs
__scs_entry_jumppad:
0x0: {  	(pc) =	sbr.rel $0x88, $3  }
0x1: {  	(tag) =	ssettag $0x0;
	lr =	simm.s32 $0x1  }
0x2: {  	[smem:$0x3F8D] =	sst lr;
	_ =	strace $0xD0000000  }
0x3: {  	_ = 	snop  }
0x4: {  	_ = 	snop  }
0x5: {  	_ = 	snop  }
0x6: {  	_ = 	snop  }
0x7: {  	_ = 	snop  }
__scs_overlays_trampoline_lowered:
0x8: {  	[smem:$0x3F9C] =	sst s0  }
0x9: {  	[smem:$0x3F9D] =	sst s1  }
0xa: {  	[smem:$0x3F9E] =	sst s2  }
0xb: {  	[smem:$0x3F9F] =	sst s3  }
0xc: {  	[smem:$0x3FA0] =	sst s4  }
0xd: {  	[smem:$0x3FA1] =	sst s5  }
0xe: {  	[smem:$0x3FA2] =	sst s6  }
0xf: {  	[smem:$0x3FA3] =	sst s7  }
0x10: {  	[smem:$0x3FA4] =	sst s8  }
0x11: {  	[smem:$0x3FA5] =	sst s9;
	s0 =	simm.s32 @!p0 $0x0  }
0x12: {  	s1 =	sld [smem:$0x3F8B];
	s0 =	simm.s32 @p0 $0x1  }
0x13: {  	[smem:$0x3FA6] =	sst s0;
	s0 =	simm.s32 @!p1 $0x0  }
0x14: {  	s2 =	sld [smem:$0x3F8A];
	s0 =	simm.s32 @p1 $0x1  }
0x15: {  	[smem:$0x3FA7] =	sst s0;
	s0 =	simm.s32 @!p2 $0x0  }
0x16: {  	s3 =	sld [smem:$0x3FDB];
	s0 =	simm.s32 @p2 $0x1  }
0x17: {  	s4 =	simm.s32 $0x1BF5;
	[smem:$0x3FA9] =	sst s0  }
0x18: {  	s0 =	sld [smem:$0x3F8C];
	_ =	swait.ge [sflag:s4], $0x0  }
0x19: {  	s7 =	sld [smem:$0x3F8D]  }
0x1a: {  	s8 =	sadd.s32 $0xFFFFE003, lr  }
0x1b: {  	s9 =	sadd.s32 $0xFFFFFEF7, lr;
	s5 =	simm.s32 $0xFFFFFFFF;
	p2 =	slt.u32 s8, $0xFFFFF086  }
0x1c: {  	p1 =	slt.u32 s9, $0xF7A;
	s5 =	simm.s32 @!p2 $0x0  }
0x1d: {  	s5 =	simm.s32 @p1 $0x1;
	p0 =	seq.s32 s7, s2  }
0x1e: {  	s7 =	smul.u32 @!p0 $0xF7A, s2;
	p2 =	seq.s32 @!p0 s5, $0x0  }
0x1f: {  	s9 =	smul.u32 $0xF7A, s1;
	s8 =	simm.s32 @!p0 $0x1BF5;
	p2 =	por !p2, p0  }
0x20: {  	[sflag:s8] =	ssyncset.s32 @!p0 $0xFFFFF086;
	s6 =	sadd.s32 @!p0 s3, s7;
	s7 =	simm.s32 @!p0 $0x108  }
0x21: {  	s3 =	sadd.s32 s3, s9;
	s6 =	sadd.s32 @!p0 $0x88, s6;
	s7 =	simm.s32 @p2 $0x1082  }
0x22: {  	[simem:s7], [sflag:s8] =	dma.local @!p0 [hbm:s6], $0xF7A  }
0x23: {  	s9 =	sor.u32 $0xD0000000, s2;
	s6 =	simm.s32 $0x108;
	_ =	swait.ge @!p0 [sflag:s8], $0x0  }
0x24: {  	s3 =	sadd.s32 $0x88, s3;
	s6 =	simm.s32 @!p1 $0x1082;
	[sflag:s4] =	ssyncset.s32 $0xFFFFF086  }
0x25: {  	[simem:s6], [sflag:s4] =	dma.local [hbm:s3], $0xF7A  }
0x26: {  	[smem:$0x3F8D] =	sst s1;
	(tag) =	ssettag s2;
	_ =	strace s9  }
0x27: {  	s1 =	sld [smem:$0x3F9D]  }
0x28: {  	s2 =	sld [smem:$0x3F9E]  }
0x29: {  	s4 =	sld [smem:$0x3FA0]  }
0x2a: {  	p0 =	seq.s32 s5, $0x0;
	s5 =	sld [smem:$0x3FA1]  }
0x2b: {  	s6 =	sld [smem:$0x3FA2]  }
0x2c: {  	s7 =	sld [smem:$0x3FA3]  }
0x2d: {  	s3 =	simm.s32 $0x108;
	s8 =	sld [smem:$0x3FA4]  }
0x2e: {  	s3 =	simm.s32 @!p0 $0x1082;
	s9 =	sld [smem:$0x3FA5]  }
0x2f: {  	lr =	sadd.s32 s0, s3;
	s0 =	sld [smem:$0x3F9C]  }
0x30: {  	s3 =	sld [smem:$0x3F9F]  }
0x31: {  	[smem:$0x3FA8] =	sst s10  }
0x32: {  	s10 =	sld [smem:$0x3FA6];
	_ =	sdelay $0x3  }
0x33: {  	p0 =	seq.s32 s10, $0x1;
	s10 =	sld [smem:$0x3FA8];
	_ =	sdelay $0x3  }
0x34: {  	[smem:$0x3FA8] =	sst s10  }
0x35: {  	s10 =	sld [smem:$0x3FA7];
	_ =	sdelay $0x3  }
0x36: {  	p1 =	seq.s32 s10, $0x1;
	s10 =	sld [smem:$0x3FA8];
	_ =	sdelay $0x3  }
0x37: {  	[smem:$0x3FA8] =	sst s10  }
0x38: {  	s10 =	sld [smem:$0x3FA9]  }
0x39: {  	_ = 	snop;
	(pc) =	sbr.ind lr, $3  }
0x3a: {  	_ = 	snop  }
0x3b: {  	_ = 	snop  }
0x3c: {  	p2 =	seq.s32 s10, $0x1;
	s10 =	sld [smem:$0x3FA8]  }
0x3d: {  	_ =	shalt  }
0x3e: {  	_ =	shalt  }
0x3f: {  	_ =	shalt  }
0x40: {  	_ =	shalt  }
0x41: {  	_ =	shalt  }
0x42: {  	_ =	shalt  }
0x43: {  	_ =	shalt  }
0x44: {  	_ =	shalt  }
0x45: {  	_ =	shalt  }
0x46: {  	_ =	shalt  }
0x47: {  	_ =	shalt  }
0x48: {  	_ =	shalt  }
0x49: {  	_ =	shalt  }
0x4a: {  	_ =	shalt  }
0x4b: {  	_ =	shalt  }
0x4c: {  	_ =	shalt  }
0x4d: {  	_ =	shalt  }
0x4e: {  	_ =	shalt  }
0x4f: {  	_ =	shalt  }
0x50: {  	_ =	shalt  }
0x51: {  	_ =	shalt  }
0x52: {  	_ =	shalt  }
0x53: {  	_ =	shalt  }
0x54: {  	_ =	shalt  }
0x55: {  	_ =	shalt  }
0x56: {  	_ =	shalt  }
0x57: {  	_ =	shalt  }
0x58: {  	_ =	shalt  }
0x59: {  	_ =	shalt  }
0x5a: {  	_ =	shalt  }
0x5b: {  	_ =	shalt  }
0x5c: {  	_ =	shalt  }
0x5d: {  	_ =	shalt  }
0x5e: {  	_ =	shalt  }
0x5f: {  	_ =	shalt  }
0x60: {  	_ =	shalt  }
0x61: {  	_ =	shalt  }
0x62: {  	_ =	shalt  }
0x63: {  	_ =	shalt  }
0x64: {  	_ =	shalt  }
0x65: {  	_ =	shalt  }
0x66: {  	_ =	shalt  }
0x67: {  	_ =	shalt  }
0x68: {  	_ =	shalt  }
0x69: {  	_ =	shalt  }
0x6a: {  	_ =	shalt  }
0x6b: {  	_ =	shalt  }
0x6c: {  	_ =	shalt  }
0x6d: {  	_ =	shalt  }
0x6e: {  	_ =	shalt  }
0x6f: {  	_ =	shalt  }
0x70: {  	_ =	shalt  }
0x71: {  	_ =	shalt  }
0x72: {  	_ =	shalt  }
0x73: {  	_ =	shalt  }
0x74: {  	_ =	shalt  }
0x75: {  	_ =	shalt  }
0x76: {  	_ =	shalt  }
0x77: {  	_ =	shalt  }
0x78: {  	_ =	shalt  }
0x79: {  	_ =	shalt  }
0x7a: {  	_ =	shalt  }
0x7b: {  	_ =	shalt  }
0x7c: {  	_ =	shalt  }
0x7d: {  	_ =	shalt  }
0x7e: {  	_ =	shalt  }
0x7f: {  	_ =	shalt  }
0x80: {  	_ =	shalt  }
0x81: {  	_ =	shalt  }
0x82: {  	_ =	shalt  }
0x83: {  	_ =	shalt  }
0x84: {  	_ =	shalt  }
0x85: {  	_ =	shalt  }
0x86: {  	_ =	shalt  }
0x87: {  	_ =	shalt  }
.Lfunc_end0:
.L_simem_size_0:
called_computation.1_lowered:
.L_overlay_start_0:
0x88: {  	s2 =	sld [smem:$0x3FD9]  }
0x89: {  	s3 =	sld [smem:$0x3FFE];
	_ =	sdelay $0x1  }
0x8a: {  	s1 =	srdreg.scid  }
0x8b: {  	s0 =	sand.u32 $0x1, s1  }
0x8c: {  	s17 =	sshll.u32 s0, $0xA;
	s2 =	sadd.s32 s3, s2  }
0x8d: {  	s2 =	sadd.s32 s2, s17  }
0x8e: {  	[smem:$0x3FB4] =	sst s2  }
0x8f: {  	_ = 	snop  }
0x90: {  	(tm) =	ssettm $0x1  }
0x91: {  	s18 =	sld [smem:$0x3FFB];
	_ =	sdelay $0x3  }
0x92: {  	_ =	strace s18  }
0x93: {  	s2 =	sld [smem:$0x3FFC];
	_ =	sdelay $0x3  }
0x94: {  	_ =	strace s2  }
0x95: {  	s2 =	sld [smem:$0x3FFD];
	_ =	sdelay $0x3  }
0x96: {  	_ =	strace s2  }
0x97: {  	_ =	strace $0x8FFFFFFF  }
0x98: {  	s19 =	sld [smem:$0x3FDB];
	_ =	sdelay $0x1  }
0x99: {  	s20 =	simm.s32 $_scs_section_size  }
0x9a: {  	s4 =	simm.s32 $_size__tile_overlayer_lowered;
	s5 =	simm.s32 $_tile_overlayer_lowered  }
0x9b: {  	s6 =	simm.s32 $0x1BFF;
	s21 =	sshll.u32 s5, $0x1;
	s3 =	sadd.s32 s20, s19  }
0x9c: {  	s22 =	simm.s32 $0x0;
	s4 =	sshll.u32 s4, $0x1;
	s5 =	sadd.s32 s21, s3  }
0x9d: {  	[timem:s22], [sflag:s6] =	dma.local [hbm:s5], s4  }
0x9e: {  	_ =	swait.ge [sflag:s6], s4  }
0x9f: {  	s4 =	ssub.s32 $0x0, s4;
	[sflag:s6] =	ssyncset.done $0x0  }
0xa0: {  	[sflag:s6] =	ssyncadd.s32 s4;
	_ =	sdelay $0x1  }
0xa1: {  	s23 =	simm.s32 $0x1B8B  }
0xa2: {  	_ =	swait.ge [sflag:s23], $0x1  }
0xa3: {  	[sflag:s23] =	ssyncset.done $0x0  }
0xa4: {  	[sflag:s23] =	ssyncadd.s32 $0xFFFFFFFF  }
0xa5: {  	s4 =	sld [smem:$0x0]  }
0xa6: {  	s5 =	sand.u32 $0xFFFFFFFE, s1  }
0xa7: {  	p0 =	sne.s32 s1, s5  }
0xa8: {  	s5 =	sshll.u32 @p0 s5, $0xE  }
0xa9: {  	s5 =	sadd.s32 @p0 $0x11B8D, s5;
	s6 =	sshll.u32 @p0 s4, $0x11  }
0xaa: {  	s5 =	sor.u32 @p0 s6, s5  }
0xab: {  	[sflag:s5] =	ssyncadd.remote.s32 @p0 $0x1;
	_ =	sdelay $0x1  }
0xac: {  	s5 =	simm.s32 @p0 $0x1B8D  }
0xad: {  	_ =	swait.eq @p0 [sflag:s5], $0x1  }
0xae: {  	[sflag:s5] =	ssyncadd.s32 @p0 $0xFFFFFFFF  }
0xaf: {  	s6 =	sshll.u32 @!p0 s1, $0xE  }
0xb0: {  	s6 =	sor.u32 @!p0 $0x4000, s6;
	s5 =	simm.s32 @!p0 $0x1B8D  }
0xb1: {  	s4 =	sshll.u32 @!p0 s4, $0x11;
	s6 =	sadd.s32 @!p0 $0x11B8D, s6;
	_ =	swait.eq @!p0 [sflag:s5], $0x1  }
0xb2: {  	s4 =	sor.u32 @!p0 s4, s6;
	[sflag:s5] =	ssyncadd.s32 @!p0 $0xFFFFFFFF  }
0xb3: {  	s25 =	simm.s32 $0x1B8E;
	s24 =	sld [smem:$0x3FFE];
	[sflag:s4] =	ssyncadd.remote.s32 @!p0 $0x1  }
0xb4: {  	s26 =	simm.s32 $execute0_lowered;
	[smem:$0x3FD2] =	sst s25  }
0xb5: {  	s5 =	sshll.u32 s26, $0x1;
	_ =	strace $0x80000049;
	[dreg:$0x1] =	wrdreg $0xFFFFFFFF  }
0xb6: {  	s28 =	simm.s32 $_size_execute0_lowered;
	s3 =	sadd.s32 s3, s5;
	[dreg:$0x0] =	wrdreg $0x0  }
0xb7: {  	s5 =	sshll.u32 s28, $0x1;
	[dreg:$0x2] =	wrdreg s3  }
0xb8: {  	[dreg:$0x3] =	wrdreg s5  }
0xb9: {  	[dreg:$0x4] =	wrdreg $0xC0  }
0xba: {  	_ =	task [dreg:s22], $0x5FFFF  }
0xbb: {  	[dreg:$0x1] =	wrdreg $0xFFFFFFFF  }
0xbc: {  	[dreg:$0x0] =	wrdreg $0x60  }
0xbd: {  	[dreg:$0x2] =	wrdreg s24  }
0xbe: {  	[dreg:$0x3] =	wrdreg $0xA  }
0xbf: {  	_ =	task.clear_ibuf [dreg:s22], $0x4FFFF;
	_ =	strace $0x90000049  }
0xc0: {  	s29 =	simm.s32 $0xA;
	_ =	strace $0x8000004B  }
0xc1: {  	_ =	swait.ge [sflag:s29], $0x1  }
0xc2: {  	[sflag:s29] =	ssyncadd.s32 $0xFFFFFFFF  }
0xc3: {  	_ =	strace $0x9000004B  }
0xc4: {  	_ =	sfence  }
0xc5: {  	s30 =	sld [smem:$0x0];
	_ =	sdelay $0x2  }
0xc6: {  	s31 =	sshll.u32 s1, $0xD;
	s1 =	sshrl.u32 s1, $0x2  }
0xc7: {  	s4 =	sand.u32 $0x4000, s31;
	s1 =	sadd.s32 s1, s30  }
0xc8: {  	s0 =	sor.u32 s4, s0;
	s1 =	sshll.u32 s1, $0x11  }
0xc9: {  	s0 =	sor.u32 s1, s0  }
0xca: {  	s0 =	sadd.s32 $0x8F2B, s0  }
0xcb: {  	[sflag:s0] =	ssyncadd.remote.s32 $0x1  }
0xcc: {  	_ =	sfence.sel $0xFFFF  }
0xcd: {  	[dreg:$0x0] =	wrdreg $0xFFFFFFFF;
	(pc) =	sbr.abs _section_cstart, $3  }
0xce: {  	[dreg:$0x1] =	wrdreg $0xFFFFFFFF  }
0xcf: {  	_ =	task.clear_ibuf [dreg:s22], $0x2FFFF;
	_ =	strace $0x9FFFFFFF  }
0xd0: {  	(tm) =	ssettm $0x7FFFFFFF  }
0xd1: {  	_ =	shalt  }
tec
execute0_lowered:
.L_overlay_start_1:
0x0: {  	(tag) =	ssettag $0x1  }
0x1: {  	s9 =	stileid.u32;
	s0 =	rddreg [dreg:$0x0]  }
0x2: {  	s2 =	simm.s32 $0x0;
	s6 =	srdreg.scid;
	s14 =	simm.s32 $0x4  }
0x3: {  	s16 =	simm.s32 $0x186A0;
	s17 =	simm.s32 $0x3;
	s18 =	simm.s32 $0x320  }
0x4: {  	s19 =	simm.s32 $0x19320;
	s20 =	simm.s32 $0x19960;
	s21 =	simm.s32 $0x19640  }
0x5: {  	s22 =	simm.s32 $0x1CB60;
	s23 =	simm.s32 $0x1;
	s24 =	simm.s32 $0x1FD60  }
0x6: {  	s28 =	simm.s32 $0x0;
	s1 =	sshrl.u32 s9, $0x2;
	[smem:$0x7FF] =	sst s2  }
0x7: {  	s3 =	sadd.s32 $0x765000, s0;
	s5 =	sadd.s32 $0x156C00, s0;
	s7 =	sand.u32 $0x1, s6  }
0x8: {  	s26 =	sshll.u32 s9, $0x1;
	s6 =	sadd.s32 $0x176C00, s0;
	s25 =	smul.u32 $0x186A0, s1  }
0x9: {  	_ =	strace $0x8000004A;
	s29 =	ssub.s32 $0x2, s7;
	s11 =	smul.u32 $0x186A00, s1  }
0xa: {  	v0 =	vlaneseq.u32;
	s10 =	sand.u32 $0x6, s26;
	s26 =	smul.u32 $0x32, s1;
	s1 =	sshll.u32 s1, $0xE  }
0xb: {  	v0 =	vmul.u32 $0xC8, v0;
	s30 =	sshrl.u32 s29, $0x1;
	s10 =	sor.u32 s7, s10;
	s4 =	sshrl.u32 s25, $0x3  }
0xc: {  	s7 =	sshll.u32 s10, $0xB;
	s31 =	sshrl.u32 s11, $0x3;
	s10 =	smul.u32 $0xC800, s10  }
0xd: {  	v0 =	vadd.s32 s26, v0;
	v1 =	vmov s25;
	s25 =	simm.s32 $0x1FE60;
	s26 =	simm.s32 $0x2;
	s8 =	sadd.s32 s4, s0  }
0xe: {  	s4 =	sadd.s32 $0x24A800, s0;
	s0 =	ssub.s32 s29, s30;
	s9 =	sadd.s32 s3, s31  }
0xf: {  	s11 =	sor.u32 $0x20, s7;
	s12 =	sor.u32 s1, s7;
	s8 =	sadd.s32 $0x14A800, s8  }
0x10: {  	v2 =	vimm.f32 $0.0e+00;
	s9 =	sadd.s32 $0x30D3E, s9;
	s10 =	sadd.s32 s4, s10;
	s13 =	smax.u32 s0, $0x1  }
.LBB2_1:
0x11: {  	[tilespmem:s2], [sflag:$0x4] =	stream.linear.gather [hbm4b:s8+s2], $0x186A0, $0x38;
	[tilespmem:$0x1FE80] =	vst v63  }
0x12: {  	_ =	swait.ge [sflag:s14], $0x186A0  }
0x13: {  	[sflag:s14] =	ssyncset.done $0x0  }
0x14: {  	s0 =	simm.s32 $0x1FE70;
	[sflag:s14] =	ssyncadd.s32 $0xFFFE7960  }
0x15: {  	[tilespmem:s0], [sflag:$0x4] =	stream.linear.gather [hbm4b:s9+s2], $0x10, $0x38;
	[tilespmem:$0x1FE80] =	vst v63  }
0x16: {  	_ =	swait.ge [sflag:s14], $0x10  }
0x17: {  	[sflag:s14] =	ssyncset.done $0x0  }
0x18: {  	[sflag:s14] =	ssyncadd.s32 $0xFFFFFFF0  }
0x19: {  	[tilespmem:s16], [sflag:$0x3] =	stream.linear.gather [hbm4b:s10+s2], $0xC80, $0x38;
	[tilespmem:$0x1FE80] =	vst v63  }
0x1a: {  	_ =	swait.ge [sflag:s17], $0xC80  }
0x1b: {  	[sflag:s17] =	ssyncset.done $0x0  }
0x1c: {  	s29 =	simm.s32 $0x0;
	[sflag:s17] =	ssyncadd.s32 $0xFFFFF380  }
.LBB2_2:
0x1d: {  	s0 =	simm.s32 $0x0  }
0x1e: {  	v3 =	vadd.s32 s0, v0;
	_ =	sdelay $0x4  }
0x1f: {  	v4 =	vld.idx.msk [tilespmem:v3+s16+$0x0], $0xffff;
	_ =	sdelay $0x2  }
0x20: {  	s31 =	simm.s32 $0x1  }
0x21: {  	v5 =	vadd.s32 s31, v0;
	_ =	sdelay $0x1  }
0x22: {  	s0 =	simm.s32 $0x19320;
	v3 =	vadd.s32 v1, v4  }
0x23: {  	[tilespmem:s0+$0x0] =	vst v3  }
0x24: {  	v6 =	vld.idx.msk [tilespmem:v4+s2+$0x0], $0xffff  }
0x25: {  	v5 =	vld.idx.msk [tilespmem:v5+s16+$0x0], $0xffff  }
0x26: {  	vm0 =	veq.s32 v4, $0x1869F  }
0x27: {  	s1 =	simm.s32 $0x2;
	v3 =	vimm.f32 $0.0e+00;
	v7 =	vsel vm0, $0x3F800000, v2  }
0x28: {  	v4 =	vadd.f32 v7, v3;
	v7 =	vadd.s32 s1, v0;
	s1 =	simm.s32 $0x3  }
.LBB2_3:
0x29: {  	p0 =	sne.s32 s1, $0x31;
	v6 =	vsel vm0, $0x0, v6  }
0x2a: {  	v8 =	vadd.s32 v1, v5;
	vm0 =	veq.s32 v5, $0x1869F;
	s0 =	sadd.s32 $0x10, s0;
	v3 =	vadd.f32 v6, v3  }
0x2b: {  	[tilespmem:s0+$0x0] =	vst v8;
	v8 =	vsel vm0, $0x3F800000, v2  }
0x2c: {  	v6 =	vld.idx.msk [tilespmem:v5+s2+$0x0], $0xffff;
	v4 =	vadd.f32 v8, v4  }
.Ltmp0:
0x2d: {  	v5 =	vld.idx.msk [tilespmem:v7+s16+$0x0], $0xffff;
	(pc) =	sbr.rel @p0 .LBB2_3-.Ltmp0, $2  }
0x2e: {  	_ =	sdelay $0x2  }
0x2f: {  	v7 =	vadd.s32 s1, v0;
	s1 =	sadd.s32 $0x1, s1  }
0x30: {  	_ =	sdelay $0x1  }
0x31: {  	v8 =	vadd.s32 v1, v5;
	s0 =	sadd.s32 $0x10, s0  }
0x32: {  	[tilespmem:s0+$0x0] =	vst v8  }
0x33: {  	v7 =	vld.idx.msk [tilespmem:v7+s16+$0x0], $0xffff;
	_ =	sdelay $0x3  }
0x34: {  	s31 =	sshll.u32 s29, $0x5  }
0x35: {  	s30 =	sor.u32 $0x10, s31  }
0x36: {  	s0 =	sadd.s32 $0x10, s0;
	s15 =	sadd.s32 s7, s30;
	v9 =	vadd.s32 v1, v7  }
0x37: {  	s1 =	simm.s32 $0x0;
	v8 =	vld.idx.msk [tilespmem:v5+s2+$0x0], $0xffff;
	[tilespmem:s0+$0x0] =	vst v9;
	s0 =	smul.u32 $0x19, s15  }
0x38: {  	v9 =	vld.idx.msk [tilespmem:v7+s2+$0x0], $0xffff;
	[tilespmem:s20], [sflag:$0x1] =	stream.indirect.gather [hbm4b:s3+s18], $0x10, s19, s18, $0xb8  }
0x39: {  	v10 =	vadd.s32 s1, v0;
	s0 =	sadd.s32 s4, s0  }
0x3a: {  	[tilespmem:s16], [sflag:$0x3] =	stream.linear.gather [hbm4b:s0+s1], $0xC80, $0x38;
	[tilespmem:$0x1FE80] =	vst v63  }
0x3b: {  	_ =	swait.ge [sflag:s17], $0xC80  }
0x3c: {  	[sflag:s17] =	ssyncset.done $0x0  }
0x3d: {  	[sflag:s17] =	ssyncadd.s32 $0xFFFFF380  }
0x3e: {  	v10 =	vld.idx.msk [tilespmem:v10+s16+$0x0], $0xffff;
	_ =	sdelay $0x2  }
0x3f: {  	v6 =	vsel vm0, $0x0, v6;
	vm0 =	veq.s32 v5, $0x1869F;
	s1 =	simm.s32 $0x1  }
0x40: {  	v3 =	vadd.f32 v6, v3;
	v5 =	vsel vm0, $0x3F800000, v2;
	v11 =	vadd.s32 s1, v0  }
0x41: {  	v4 =	vadd.f32 v5, v4;
	v5 =	vsel vm0, $0x0, v8  }
0x42: {  	v5 =	vadd.f32 v5, v3;
	s0 =	simm.s32 $0x19640;
	v3 =	vadd.s32 v1, v10  }
0x43: {  	vm0 =	veq.s32 v7, $0x1869F;
	[tilespmem:s0+$0x0] =	vst v3  }
0x44: {  	v7 =	vsel vm0, $0x0, v9;
	v8 =	vld.idx.msk [tilespmem:v10+s2+$0x0], $0xffff  }
0x45: {  	v5 =	vadd.f32 v7, v5;
	v7 =	vld.idx.msk [tilespmem:v11+s16+$0x0], $0xffff  }
0x46: {  	v6 =	vsel vm0, $0x3F800000, v2;
	vm0 =	veq.s32 v10, $0x1869F  }
0x47: {  	s15 =	simm.s32 $0x2;
	v6 =	vadd.f32 v6, v4;
	v3 =	vimm.f32 $0.0e+00;
	v4 =	vsel vm0, $0x3F800000, v2  }
0x48: {  	s1 =	simm.s32 $0x3;
	v9 =	vadd.s32 s15, v0;
	v4 =	vadd.f32 v4, v3  }
.LBB2_5:
0x49: {  	p0 =	sne.s32 s1, $0x31;
	v8 =	vsel vm0, $0x0, v8  }
0x4a: {  	v10 =	vadd.s32 v1, v7;
	vm0 =	veq.s32 v7, $0x1869F;
	s0 =	sadd.s32 $0x10, s0;
	v3 =	vadd.f32 v8, v3  }
0x4b: {  	[tilespmem:s0+$0x0] =	vst v10;
	v10 =	vsel vm0, $0x3F800000, v2  }
0x4c: {  	v8 =	vld.idx.msk [tilespmem:v7+s2+$0x0], $0xffff;
	v4 =	vadd.f32 v10, v4  }
.Ltmp1:
0x4d: {  	v7 =	vld.idx.msk [tilespmem:v9+s16+$0x0], $0xffff;
	(pc) =	sbr.rel @p0 .LBB2_5-.Ltmp1, $2  }
0x4e: {  	_ =	sdelay $0x2  }
0x4f: {  	v9 =	vadd.s32 s1, v0;
	s1 =	sadd.s32 $0x1, s1  }
0x50: {  	_ =	sdelay $0x1  }
0x51: {  	v10 =	vadd.s32 v1, v7;
	s0 =	sadd.s32 $0x10, s0  }
0x52: {  	[tilespmem:s0+$0x0] =	vst v10  }
0x53: {  	v9 =	vld.idx.msk [tilespmem:v9+s16+$0x0], $0xffff;
	_ =	sdelay $0x2  }
0x54: {  	s1 =	sshll.u32 s29, $0x1  }
0x55: {  	s1 =	smin.u32 s1, $0x7D  }
0x56: {  	s1 =	sshll.u32 s1, $0x4  }
0x57: {  	s0 =	sadd.s32 $0x10, s0;
	s1 =	sadd.s32 s1, s11;
	v11 =	vadd.s32 v1, v9  }
0x58: {  	v10 =	vld.idx.msk [tilespmem:v7+s2+$0x0], $0xffff;
	[tilespmem:s0+$0x0] =	vst v11;
	s0 =	smul.u32 $0x19, s1  }
0x59: {  	v11 =	vld.idx.msk [tilespmem:v9+s2+$0x0], $0xffff;
	[tilespmem:s22], [sflag:$0x2] =	stream.indirect.gather [hbm4b:s3+s18], $0x10, s21, s18, $0xb8  }
0x5a: {  	s15 =	simm.s32 $0x0;
	s0 =	sadd.s32 s4, s0  }
0x5b: {  	[tilespmem:s16], [sflag:$0x3] =	stream.linear.gather [hbm4b:s0+s15], $0xC80, $0x38;
	[tilespmem:$0x1FE80] =	vst v63  }
0x5c: {  	_ =	swait.ge [sflag:s23], $0x3200  }
0x5d: {  	[sflag:s23] =	ssyncset.done $0x0  }
0x5e: {  	s15 =	simm.s32 $0x0;
	[sflag:s23] =	ssyncadd.s32 $0xFFFFCE00  }
0x5f: {  	v12 =	vld [tilespmem:s15+$0x19A50]  }
0x60: {  	v13 =	vld [tilespmem:s15+$0x19960]  }
0x61: {  	v15 =	vld [tilespmem:s15+$0x19970]  }
0x62: {  	v16 =	vld [tilespmem:s15+$0x19980]  }
0x63: {  	v17 =	vld [tilespmem:s15+$0x19990]  }
0x64: {  	v8 =	vsel vm0, $0x0, v8;
	vm14 =	veq.s32 v7, $0x1869F;
	v19 =	vld [tilespmem:s15+$0x199A0]  }
0x65: {  	v3 =	vadd.f32 v8, v3;
	v7 =	vsel vm14, $0x3F800000, v2;
	v20 =	vld [tilespmem:s15+$0x199B0]  }
0x66: {  	v4 =	vadd.f32 v7, v4;
	v7 =	vsel vm14, $0x0, v10;
	vm15 =	veq.s32 v9, $0x1869F;
	v21 =	vld [tilespmem:s15+$0x199C0]  }
0x67: {  	v3 =	vadd.f32 v7, v3;
	v7 =	vsel vm15, $0x3F800000, v2;
	v22 =	vld [tilespmem:s15+$0x199D0]  }
0x68: {  	v18 =	vimm.f32 $0.0e+00;
	v4 =	vadd.f32 v7, v4;
	v7 =	vsel vm15, $0x0, v11;
	v26 =	vld [tilespmem:s15+$0x199E0]  }
0x69: {  	v3 =	vadd.f32 v7, v3;
	v27 =	vld [tilespmem:s15+$0x199F0];
	v7 =	vadd.f32 v12, v18  }
0x6a: {  	v14 =	vadd.f32 v13, v18;
	v15 =	vadd.f32 v15, v18  }
0x6b: {  	v23 =	vld [tilespmem:s15+$0x19A00];
	v8 =	vadd.f32 v16, v18;
	v9 =	vadd.f32 v17, v18  }
0x6c: {  	v24 =	vld [tilespmem:s15+$0x19A10];
	v10 =	vadd.f32 v19, v18;
	v11 =	vadd.f32 v20, v18  }
0x6d: {  	v25 =	vld [tilespmem:s15+$0x19A20];
	v12 =	vadd.f32 v21, v18;
	v13 =	vadd.f32 v22, v18  }
0x6e: {  	v16 =	vadd.f32 v26, v18;
	v26 =	vld [tilespmem:s15+$0x19A30];
	v17 =	vadd.f32 v27, v18;
	v19 =	vimm.f32 $0.0e+00  }
0x6f: {  	s1 =	simm.s32 $0x100;
	s0 =	simm.s32 $0x800;
	v27 =	vld [tilespmem:s15+$0x19A40];
	v22 =	vimm.f32 $0.0e+00;
	v20 =	vimm.f32 $0.0e+00;
	v21 =	vimm.f32 $0.0e+00  }
.LBB2_7:
0x70: {  	p0 =	sne.s32 s0, $0xC400;
	v28 =	vld [tilespmem:s1+$0x19A50];
	v18 =	vadd.f32 v23, v18  }
0x71: {  	v23 =	vld [tilespmem:s1+$0x19960];
	v19 =	vadd.f32 v24, v19  }
0x72: {  	v24 =	vld [tilespmem:s1+$0x19970];
	v22 =	vadd.f32 v25, v22  }
0x73: {  	v25 =	vld [tilespmem:s1+$0x19980];
	v20 =	vadd.f32 v26, v20  }
0x74: {  	v26 =	vld [tilespmem:s1+$0x19990];
	v21 =	vadd.f32 v27, v21  }
0x75: {  	v27 =	vld [tilespmem:s1+$0x199A0];
	v7 =	vadd.f32 v28, v7  }
0x76: {  	v14 =	vadd.f32 v23, v14;
	v23 =	vld [tilespmem:s1+$0x199B0]  }
0x77: {  	v15 =	vadd.f32 v24, v15;
	v24 =	vld [tilespmem:s1+$0x199C0]  }
0x78: {  	v8 =	vadd.f32 v25, v8;
	v25 =	vld [tilespmem:s1+$0x199D0]  }
0x79: {  	v9 =	vadd.f32 v26, v9;
	v26 =	vld [tilespmem:s1+$0x199E0]  }
0x7a: {  	v10 =	vadd.f32 v27, v10;
	v27 =	vld [tilespmem:s1+$0x199F0]  }
.Ltmp2:
0x7b: {  	v11 =	vadd.f32 v23, v11;
	v23 =	vld [tilespmem:s1+$0x19A00];
	(pc) =	sbr.rel @p0 .LBB2_7-.Ltmp2, $4  }
0x7c: {  	v12 =	vadd.f32 v24, v12;
	v24 =	vld [tilespmem:s1+$0x19A10]  }
0x7d: {  	v13 =	vadd.f32 v25, v13;
	v25 =	vld [tilespmem:s1+$0x19A20]  }
0x7e: {  	v16 =	vadd.f32 v26, v16;
	v26 =	vld [tilespmem:s1+$0x19A30]  }
0x7f: {  	v17 =	vadd.f32 v27, v17;
	v27 =	vld [tilespmem:s1+$0x19A40];
	s1 =	sshra.s32 s0, $0x2;
	s0 =	sadd.s32 $0x400, s0  }
0x80: {  	v28 =	vld [tilespmem:s1+$0x19960]  }
0x81: {  	v29 =	vld [tilespmem:s1+$0x19970]  }
0x82: {  	v30 =	vld [tilespmem:s1+$0x19980]  }
0x83: {  	v31 =	vld [tilespmem:s1+$0x19990]  }
0x84: {  	v32 =	vld [tilespmem:s1+$0x199A0]  }
0x85: {  	v33 =	vld [tilespmem:s1+$0x199B0]  }
0x86: {  	v34 =	vld [tilespmem:s1+$0x199C0]  }
0x87: {  	v35 =	vld [tilespmem:s1+$0x199D0]  }
0x88: {  	v36 =	vld [tilespmem:s1+$0x199E0]  }
0x89: {  	v18 =	vadd.f32 v23, v18;
	v23 =	vld [tilespmem:s1+$0x199F0]  }
0x8a: {  	v61 =	vld [tilespmem:s1+$0x19A30];
	v19 =	vadd.f32 v24, v19;
	v22 =	vadd.f32 v25, v22  }
0x8b: {  	v24 =	vld [tilespmem:s1+$0x19A00];
	v20 =	vadd.f32 v26, v20;
	v21 =	vadd.f32 v27, v21  }
0x8c: {  	v25 =	vld [tilespmem:s1+$0x19A10];
	v14 =	vadd.f32 v28, v14;
	v15 =	vadd.f32 v29, v15  }
0x8d: {  	v27 =	vld [tilespmem:$0x1FE70];
	v8 =	vadd.f32 v30, v8;
	v9 =	vadd.f32 v31, v9  }
0x8e: {  	v26 =	vld [tilespmem:s1+$0x19A20];
	v10 =	vadd.f32 v32, v10;
	v11 =	vadd.f32 v33, v11  }
0x8f: {  	v12 =	vadd.f32 v34, v12;
	v13 =	vadd.f32 v35, v13  }
0x90: {  	v16 =	vadd.f32 v36, v16;
	v17 =	vadd.f32 v23, v17;
	v23 =	vbroadcast v6, $0x0  }
0x91: {  	v20 =	vadd.f32 v61, v20;
	v18 =	vadd.f32 v24, v18;
	v24 =	vbroadcast v6, $0x1  }
0x92: {  	v19 =	vadd.f32 v25, v19;
	v25 =	vbroadcast v6, $0x2;
	v23 =	vmul.f32 v27, v23  }
0x93: {  	v22 =	vadd.f32 v26, v22;
	v26 =	vbroadcast v6, $0x3;
	v24 =	vmul.f32 v27, v24  }
0x94: {  	v62 =	vld [tilespmem:s1+$0x19A50];
	v14 =	vsub.f32 v14, v23;
	v23 =	vmul.f32 v27, v25;
	v25 =	vbroadcast v6, $0x4  }
0x95: {  	v63 =	vld [tilespmem:s1+$0x19A40];
	[tilespmem:$0x1FE60] =	vst v5;
	v15 =	vsub.f32 v15, v24;
	v24 =	vmul.f32 v27, v26;
	v26 =	vbroadcast v6, $0x5  }
0x96: {  	[tilespmem:$0x1FD60] =	vst v14;
	v8 =	vsub.f32 v8, v23;
	v14 =	vmul.f32 v27, v25;
	v23 =	vbroadcast v6, $0x6  }
0x97: {  	[tilespmem:$0x1FD70] =	vst v15;
	v9 =	vsub.f32 v9, v24;
	v15 =	vmul.f32 v27, v26;
	v24 =	vbroadcast v6, $0x7  }
0x98: {  	[tilespmem:$0x1FD80] =	vst v8;
	v8 =	vsub.f32 v10, v14;
	v10 =	vmul.f32 v27, v23;
	v14 =	vbroadcast v6, $0x8  }
0x99: {  	[tilespmem:$0x1FD90] =	vst v9;
	v9 =	vsub.f32 v11, v15;
	v11 =	vmul.f32 v27, v24;
	v15 =	vbroadcast v6, $0x9  }
0x9a: {  	[tilespmem:$0x1FDA0] =	vst v8;
	v8 =	vsub.f32 v12, v10;
	v10 =	vmul.f32 v27, v14;
	v12 =	vbroadcast v6, $0xA  }
0x9b: {  	[tilespmem:$0x1FDB0] =	vst v9;
	v9 =	vsub.f32 v13, v11;
	v11 =	vmul.f32 v27, v15;
	v13 =	vbroadcast v6, $0xB  }
0x9c: {  	[tilespmem:$0x1FDC0] =	vst v8;
	v8 =	vsub.f32 v16, v10;
	v10 =	vmul.f32 v27, v12;
	v12 =	vbroadcast v6, $0xC  }
0x9d: {  	[tilespmem:$0x1FDD0] =	vst v9;
	v9 =	vsub.f32 v17, v11;
	v11 =	vmul.f32 v27, v13;
	v13 =	vbroadcast v6, $0xD  }
0x9e: {  	[tilespmem:$0x1FDE0] =	vst v8;
	v8 =	vsub.f32 v18, v10;
	v10 =	vmul.f32 v27, v12;
	v12 =	vbroadcast v6, $0xE  }
0x9f: {  	[tilespmem:$0x1FDF0] =	vst v9;
	v9 =	vsub.f32 v19, v11;
	v11 =	vmul.f32 v27, v13;
	v6 =	vbroadcast v6, $0xF  }
0xa0: {  	v13 =	vadd.f32 v63, v21;
	[tilespmem:$0x1FE00] =	vst v8;
	v8 =	vsub.f32 v22, v10;
	v10 =	vmul.f32 v27, v12  }
0xa1: {  	v7 =	vadd.f32 v62, v7;
	[tilespmem:$0x1FE10] =	vst v9;
	v9 =	vsub.f32 v20, v11;
	v6 =	vmul.f32 v27, v6  }
0xa2: {  	[tilespmem:$0x1FE20] =	vst v8;
	v8 =	vsub.f32 v13, v10  }
0xa3: {  	s0 =	sadd.s32 s12, s31;
	[tilespmem:$0x1FE30] =	vst v9;
	v6 =	vsub.f32 v7, v6  }
0xa4: {  	s15 =	sshll.u32 s0, $0x1;
	[tilespmem:$0x1FE40] =	vst v8  }
0xa5: {  	s1 =	sadd.s32 s5, s15;
	s15 =	simm.s32 $0x0;
	[tilespmem:$0x1FE50] =	vst v6  }
0xa6: {  	[hbm4b:s1+s15] =	stream.linear.scatter [tilespmem:s24], [sflag:$0x4], $0x100, $0x38;
	[tilespmem:$0x1FE80] =	vst v63  }
0xa7: {  	_ =	swait.ge [sflag:s14], $0x100  }
0xa8: {  	s0 =	sshrl.u32 s0, $0x3;
	[sflag:s14] =	ssyncset.done $0x0  }
0xa9: {  	s0 =	sadd.s32 s6, s0;
	[sflag:s14] =	ssyncadd.s32 $0xFFFFFF00  }
0xaa: {  	[hbm4b:s0+s15] =	stream.linear.scatter [tilespmem:s25], [sflag:$0x4], $0x10, $0x38;
	[tilespmem:$0x1FE80] =	vst v63  }
0xab: {  	_ =	swait.ge [sflag:s14], $0x10  }
0xac: {  	[sflag:s14] =	ssyncset.done $0x0  }
0xad: {  	[sflag:s14] =	ssyncadd.s32 $0xFFFFFFF0  }
0xae: {  	_ =	swait.ge [sflag:s26], $0x3200  }
0xaf: {  	[sflag:s26] =	ssyncset.done $0x0  }
0xb0: {  	s31 =	simm.s32 $0x0;
	[sflag:s26] =	ssyncadd.s32 $0xFFFFCE00  }
0xb1: {  	v5 =	vld [tilespmem:s31+$0x1CC50]  }
0xb2: {  	v6 =	vld [tilespmem:s31+$0x1CB60]  }
0xb3: {  	v7 =	vld [tilespmem:s31+$0x1CB70]  }
0xb4: {  	v8 =	vld [tilespmem:s31+$0x1CB80]  }
0xb5: {  	v9 =	vld [tilespmem:s31+$0x1CB90]  }
0xb6: {  	v10 =	vld [tilespmem:s31+$0x1CBA0]  }
0xb7: {  	v11 =	vld [tilespmem:s31+$0x1CBB0]  }
0xb8: {  	v14 =	vld [tilespmem:s31+$0x1CBC0]  }
0xb9: {  	v15 =	vld [tilespmem:s31+$0x1CBD0]  }
0xba: {  	v16 =	vimm.f32 $0.0e+00;
	v17 =	vld [tilespmem:s31+$0x1CBE0]  }
0xbb: {  	v18 =	vld [tilespmem:s31+$0x1CBF0];
	v5 =	vadd.f32 v5, v16;
	v12 =	vadd.f32 v6, v16  }
0xbc: {  	v21 =	vld [tilespmem:s31+$0x1CC00];
	v13 =	vadd.f32 v7, v16;
	v6 =	vadd.f32 v8, v16  }
0xbd: {  	v22 =	vld [tilespmem:s31+$0x1CC10];
	v7 =	vadd.f32 v9, v16;
	v8 =	vadd.f32 v10, v16  }
0xbe: {  	v19 =	vimm.f32 $0.0e+00;
	v23 =	vld [tilespmem:s31+$0x1CC20];
	v9 =	vadd.f32 v11, v16;
	v10 =	vadd.f32 v14, v16  }
0xbf: {  	v20 =	vimm.f32 $0.0e+00;
	v24 =	vld [tilespmem:s31+$0x1CC30];
	v11 =	vadd.f32 v15, v16;
	v14 =	vadd.f32 v17, v16  }
0xc0: {  	s1 =	simm.s32 $0x100;
	s0 =	simm.s32 $0x800;
	v25 =	vld [tilespmem:s31+$0x1CC40];
	v15 =	vadd.f32 v18, v16;
	v17 =	vimm.f32 $0.0e+00;
	v18 =	vimm.f32 $0.0e+00  }
.LBB2_9:
0xc1: {  	p0 =	sne.s32 s0, $0xC400;
	v26 =	vld [tilespmem:s1+$0x1CC50];
	v16 =	vadd.f32 v21, v16  }
0xc2: {  	v21 =	vld [tilespmem:s1+$0x1CB60];
	v17 =	vadd.f32 v22, v17  }
0xc3: {  	v22 =	vld [tilespmem:s1+$0x1CB70];
	v20 =	vadd.f32 v23, v20  }
0xc4: {  	v23 =	vld [tilespmem:s1+$0x1CB80];
	v18 =	vadd.f32 v24, v18  }
0xc5: {  	v24 =	vld [tilespmem:s1+$0x1CB90];
	v19 =	vadd.f32 v25, v19  }
0xc6: {  	v25 =	vld [tilespmem:s1+$0x1CBA0];
	v5 =	vadd.f32 v26, v5  }
0xc7: {  	v12 =	vadd.f32 v21, v12;
	v21 =	vld [tilespmem:s1+$0x1CBB0]  }
0xc8: {  	v13 =	vadd.f32 v22, v13;
	v22 =	vld [tilespmem:s1+$0x1CBC0]  }
0xc9: {  	v6 =	vadd.f32 v23, v6;
	v23 =	vld [tilespmem:s1+$0x1CBD0]  }
0xca: {  	v7 =	vadd.f32 v24, v7;
	v24 =	vld [tilespmem:s1+$0x1CBE0]  }
0xcb: {  	v8 =	vadd.f32 v25, v8;
	v25 =	vld [tilespmem:s1+$0x1CBF0]  }
.Ltmp3:
0xcc: {  	v9 =	vadd.f32 v21, v9;
	v21 =	vld [tilespmem:s1+$0x1CC00];
	(pc) =	sbr.rel @p0 .LBB2_9-.Ltmp3, $4  }
0xcd: {  	v10 =	vadd.f32 v22, v10;
	v22 =	vld [tilespmem:s1+$0x1CC10]  }
0xce: {  	v11 =	vadd.f32 v23, v11;
	v23 =	vld [tilespmem:s1+$0x1CC20]  }
0xcf: {  	v14 =	vadd.f32 v24, v14;
	v24 =	vld [tilespmem:s1+$0x1CC30]  }
0xd0: {  	v15 =	vadd.f32 v25, v15;
	v25 =	vld [tilespmem:s1+$0x1CC40];
	s1 =	sshra.s32 s0, $0x2;
	s0 =	sadd.s32 $0x400, s0  }
0xd1: {  	v26 =	vld [tilespmem:s1+$0x1CB60]  }
0xd2: {  	v27 =	vld [tilespmem:s1+$0x1CB70]  }
0xd3: {  	v28 =	vld [tilespmem:s1+$0x1CB80]  }
0xd4: {  	v29 =	vld [tilespmem:s1+$0x1CB90]  }
0xd5: {  	v30 =	vld [tilespmem:s1+$0x1CBA0]  }
0xd6: {  	v31 =	vld [tilespmem:s1+$0x1CBB0]  }
0xd7: {  	v32 =	vld [tilespmem:s1+$0x1CBC0];
	v57 =	vbroadcast v4, $0x0  }
0xd8: {  	v33 =	vld [tilespmem:s1+$0x1CBD0];
	v16 =	vadd.f32 v21, v16;
	v58 =	vbroadcast v4, $0x1;
	v59 =	vbroadcast v4, $0x2  }
0xd9: {  	v60 =	vbroadcast v4, $0x3;
	v62 =	vbroadcast v4, $0x4;
	v19 =	vadd.f32 v25, v19;
	v25 =	vld [tilespmem:$0x1FE70]  }
0xda: {  	v34 =	vld [tilespmem:s1+$0x1CBE0];
	v37 =	vbroadcast v4, $0x8;
	v40 =	vbroadcast v4, $0x9;
	v17 =	vadd.f32 v22, v17  }
0xdb: {  	v52 =	vld [tilespmem:s1+$0x1CBF0];
	v43 =	vbroadcast v4, $0xA;
	v20 =	vadd.f32 v23, v20;
	v18 =	vadd.f32 v24, v18  }
0xdc: {  	v53 =	vld [tilespmem:s1+$0x1CC00];
	v46 =	vbroadcast v4, $0xB;
	v12 =	vadd.f32 v26, v12;
	v13 =	vadd.f32 v27, v13  }
0xdd: {  	v54 =	vld [tilespmem:s1+$0x1CC10];
	v49 =	vbroadcast v4, $0xC;
	v6 =	vadd.f32 v28, v6;
	v7 =	vadd.f32 v29, v7  }
0xde: {  	v55 =	vld [tilespmem:s1+$0x1CC20];
	v8 =	vadd.f32 v30, v8;
	v9 =	vadd.f32 v31, v9;
	v21 =	vmul.f32 v25, v57  }
0xdf: {  	v56 =	vld [tilespmem:s1+$0x1CC30];
	v10 =	vadd.f32 v32, v10;
	v11 =	vadd.f32 v33, v11;
	v22 =	vmul.f32 v25, v58  }
0xe0: {  	v63 =	vld [tilespmem:s1+$0x1CC40];
	v14 =	vadd.f32 v34, v14;
	v61 =	vmul.f32 v25, v59;
	v12 =	vsub.f32 v12, v21  }
0xe1: {  	v26 =	vld [tilespmem:s1+$0x1CC50];
	v30 =	vbroadcast v4, $0x5;
	[tilespmem:$0x1FE60] =	vst v3;
	v29 =	vmul.f32 v25, v60;
	v13 =	vsub.f32 v13, v22  }
0xe2: {  	v32 =	vbroadcast v4, $0x6;
	v31 =	vmul.f32 v25, v62;
	v6 =	vsub.f32 v6, v61;
	[tilespmem:$0x1FD60] =	vst v12  }
0xe3: {  	v34 =	vbroadcast v4, $0x7;
	v33 =	vmul.f32 v25, v30;
	v7 =	vsub.f32 v7, v29;
	[tilespmem:$0x1FD70] =	vst v13  }
0xe4: {  	v15 =	vadd.f32 v52, v15;
	v36 =	vmul.f32 v25, v32;
	v35 =	vsub.f32 v8, v31;
	[tilespmem:$0x1FD80] =	vst v6  }
0xe5: {  	v16 =	vadd.f32 v53, v16;
	v39 =	vmul.f32 v25, v34;
	v38 =	vsub.f32 v9, v33;
	[tilespmem:$0x1FD90] =	vst v7  }
0xe6: {  	v17 =	vadd.f32 v54, v17;
	v42 =	vmul.f32 v25, v37;
	v41 =	vsub.f32 v10, v36;
	[tilespmem:$0x1FDA0] =	vst v35  }
0xe7: {  	v20 =	vadd.f32 v55, v20;
	v45 =	vmul.f32 v25, v40;
	v44 =	vsub.f32 v11, v39;
	[tilespmem:$0x1FDB0] =	vst v38  }
0xe8: {  	v18 =	vadd.f32 v56, v18;
	v48 =	vmul.f32 v25, v43;
	v47 =	vsub.f32 v14, v42;
	[tilespmem:$0x1FDC0] =	vst v41  }
0xe9: {  	v52 =	vbroadcast v4, $0xD;
	v51 =	vmul.f32 v25, v46;
	v50 =	vsub.f32 v15, v45;
	[tilespmem:$0x1FDD0] =	vst v44  }
0xea: {  	v55 =	vbroadcast v4, $0xE;
	v54 =	vmul.f32 v25, v49;
	v53 =	vsub.f32 v16, v48;
	[tilespmem:$0x1FDE0] =	vst v47  }
0xeb: {  	v57 =	vmul.f32 v25, v52;
	v58 =	vbroadcast v4, $0xF;
	v56 =	vsub.f32 v17, v51;
	[tilespmem:$0x1FDF0] =	vst v50  }
0xec: {  	v59 =	vadd.f32 v63, v19;
	v60 =	vsub.f32 v20, v54;
	v61 =	vmul.f32 v25, v55;
	[tilespmem:$0x1FE00] =	vst v53  }
0xed: {  	v5 =	vadd.f32 v26, v5;
	v62 =	vsub.f32 v18, v57;
	v4 =	vmul.f32 v25, v58;
	[tilespmem:$0x1FE10] =	vst v56  }
0xee: {  	s0 =	sor.u32 s12, s30;
	[tilespmem:$0x1FE20] =	vst v60;
	v63 =	vsub.f32 v59, v61  }
0xef: {  	s31 =	sshll.u32 s0, $0x1;
	[tilespmem:$0x1FE30] =	vst v62;
	v4 =	vsub.f32 v5, v4  }
0xf0: {  	s1 =	sand.u32 $0x1FFFFFE0, s31;
	[tilespmem:$0x1FE40] =	vst v63  }
0xf1: {  	s1 =	sadd.s32 s5, s1;
	[tilespmem:$0x1FE50] =	vst v4  }
0xf2: {  	[hbm4b:s1+s2] =	stream.linear.scatter [tilespmem:s24], [sflag:$0x4], $0x100, $0x38;
	[tilespmem:$0x1FE80] =	vst v63  }
0xf3: {  	_ =	swait.ge [sflag:s14], $0x100  }
0xf4: {  	s0 =	sshrl.u32 s0, $0x3;
	[sflag:s14] =	ssyncset.done $0x0  }
0xf5: {  	s29 =	sadd.s32 $0x1, s29;
	s0 =	sadd.s32 s6, s0;
	[sflag:s14] =	ssyncadd.s32 $0xFFFFFF00  }
0xf6: {  	[hbm4b:s0+s2] =	stream.linear.scatter [tilespmem:s25], [sflag:$0x4], $0x10, $0x38;
	[tilespmem:$0x1FE80] =	vst v63  }
0xf7: {  	p0 =	sne.s32 s29, $0x40;
	_ =	swait.ge [sflag:s14], $0x10  }
.Ltmp4:
0xf8: {  	[sflag:s14] =	ssyncset.done $0x0;
	(pc) =	sbr.rel @p0 .LBB2_2-.Ltmp4, $4  }
0xf9: {  	[sflag:s14] =	ssyncadd.s32 $0xFFFFFFF0  }
0xfa: {  	_ =	swait.ge [sflag:s17], $0xC80  }
0xfb: {  	[sflag:s17] =	ssyncset.done $0x0  }
0xfc: {  	[sflag:s17] =	ssyncadd.s32 $0xFFFFF380  }
0xfd: {  	s28 =	sadd.s32 $0x1, s28  }
0xfe: {  	p0 =	sne.s32 s28, s13  }
.Ltmp5:
0xff: {  	_ = 	snop;
	(pc) =	sbr.rel @p0 .LBB2_1-.Ltmp5, $1  }
0x100: {  	_ =	sdelay $0x3  }
0x101: {  	_ =	sfence.sel $0x180000  }
0x102: {  	[bflag:$0x0] =	sbarrier.arrive $0xFFFF  }
0x103: {  	_ =	strace $0x9000004A  }
0x104: {  	s0 =	stileid.u32;
	[bflag:$0x2] =	sbarrier.arrive $0xFFFF  }
0x105: {  	p0 =	sne.s32 s0, $0x0;
	s0 =	rddreg [dreg:$0x1]  }
0x106: {  	s0 =	sadd.s32 @!p0 $0x100000, s0  }
0x107: {  	[sflag:s0] =	ssyncadd.tile.s32 @!p0 $0x1;
	_ =	shalt  }
.Lfunc_end2:
_tile_overlayer_lowered:
.L_overlay_start_2:
0x108: {  	(tag) =	ssettag $0x2  }
0x109: {  	s0 =	rddreg [dreg:$0x0];
	s2 =	stileid.u32  }
0x10a: {  	s1 =	rddreg [dreg:$0x1];
	p0 =	sne.s32 s2, $0x0  }
0x10b: {  	s3 =	rddreg [dreg:$0x2];
	[bflag:$0x3] =	sbarrier.arrive $0xFFFF;
	s2 =	simm.s32 @!p0 $0x1C04  }
0x10c: {  	[timem:s3], [sflag:s2] =	dma.local @!p0 [hbm:s0], s1  }
0x10d: {  	s0 =	simm.s32 @!p0 $0x4  }
0x10e: {  	_ =	swait.ge @!p0 [sflag:s0], s1  }
0x10f: {  	s1 =	ssub.s32 @!p0 $0x0, s1;
	[sflag:s0] =	ssyncset.done @!p0 $0x0  }
0x110: {  	[sflag:s0] =	ssyncadd.s32 @!p0 s1  }
0x111: {  	[bflag:$0x3] =	sbarrier.arrive $0xFFFF  }
0x112: {  	_ =	shalt  }

// kernel: kernel.8.cloned.1.call-start
scs
__scs_entry_jumppad:
0x0: {  	(pc) =	sbr.rel $0x88, $3  }
0x1: {  	(tag) =	ssettag $0x0;
	lr =	simm.s32 $0x1  }
0x2: {  	[smem:$0x3F8D] =	sst lr;
	_ =	strace $0xD0000000  }
0x3: {  	_ = 	snop  }
0x4: {  	_ = 	snop  }
0x5: {  	_ = 	snop  }
0x6: {  	_ = 	snop  }
0x7: {  	_ = 	snop  }
__scs_overlays_trampoline_lowered:
0x8: {  	[smem:$0x3F9C] =	sst s0  }
0x9: {  	[smem:$0x3F9D] =	sst s1  }
0xa: {  	[smem:$0x3F9E] =	sst s2  }
0xb: {  	[smem:$0x3F9F] =	sst s3  }
0xc: {  	[smem:$0x3FA0] =	sst s4  }
0xd: {  	[smem:$0x3FA1] =	sst s5  }
0xe: {  	[smem:$0x3FA2] =	sst s6  }
0xf: {  	[smem:$0x3FA3] =	sst s7  }
0x10: {  	[smem:$0x3FA4] =	sst s8  }
0x11: {  	[smem:$0x3FA5] =	sst s9;
	s0 =	simm.s32 @!p0 $0x0  }
0x12: {  	s1 =	sld [smem:$0x3F8B];
	s0 =	simm.s32 @p0 $0x1  }
0x13: {  	[smem:$0x3FA6] =	sst s0;
	s0 =	simm.s32 @!p1 $0x0  }
0x14: {  	s2 =	sld [smem:$0x3F8A];
	s0 =	simm.s32 @p1 $0x1  }
0x15: {  	[smem:$0x3FA7] =	sst s0;
	s0 =	simm.s32 @!p2 $0x0  }
0x16: {  	s3 =	sld [smem:$0x3FDB];
	s0 =	simm.s32 @p2 $0x1  }
0x17: {  	s4 =	simm.s32 $0x1BF5;
	[smem:$0x3FA9] =	sst s0  }
0x18: {  	s0 =	sld [smem:$0x3F8C];
	_ =	swait.ge [sflag:s4], $0x0  }
0x19: {  	s7 =	sld [smem:$0x3F8D]  }
0x1a: {  	s8 =	sadd.s32 $0xFFFFE003, lr  }
0x1b: {  	s9 =	sadd.s32 $0xFFFFFEF7, lr;
	s5 =	simm.s32 $0xFFFFFFFF;
	p2 =	slt.u32 s8, $0xFFFFF086  }
0x1c: {  	p1 =	slt.u32 s9, $0xF7A;
	s5 =	simm.s32 @!p2 $0x0  }
0x1d: {  	s5 =	simm.s32 @p1 $0x1;
	p0 =	seq.s32 s7, s2  }
0x1e: {  	s7 =	smul.u32 @!p0 $0xF7A, s2;
	p2 =	seq.s32 @!p0 s5, $0x0  }
0x1f: {  	s9 =	smul.u32 $0xF7A, s1;
	s8 =	simm.s32 @!p0 $0x1BF5;
	p2 =	por !p2, p0  }
0x20: {  	[sflag:s8] =	ssyncset.s32 @!p0 $0xFFFFF086;
	s6 =	sadd.s32 @!p0 s3, s7;
	s7 =	simm.s32 @!p0 $0x108  }
0x21: {  	s3 =	sadd.s32 s3, s9;
	s6 =	sadd.s32 @!p0 $0x88, s6;
	s7 =	simm.s32 @p2 $0x1082  }
0x22: {  	[simem:s7], [sflag:s8] =	dma.local @!p0 [hbm:s6], $0xF7A  }
0x23: {  	s9 =	sor.u32 $0xD0000000, s2;
	s6 =	simm.s32 $0x108;
	_ =	swait.ge @!p0 [sflag:s8], $0x0  }
0x24: {  	s3 =	sadd.s32 $0x88, s3;
	s6 =	simm.s32 @!p1 $0x1082;
	[sflag:s4] =	ssyncset.s32 $0xFFFFF086  }
0x25: {  	[simem:s6], [sflag:s4] =	dma.local [hbm:s3], $0xF7A  }
0x26: {  	[smem:$0x3F8D] =	sst s1;
	(tag) =	ssettag s2;
	_ =	strace s9  }
0x27: {  	s1 =	sld [smem:$0x3F9D]  }
0x28: {  	s2 =	sld [smem:$0x3F9E]  }
0x29: {  	s4 =	sld [smem:$0x3FA0]  }
0x2a: {  	p0 =	seq.s32 s5, $0x0;
	s5 =	sld [smem:$0x3FA1]  }
0x2b: {  	s6 =	sld [smem:$0x3FA2]  }
0x2c: {  	s7 =	sld [smem:$0x3FA3]  }
0x2d: {  	s3 =	simm.s32 $0x108;
	s8 =	sld [smem:$0x3FA4]  }
0x2e: {  	s3 =	simm.s32 @!p0 $0x1082;
	s9 =	sld [smem:$0x3FA5]  }
0x2f: {  	lr =	sadd.s32 s0, s3;
	s0 =	sld [smem:$0x3F9C]  }
0x30: {  	s3 =	sld [smem:$0x3F9F]  }
0x31: {  	[smem:$0x3FA8] =	sst s10  }
0x32: {  	s10 =	sld [smem:$0x3FA6];
	_ =	sdelay $0x3  }
0x33: {  	p0 =	seq.s32 s10, $0x1;
	s10 =	sld [smem:$0x3FA8];
	_ =	sdelay $0x3  }
0x34: {  	[smem:$0x3FA8] =	sst s10  }
0x35: {  	s10 =	sld [smem:$0x3FA7];
	_ =	sdelay $0x3  }
0x36: {  	p1 =	seq.s32 s10, $0x1;
	s10 =	sld [smem:$0x3FA8];
	_ =	sdelay $0x3  }
0x37: {  	[smem:$0x3FA8] =	sst s10  }
0x38: {  	s10 =	sld [smem:$0x3FA9]  }
0x39: {  	_ = 	snop;
	(pc) =	sbr.ind lr, $3  }
0x3a: {  	_ = 	snop  }
0x3b: {  	_ = 	snop  }
0x3c: {  	p2 =	seq.s32 s10, $0x1;
	s10 =	sld [smem:$0x3FA8]  }
0x3d: {  	_ =	shalt  }
0x3e: {  	_ =	shalt  }
0x3f: {  	_ =	shalt  }
0x40: {  	_ =	shalt  }
0x41: {  	_ =	shalt  }
0x42: {  	_ =	shalt  }
0x43: {  	_ =	shalt  }
0x44: {  	_ =	shalt  }
0x45: {  	_ =	shalt  }
0x46: {  	_ =	shalt  }
0x47: {  	_ =	shalt  }
0x48: {  	_ =	shalt  }
0x49: {  	_ =	shalt  }
0x4a: {  	_ =	shalt  }
0x4b: {  	_ =	shalt  }
0x4c: {  	_ =	shalt  }
0x4d: {  	_ =	shalt  }
0x4e: {  	_ =	shalt  }
0x4f: {  	_ =	shalt  }
0x50: {  	_ =	shalt  }
0x51: {  	_ =	shalt  }
0x52: {  	_ =	shalt  }
0x53: {  	_ =	shalt  }
0x54: {  	_ =	shalt  }
0x55: {  	_ =	shalt  }
0x56: {  	_ =	shalt  }
0x57: {  	_ =	shalt  }
0x58: {  	_ =	shalt  }
0x59: {  	_ =	shalt  }
0x5a: {  	_ =	shalt  }
0x5b: {  	_ =	shalt  }
0x5c: {  	_ =	shalt  }
0x5d: {  	_ =	shalt  }
0x5e: {  	_ =	shalt  }
0x5f: {  	_ =	shalt  }
0x60: {  	_ =	shalt  }
0x61: {  	_ =	shalt  }
0x62: {  	_ =	shalt  }
0x63: {  	_ =	shalt  }
0x64: {  	_ =	shalt  }
0x65: {  	_ =	shalt  }
0x66: {  	_ =	shalt  }
0x67: {  	_ =	shalt  }
0x68: {  	_ =	shalt  }
0x69: {  	_ =	shalt  }
0x6a: {  	_ =	shalt  }
0x6b: {  	_ =	shalt  }
0x6c: {  	_ =	shalt  }
0x6d: {  	_ =	shalt  }
0x6e: {  	_ =	shalt  }
0x6f: {  	_ =	shalt  }
0x70: {  	_ =	shalt  }
0x71: {  	_ =	shalt  }
0x72: {  	_ =	shalt  }
0x73: {  	_ =	shalt  }
0x74: {  	_ =	shalt  }
0x75: {  	_ =	shalt  }
0x76: {  	_ =	shalt  }
0x77: {  	_ =	shalt  }
0x78: {  	_ =	shalt  }
0x79: {  	_ =	shalt  }
0x7a: {  	_ =	shalt  }
0x7b: {  	_ =	shalt  }
0x7c: {  	_ =	shalt  }
0x7d: {  	_ =	shalt  }
0x7e: {  	_ =	shalt  }
0x7f: {  	_ =	shalt  }
0x80: {  	_ =	shalt  }
0x81: {  	_ =	shalt  }
0x82: {  	_ =	shalt  }
0x83: {  	_ =	shalt  }
0x84: {  	_ =	shalt  }
0x85: {  	_ =	shalt  }
0x86: {  	_ =	shalt  }
0x87: {  	_ =	shalt  }
.Lfunc_end0:
.L_simem_size_0:
called_computation_lowered:
.L_overlay_start_0:
0x88: {  	s2 =	sld [smem:$0x3FD9]  }
0x89: {  	s3 =	sld [smem:$0x3FFE];
	_ =	sdelay $0x1  }
0x8a: {  	s1 =	srdreg.scid  }
0x8b: {  	s0 =	sand.u32 $0x1, s1  }
0x8c: {  	s16 =	sshll.u32 s0, $0xA;
	s2 =	sadd.s32 s3, s2  }
0x8d: {  	s2 =	sadd.s32 s2, s16  }
0x8e: {  	[smem:$0x3FB4] =	sst s2  }
0x8f: {  	_ = 	snop  }
0x90: {  	(tm) =	ssettm $0x1  }
0x91: {  	s17 =	sld [smem:$0x3FFB];
	_ =	sdelay $0x3  }
0x92: {  	_ =	strace s17  }
0x93: {  	s2 =	sld [smem:$0x3FFC];
	_ =	sdelay $0x3  }
0x94: {  	_ =	strace s2  }
0x95: {  	s2 =	sld [smem:$0x3FFD];
	_ =	sdelay $0x3  }
0x96: {  	_ =	strace s2  }
0x97: {  	_ =	strace $0x8FFFFFFF  }
0x98: {  	s18 =	sld [smem:$0x3FDB];
	_ =	sdelay $0x1  }
0x99: {  	s19 =	simm.s32 $_scs_section_size  }
0x9a: {  	s4 =	simm.s32 $_size__tile_overlayer_lowered;
	s5 =	simm.s32 $_tile_overlayer_lowered  }
0x9b: {  	s22 =	simm.s32 $0x1BFF;
	s21 =	sshll.u32 s5, $0x1;
	s2 =	sadd.s32 s19, s18  }
0x9c: {  	s6 =	simm.s32 $0x0;
	s20 =	sshll.u32 s4, $0x1;
	s4 =	sadd.s32 s21, s2  }
0x9d: {  	[timem:s6], [sflag:s22] =	dma.local [hbm:s4], s20  }
0x9e: {  	_ =	swait.ge [sflag:s22], s20  }
0x9f: {  	s3 =	ssub.s32 $0x0, s20;
	[sflag:s22] =	ssyncset.done $0x0  }
0xa0: {  	[sflag:s22] =	ssyncadd.s32 s3;
	_ =	sdelay $0x1  }
0xa1: {  	s23 =	simm.s32 $0x1B8B  }
0xa2: {  	_ =	swait.ge [sflag:s23], $0x1  }
0xa3: {  	[sflag:s23] =	ssyncset.done $0x0  }
0xa4: {  	s25 =	simm.s32 $0x1B8E;
	s24 =	sld [smem:$0x3FFE];
	[sflag:s23] =	ssyncadd.s32 $0xFFFFFFFF  }
0xa5: {  	s26 =	simm.s32 $execute0_lowered;
	[smem:$0x3FD2] =	sst s25  }
0xa6: {  	s4 =	sshll.u32 s26, $0x1;
	_ =	strace $0x80000046;
	[dreg:$0x1] =	wrdreg $0xFFFFFFFF  }
0xa7: {  	s28 =	simm.s32 $_size_execute0_lowered;
	s2 =	sadd.s32 s2, s4;
	[dreg:$0x0] =	wrdreg $0x0  }
0xa8: {  	s4 =	sshll.u32 s28, $0x1;
	[dreg:$0x2] =	wrdreg s2  }
0xa9: {  	[dreg:$0x3] =	wrdreg s4  }
0xaa: {  	[dreg:$0x4] =	wrdreg $0xC0  }
0xab: {  	_ =	task [dreg:s6], $0x5FFFF  }
0xac: {  	[dreg:$0x1] =	wrdreg $0xFFFFFFFF  }
0xad: {  	[dreg:$0x0] =	wrdreg $0x60  }
0xae: {  	[dreg:$0x2] =	wrdreg s24  }
0xaf: {  	[dreg:$0x3] =	wrdreg $0x9  }
0xb0: {  	_ =	task.clear_ibuf [dreg:s6], $0x4FFFF;
	_ =	strace $0x90000046  }
0xb1: {  	s29 =	simm.s32 $0x9;
	_ =	strace $0x80000048  }
0xb2: {  	_ =	swait.ge [sflag:s29], $0x1  }
0xb3: {  	[sflag:s29] =	ssyncadd.s32 $0xFFFFFFFF  }
0xb4: {  	_ =	strace $0x90000048  }
0xb5: {  	_ =	sfence  }
0xb6: {  	s30 =	sld [smem:$0x0];
	_ =	sdelay $0x2  }
0xb7: {  	s31 =	sshll.u32 s1, $0xD;
	s1 =	sshrl.u32 s1, $0x2  }
0xb8: {  	s3 =	sand.u32 $0x4000, s31;
	s1 =	sadd.s32 s1, s30  }
0xb9: {  	s0 =	sor.u32 s3, s0;
	s1 =	sshll.u32 s1, $0x11  }
0xba: {  	s0 =	sor.u32 s1, s0  }
0xbb: {  	s0 =	sadd.s32 $0x8F2B, s0  }
0xbc: {  	[sflag:s0] =	ssyncadd.remote.s32 $0x1  }
0xbd: {  	_ =	sfence.sel $0xFFFF  }
0xbe: {  	[dreg:$0x0] =	wrdreg $0xFFFFFFFF;
	(pc) =	sbr.abs _section_cstart, $3  }
0xbf: {  	[dreg:$0x1] =	wrdreg $0xFFFFFFFF  }
0xc0: {  	_ =	task.clear_ibuf [dreg:s6], $0x2FFFF;
	_ =	strace $0x9FFFFFFF  }
0xc1: {  	(tm) =	ssettm $0x7FFFFFFF  }
tec
execute0_lowered:
.L_overlay_start_1:
0x0: {  	(tag) =	ssettag $0x1  }
0x1: {  	s8 =	rddreg [dreg:$0x0]  }
0x2: {  	s0 =	rddreg [dreg:$0x1];
	s1 =	simm.s32 $0x0;
	s3 =	srdreg.scid  }
0x3: {  	s13 =	simm.s32 $0x400;
	s14 =	simm.s32 $0x2400;
	s15 =	simm.s32 $0x1  }
0x4: {  	s16 =	simm.s32 $0x2;
	s17 =	simm.s32 $0x0;
	[smem:$0x7FF] =	sst s1  }
0x5: {  	s2 =	sadd.s32 $0x27B0600, s8;
	s4 =	sadd.s32 $0x4200, s8;
	s5 =	sadd.s32 $0x60800, s8  }
0x6: {  	s9 =	sand.u32 $0x1, s3;
	s6 =	sadd.s32 $0x53800, s8;
	s3 =	stileid.u32  }
0x7: {  	s7 =	sadd.s32 $0x6D800, s8;
	s8 =	sadd.s32 $0x13D800, s8;
	s10 =	ssub.s32 $0x2, s9  }
0x8: {  	_ =	strace $0x80000047;
	s12 =	sshll.u32 s3, $0x1;
	s11 =	sshrl.u32 s10, $0x1  }
0x9: {  	s9 =	sor.u32 s9, s12;
	s12 =	simm.s32 $0x200;
	s10 =	ssub.s32 s10, s11  }
0xa: {  	s9 =	smul.u32 $0x3400, s9;
	s11 =	simm.s32 $0x3;
	s10 =	smax.u32 s10, $0x1  }
.LBB2_1:
0xb: {  	s18 =	simm.s32 $0x0  }
.LBB2_2:
0xc: {  	s19 =	sshll.u32 s18, $0x9  }
0xd: {  	s20 =	sadd.s32 s9, s19  }
0xe: {  	s19 =	sshrl.u32 s20, $0x3  }
0xf: {  	s22 =	simm.s32 $0x0;
	s21 =	sadd.s32 s5, s19  }
0x10: {  	[tilespmem:s22], [sflag:$0x3] =	stream.linear.gather [hbm4b:s21+s22], $0x200, $0x38;
	[tilespmem:$0x2600] =	vst v63  }
0x11: {  	_ =	swait.ge [sflag:s11], $0x200  }
0x12: {  	[sflag:s11] =	ssyncset.done $0x0  }
0x13: {  	s31 =	sadd.s32 s6, s19;
	[sflag:s11] =	ssyncadd.s32 $0xFFFFFE00  }
0x14: {  	[tilespmem:s12], [sflag:$0x3] =	stream.linear.gather [hbm4b:s31+s22], $0x200, $0x38;
	[tilespmem:$0x2600] =	vst v63  }
0x15: {  	_ =	swait.ge [sflag:s11], $0x200  }
0x16: {  	[sflag:s11] =	ssyncset.done $0x0  }
0x17: {  	[sflag:s11] =	ssyncadd.s32 $0xFFFFFE00  }
0x18: {  	[tilespmem:s13], [sflag:$0x1] =	stream.indirect.gather [hbm4b:s2+s12], $0x10, s22, s12, $0xb8;
	[tilespmem:$0x2600] =	vst v63  }
0x19: {  	_ = 	snop  }
0x1a: {  	[tilespmem:s14], [sflag:$0x2] =	stream.indirect.gather [hbm4b:s4+s12], $0x1, s22, s12, $0xb8;
	[tilespmem:$0x2600] =	vst v63  }
0x1b: {  	_ =	swait.ge [sflag:s15], $0x2000  }
0x1c: {  	[sflag:s15] =	ssyncset.done $0x0  }
0x1d: {  	[sflag:s15] =	ssyncadd.s32 $0xFFFFE000  }
0x1e: {  	_ =	swait.ge [sflag:s16], $0x200  }
0x1f: {  	[sflag:s16] =	ssyncset.done $0x0  }
0x20: {  	s21 =	simm.s32 $0x480;
	[sflag:s16] =	ssyncadd.s32 $0xFFFFFE00  }
0x21: {  	s24 =	simm.s32 $0x0;
	s23 =	simm.s32 $0x40;
	s22 =	simm.s32 $0x480;
	v0 =	vld [tilespmem:s21+$0xFFFFFFB0]  }
.LBB2_3:
0x22: {  	p0 =	sne.s32 s23, $0x7C0;
	v1 =	vld [tilespmem:s24+$0x200]  }
0x23: {  	v2 =	vld [tilespmem:s21+$0xFFFFFF90]  }
0x24: {  	v3 =	vld [tilespmem:s21+$0xFFFFFF80]  }
0x25: {  	v4 =	vld [tilespmem:s21+$0xFFFFFFA0]  }
0x26: {  	v5 =	vld [tilespmem:s21+$0xFFFFFFF0]  }
0x27: {  	v6 =	vbroadcast v1, $0x0;
	v7 =	vbroadcast v1, $0x1;
	v8 =	vld [tilespmem:s21+$0xFFFFFFD0]  }
0x28: {  	v9 =	vbroadcast v1, $0x2;
	v10 =	vbroadcast v1, $0x3;
	v11 =	vld [tilespmem:s21+$0xFFFFFFC0]  }
0x29: {  	v3 =	vmul.f32 v6, v3;
	v2 =	vmul.f32 v2, v7;
	v6 =	vld [tilespmem:s21+$0xFFFFFFE0]  }
0x2a: {  	v0 =	vmul.f32 v0, v10;
	v4 =	vmul.f32 v4, v9;
	v7 =	vld [tilespmem:s21+$0x30]  }
0x2b: {  	v9 =	vbroadcast v1, $0x5;
	[tilespmem:s21+$0xFFFFFF80] =	vst v3;
	v3 =	vbroadcast v1, $0x4;
	v10 =	vld [tilespmem:s21+$0x10]  }
0x2c: {  	v12 =	vbroadcast v1, $0x7;
	[tilespmem:s21+$0xFFFFFF90] =	vst v2;
	v2 =	vbroadcast v1, $0x6;
	v13 =	vld [tilespmem:s21+$0x0]  }
0x2d: {  	[tilespmem:s21+$0xFFFFFFA0] =	vst v4;
	v3 =	vmul.f32 v11, v3;
	v4 =	vmul.f32 v8, v9;
	v8 =	vld [tilespmem:s21+$0x20]  }
0x2e: {  	[tilespmem:s21+$0xFFFFFFB0] =	vst v0;
	v0 =	vmul.f32 v6, v2;
	v2 =	vmul.f32 v5, v12;
	v5 =	vld [tilespmem:s21+$0x70]  }
0x2f: {  	v6 =	vbroadcast v1, $0x9;
	[tilespmem:s21+$0xFFFFFFC0] =	vst v3;
	v3 =	vbroadcast v1, $0x8;
	v9 =	vld [tilespmem:s21+$0x50]  }
0x30: {  	v11 =	vbroadcast v1, $0xB;
	[tilespmem:s21+$0xFFFFFFD0] =	vst v4;
	v4 =	vbroadcast v1, $0xA;
	v12 =	vld [tilespmem:s21+$0x40]  }
0x31: {  	[tilespmem:s21+$0xFFFFFFE0] =	vst v0;
	v0 =	vmul.f32 v13, v3;
	v3 =	vmul.f32 v10, v6;
	v6 =	vld [tilespmem:s21+$0x60]  }
0x32: {  	[tilespmem:s21+$0xFFFFFFF0] =	vst v2;
	v2 =	vmul.f32 v8, v4;
	v4 =	vmul.f32 v7, v11  }
0x33: {  	v7 =	vbroadcast v1, $0xD;
	[tilespmem:s21+$0x0] =	vst v0;
	v0 =	vbroadcast v1, $0xC  }
0x34: {  	[tilespmem:s21+$0x10] =	vst v3;
	v3 =	vbroadcast v1, $0xE;
	v1 =	vbroadcast v1, $0xF  }
0x35: {  	[tilespmem:s21+$0x20] =	vst v2;
	v0 =	vmul.f32 v12, v0;
	v2 =	vmul.f32 v9, v7  }
.Ltmp0:
0x36: {  	[tilespmem:s21+$0x30] =	vst v4;
	v3 =	vmul.f32 v6, v3;
	v1 =	vmul.f32 v5, v1;
	(pc) =	sbr.rel @p0 .LBB2_3-.Ltmp0, $4  }
0x37: {  	[tilespmem:s21+$0x40] =	vst v0  }
0x38: {  	[tilespmem:s21+$0x50] =	vst v2  }
0x39: {  	s21 =	sadd.s32 $0x100, s21;
	[tilespmem:s22+$0x60] =	vst v3  }
0x3a: {  	s24 =	sshra.s32 s23, $0x2;
	s23 =	sadd.s32 $0x40, s23;
	v0 =	vld [tilespmem:s21+$0xFFFFFFB0];
	[tilespmem:s22+$0x70] =	vst v1;
	s22 =	smov.u32 s21  }
0x3b: {  	v1 =	vld [tilespmem:s24+$0x200];
	_ =	sdelay $0x1  }
0x3c: {  	v2 =	vld [tilespmem:s21+$0xFFFFFF80]  }
0x3d: {  	v3 =	vld [tilespmem:s21+$0xFFFFFF90]  }
0x3e: {  	v4 =	vld [tilespmem:s21+$0xFFFFFFA0]  }
0x3f: {  	v5 =	vbroadcast v1, $0x0  }
0x40: {  	v7 =	vld [tilespmem:s21+$0xFFFFFFC0];
	v6 =	vbroadcast v1, $0x1  }
0x41: {  	v8 =	vld [tilespmem:s21+$0xFFFFFFD0];
	v9 =	vbroadcast v1, $0x2;
	v2 =	vmul.f32 v5, v2  }
0x42: {  	v51 =	vld [tilespmem:s21+$0xFFFFFFE0];
	v50 =	vbroadcast v1, $0x3;
	v3 =	vmul.f32 v3, v6  }
0x43: {  	v53 =	vld [tilespmem:s21+$0x10];
	v4 =	vmul.f32 v4, v9;
	[tilespmem:s21+$0xFFFFFF80] =	vst v2;
	v2 =	vbroadcast v1, $0x4  }
0x44: {  	v52 =	vbroadcast v1, $0x5;
	v0 =	vmul.f32 v0, v50;
	[tilespmem:s21+$0xFFFFFF90] =	vst v3;
	v3 =	vld [tilespmem:s21+$0x0]  }
0x45: {  	v10 =	vld [tilespmem:s21+$0xFFFFFFF0];
	v11 =	vbroadcast v1, $0x6;
	[tilespmem:s21+$0xFFFFFFA0] =	vst v4;
	v2 =	vmul.f32 v7, v2  }
0x46: {  	v55 =	vld [tilespmem:s21+$0x20];
	v56 =	vbroadcast v1, $0x9;
	v5 =	vmul.f32 v8, v52;
	[tilespmem:s21+$0xFFFFFFB0] =	vst v0  }
0x47: {  	v6 =	vmul.f32 v51, v11;
	v0 =	vld [tilespmem:s21+$0x30];
	[tilespmem:s21+$0xFFFFFFC0] =	vst v2;
	v2 =	vbroadcast v1, $0x8  }
0x48: {  	v57 =	vld [tilespmem:s21+$0x40];
	v54 =	vbroadcast v1, $0x7;
	v60 =	vmul.f32 v53, v56;
	[tilespmem:s21+$0xFFFFFFD0] =	vst v5  }
0x49: {  	v58 =	vld [tilespmem:s21+$0x50];
	v59 =	vbroadcast v1, $0xA;
	[tilespmem:s21+$0xFFFFFFE0] =	vst v6;
	v2 =	vmul.f32 v3, v2  }
0x4a: {  	v61 =	vld [tilespmem:s21+$0x60];
	v4 =	vmul.f32 v10, v54;
	[tilespmem:s21+$0x10] =	vst v60;
	v3 =	vbroadcast v1, $0xB  }
0x4b: {  	v62 =	vld [tilespmem:s21+$0x70];
	v7 =	vmul.f32 v55, v59;
	[tilespmem:s21+$0x0] =	vst v2;
	v2 =	vbroadcast v1, $0xC  }
0x4c: {  	[tilespmem:s21+$0xFFFFFFF0] =	vst v4;
	v0 =	vmul.f32 v0, v3;
	v3 =	vbroadcast v1, $0xD  }
0x4d: {  	v63 =	vbroadcast v1, $0xE;
	[tilespmem:s21+$0x20] =	vst v7;
	v2 =	vmul.f32 v57, v2  }
0x4e: {  	v1 =	vbroadcast v1, $0xF;
	v3 =	vmul.f32 v58, v3;
	[tilespmem:s21+$0x30] =	vst v0  }
0x4f: {  	v0 =	vmul.f32 v61, v63;
	[tilespmem:s21+$0x40] =	vst v2  }
0x50: {  	v1 =	vmul.f32 v62, v1;
	[tilespmem:s21+$0x50] =	vst v3  }
0x51: {  	[tilespmem:s22+$0x60] =	vst v0  }
0x52: {  	s21 =	simm.s32 $0x0;
	[tilespmem:s22+$0x70] =	vst v1  }
0x53: {  	s22 =	simm.s32 $0x40;
	v0 =	vld [tilespmem:s21+$0x200]  }
.LBB2_5:
0x54: {  	p0 =	sne.s32 s22, $0x7C0;
	v1 =	vld [tilespmem:s21+$0x2400];
	_ =	sdelay $0x2  }
.Ltmp1:
0x55: {  	(pc) =	sbr.rel @p0 .LBB2_5-.Ltmp1, $4  }
0x56: {  	_ = 	snop  }
0x57: {  	v1 =	vmul.f32 v0, v1  }
0x58: {  	s23 =	sshra.s32 s22, $0x2  }
0x59: {  	s22 =	sadd.s32 $0x40, s22;
	v0 =	vld [tilespmem:s23+$0x200];
	[tilespmem:s21+$0x2400] =	vst v1;
	s21 =	smov.u32 s23  }
0x5a: {  	v1 =	vld [tilespmem:s21+$0x2400];
	_ =	sdelay $0x4  }
0x5b: {  	v0 =	vmul.f32 v0, v1  }
0x5c: {  	s20 =	sshll.u32 s20, $0x1  }
0x5d: {  	s20 =	sadd.s32 s7, s20;
	[tilespmem:s21+$0x2400] =	vst v0  }
0x5e: {  	[hbm4b:s20+s1] =	stream.linear.scatter [tilespmem:s13], [sflag:$0x3], $0x2000, $0x38;
	[tilespmem:$0x2600] =	vst v63  }
0x5f: {  	s18 =	sadd.s32 $0x1, s18;
	_ =	swait.ge [sflag:s11], $0x2000  }
0x60: {  	p0 =	sne.s32 s18, $0x1A;
	[sflag:s11] =	ssyncset.done $0x0  }
.Ltmp2:
0x61: {  	s19 =	sadd.s32 s8, s19;
	[sflag:s11] =	ssyncadd.s32 $0xFFFFE000;
	(pc) =	sbr.rel @p0 .LBB2_2-.Ltmp2, $4  }
0x62: {  	[hbm4b:s19+s1] =	stream.linear.scatter [tilespmem:s14], [sflag:$0x3], $0x200, $0x38;
	[tilespmem:$0x2600] =	vst v63  }
0x63: {  	_ =	swait.ge [sflag:s11], $0x200  }
0x64: {  	[sflag:s11] =	ssyncset.done $0x0  }
0x65: {  	[sflag:s11] =	ssyncadd.s32 $0xFFFFFE00  }
0x66: {  	s17 =	sadd.s32 $0x1, s17  }
0x67: {  	p0 =	sne.s32 s17, s10  }
.Ltmp3:
0x68: {  	_ = 	snop;
	(pc) =	sbr.rel @p0 .LBB2_1-.Ltmp3, $1  }
0x69: {  	_ =	sdelay $0x3  }
0x6a: {  	_ =	sfence.sel $0x180000  }
0x6b: {  	[bflag:$0x0] =	sbarrier.arrive $0xFFFF  }
0x6c: {  	p0 =	sne.s32 s3, $0x0;
	_ =	strace $0x90000047  }
0x6d: {  	s0 =	sadd.s32 @!p0 $0x100000, s0;
	[bflag:$0x2] =	sbarrier.arrive $0xFFFF  }
0x6e: {  	[sflag:s0] =	ssyncadd.tile.s32 @!p0 $0x1;
	_ =	shalt  }
.Lfunc_end2:
_tile_overlayer_lowered:
.L_overlay_start_2:
0x6f: {  	(tag) =	ssettag $0x2  }
0x70: {  	s0 =	rddreg [dreg:$0x0];
	s2 =	stileid.u32  }
0x71: {  	s1 =	rddreg [dreg:$0x1];
	p0 =	sne.s32 s2, $0x0  }
0x72: {  	s3 =	rddreg [dreg:$0x2];
	[bflag:$0x3] =	sbarrier.arrive $0xFFFF;
	s2 =	simm.s32 @!p0 $0x1C03  }
0x73: {  	[timem:s3], [sflag:s2] =	dma.local @!p0 [hbm:s0], s1  }
0x74: {  	s0 =	simm.s32 @!p0 $0x3  }
0x75: {  	_ =	swait.ge @!p0 [sflag:s0], s1  }
0x76: {  	s1 =	ssub.s32 @!p0 $0x0, s1;
	[sflag:s0] =	ssyncset.done @!p0 $0x0  }
0x77: {  	[sflag:s0] =	ssyncadd.s32 @!p0 s1  }
0x78: {  	[bflag:$0x3] =	sbarrier.arrive $0xFFFF  }
0x79: {  	_ =	shalt  }

</sc_bundles>
